<compile_context>
chip_gen: v7x
topology: tpu7x:2x2x1
jax: 0.10.2.dev20260603
libtpu: 0.0.44.dev20260713+nightly
codegen_flags: <defaults>
</compile_context>

<pallas_src>
import functools

import jax
import jax.numpy as jnp
from jax import lax
from jax.experimental import pallas as pl
from jax.experimental.pallas import tpu as pltpu
from jax.experimental.pallas import tpu_sc as plsc

N = 10000
PN = 10240
E = 160000
D = 256
DH = 128
NC = 2
NS = 16
EPS = 10080
EP = EPS * NS
K = 96
CH = EPS // K
IB = 21
NB = CH // IB
K2 = 80
CH2 = EP // (NC * NS) // K2
GRP = 7
RPS = PN // NS


def _sc_agg_body(tbl, srcs, dsts, z128, s_out, src_v, dst_v, rows_v, acc,
                 sem0, sem1):
    c = lax.axis_index("c")
    s = lax.axis_index("s")

    pltpu.sync_copy(z128.at[pl.ds(s * RPS, RPS)], acc.at[pl.ds(s * RPS, RPS)])
    plsc.subcore_barrier()

    sems = (sem0, sem1)

    def _gather(i, b):
        pltpu.async_copy(tbl.at[src_v.at[i]], rows_v.at[b], sems[b])

    def _drain(i, b):
        pltpu.make_async_copy(tbl.at[src_v.at[i]], rows_v.at[b],
                              sems[b]).wait()

    def _scatter(i, b):
        pltpu.sync_copy(rows_v.at[b], acc.at[dst_v.at[i]], add=True)

    def _block(bi, carry):
        pltpu.sync_copy(srcs.at[c * NS + s, bi], src_v)
        pltpu.sync_copy(dsts.at[s, bi], dst_v)
        _gather(0, 0)

        def _pair(j, carry):
            i0 = 2 * j
            _gather(i0 + 1, 1)
            _drain(i0, 0)
            _scatter(i0, 0)

            @pl.when(i0 + 2 < IB)
            def _():
                _gather(i0 + 2, 0)
            _drain(i0 + 1, 1)
            _scatter(i0 + 1, 1)
            return carry
        lax.fori_loop(0, (IB - 1) // 2, _pair, 0)
        _drain(IB - 1, 0)
        _scatter(IB - 1, 0)
        return carry
    lax.fori_loop(0, NB, _block, 0)
    plsc.subcore_barrier()

    pltpu.sync_copy(acc.at[pl.ds(s * RPS, RPS)],
                    s_out.at[pl.ds(c * PN + s * RPS, RPS)])


def _sc_cnt_body(dsts, ones, z128, cnt_out, dst_v, ones_v, cnt_acc, semc):
    c = lax.axis_index("c")
    s = lax.axis_index("s")

    pltpu.sync_copy(z128.at[pl.ds(s * RPS, RPS)],
                    cnt_acc.at[pl.ds(s * RPS, RPS)])
    pltpu.sync_copy(dsts.at[c * NS + s], dst_v)
    pltpu.sync_copy(ones, ones_v)
    plsc.subcore_barrier()

    def _grp(g, carry):
        for b in range(GRP):
            pltpu.async_copy(ones_v, cnt_acc.at[dst_v.at[GRP * g + b]],
                             semc, add=True)
        for b in range(GRP):
            pltpu.make_async_copy(ones_v, cnt_acc.at[dst_v.at[GRP * g + b]],
                                  semc).wait()
        return carry
    lax.fori_loop(0, CH2 // GRP, _grp, 0)
    plsc.subcore_barrier()

    pltpu.sync_copy(cnt_acc.at[pl.ds(s * RPS, RPS)],
                    cnt_out.at[pl.ds(c * PN + s * RPS, RPS)])


@functools.cache
def _sc_kernels():
    mesh = plsc.VectorSubcoreMesh(core_axis_name="c", subcore_axis_name="s",
                                  num_cores=NC, num_subcores=NS)
    agg = pl.kernel(
        _sc_agg_body,
        out_type=[jax.ShapeDtypeStruct((NC * PN, DH), jnp.float32)],
        mesh=mesh,
        scratch_types=[
            pltpu.VMEM((IB, K), jnp.int32),
            pltpu.VMEM((IB, K), jnp.int32),
            pltpu.VMEM((2, K, DH), jnp.float32),
            pltpu.VMEM_SHARED((PN, DH), jnp.float32),
            pltpu.SemaphoreType.DMA,
            pltpu.SemaphoreType.DMA,
        ],
    )
    cnt = pl.kernel(
        _sc_cnt_body,
        out_type=[jax.ShapeDtypeStruct((NC * PN, DH), jnp.float32)],
        mesh=mesh,
        scratch_types=[
            pltpu.VMEM((CH2, K2), jnp.int32),
            pltpu.VMEM((K2, DH), jnp.float32),
            pltpu.VMEM_SHARED((PN, DH), jnp.float32),
            pltpu.SemaphoreType.DMA,
        ],
    )
    return agg, cnt


def _tc1_body(s_ref, cnt_ref, x_ref, wl_ref, bl_ref, wr_ref, h_ref):
    agg = jnp.concatenate([s_ref[0], s_ref[1]], axis=1)
    deg = cnt_ref[0, :, 0:1] + cnt_ref[1, :, 0:1]
    inv = 1.0 / jnp.maximum(deg, 1.0)
    h = jnp.dot(agg, wl_ref[...], preferred_element_type=jnp.float32) * inv
    h = h + bl_ref[...] + jnp.dot(x_ref[...], wr_ref[...],
                                  preferred_element_type=jnp.float32)
    h = jnp.maximum(h, 0.0)
    h_ref[0] = h[:, :DH]
    h_ref[1] = h[:, DH:]


def _tc2_body(s_ref, cnt_ref, h_ref, wl_ref, bl_ref, wr_ref, wo_ref, bo_ref,
              o_ref):
    agg = jnp.concatenate([s_ref[0], s_ref[1]], axis=1)
    hin = jnp.concatenate([h_ref[0], h_ref[1]], axis=1)
    deg = cnt_ref[0, :, 0:1] + cnt_ref[1, :, 0:1]
    inv = 1.0 / jnp.maximum(deg, 1.0)
    t = jnp.dot(agg, wl_ref[...], preferred_element_type=jnp.float32) * inv
    t = t + bl_ref[...] + jnp.dot(hin, wr_ref[...],
                                  preferred_element_type=jnp.float32)
    t = jnp.maximum(t, 0.0)
    o_ref[...] = jnp.dot(t, wo_ref[...],
                         preferred_element_type=jnp.float32) + bo_ref[...]


_B = 1000
_G = N // _B

_spec_S = pl.BlockSpec((NC, _B, DH), lambda i: (0, i, 0))
_spec_cnt = pl.BlockSpec((NC, _B, DH), lambda i: (0, i, 0))
_spec_rows = pl.BlockSpec((_B, D), lambda i: (i, 0))
_spec_W = pl.BlockSpec((D, D), lambda i: (0, 0))
_spec_b = pl.BlockSpec((1, D), lambda i: (0, 0))

_tc1 = pl.pallas_call(
    _tc1_body,
    grid=(_G,),
    in_specs=[_spec_S, _spec_cnt, _spec_rows, _spec_W, _spec_b, _spec_W],
    out_specs=_spec_S,
    out_shape=jax.ShapeDtypeStruct((NC, PN, DH), jnp.float32),
)

_tc2 = pl.pallas_call(
    _tc2_body,
    grid=(_G,),
    in_specs=[_spec_S, _spec_cnt, _spec_S, _spec_W, _spec_b, _spec_W,
              _spec_W, _spec_b],
    out_specs=_spec_rows,
    out_shape=jax.ShapeDtypeStruct((N, D), jnp.float32),
)


def kernel(x, edge_index, Wl1, bl1, Wr1, Wl2, bl2, Wr2, Wo, bo):
    src = edge_index[0].astype(jnp.int32)
    dst = edge_index[1].astype(jnp.int32)
    pad = EP - E
    srcp = jnp.concatenate([src, jnp.zeros((pad,), jnp.int32)])
    dstp = jnp.concatenate([dst, jnp.full((pad,), PN - 1, jnp.int32)])
    srcs = jnp.stack([srcp, srcp + PN]).reshape(NC * NS, NB, IB, K)
    dsts = dstp.reshape(NS, NB, IB, K)
    dsts2 = dstp.reshape(NC * NS, CH2, K2)
    z128 = jnp.zeros((PN, DH), jnp.float32)
    ones = jnp.ones((K2, DH), jnp.float32)

    zrow = jnp.zeros((PN - N, DH), jnp.float32)
    xs = jnp.concatenate([x[:, :DH], zrow, x[:, DH:], zrow])
    agg_fn, cnt_fn = _sc_kernels()
    (cnt,) = cnt_fn(dsts2, ones, z128)
    z128dep = z128 + cnt[0, 0] * 0.0
    (s1,) = agg_fn(xs, srcs, dsts, z128dep)
    hs = _tc1(s1.reshape(NC, PN, DH), cnt.reshape(NC, PN, DH), x, Wl1,
              bl1.reshape(1, D), Wr1)
    (s2,) = agg_fn(hs.reshape(NC * PN, DH), srcs, dsts, z128)
    out = _tc2(s2.reshape(NC, PN, DH), cnt.reshape(NC, PN, DH), hs, Wl2,
               bl2.reshape(1, D), Wr2, Wo, bo.reshape(1, D))
    return out

# --- scband reference (transcript-rebuilt; emitter-appended) ---
"""Pipeline reference for scband-graph-sage-80513456931044 (READ-ONLY COPY).

The authoritative reference and input builder live on the scoring server;
editing this copy changes nothing except your own understanding.
"""

import jax, jax.numpy as jnp
import numpy as np

N = 10000
E = 160000
D_IN = 256
D_HID = 256
D_OUT = 256


def setup_inputs(seed: int = 0) -> dict:
    key = jax.random.key(seed)
    ks = jax.random.split(key, 12)
    x = jax.random.normal(ks[0], (N, D_IN), dtype=jnp.float32)
    edge_index = jax.random.randint(ks[1], (2, E), 0, N, dtype=jnp.int64)

    def lin_init(k, fan_in, fan_out):
        bound = 1.0 / np.sqrt(fan_in)
        return jax.random.uniform(k, (fan_in, fan_out), minval=-bound, maxval=bound, dtype=jnp.float32)

    # SAGEConv 1: lin_l (applied to aggregated neighbors, has bias), lin_r (root, no bias)
    Wl1 = lin_init(ks[2], D_IN, D_HID)
    bl1 = jax.random.uniform(ks[3], (D_HID,), minval=-1.0 / np.sqrt(D_IN), maxval=1.0 / np.sqrt(D_IN), dtype=jnp.float32)
    Wr1 = lin_init(ks[4], D_IN, D_HID)
    # SAGEConv 2
    Wl2 = lin_init(ks[5], D_HID, D_HID)
    bl2 = jax.random.uniform(ks[6], (D_HID,), minval=-1.0 / np.sqrt(D_HID), maxval=1.0 / np.sqrt(D_HID), dtype=jnp.float32)
    Wr2 = lin_init(ks[7], D_HID, D_HID)
    # Final linear
    Wo = lin_init(ks[8], D_HID, D_OUT)
    bo = jax.random.uniform(ks[9], (D_OUT,), minval=-1.0 / np.sqrt(D_HID), maxval=1.0 / np.sqrt(D_HID), dtype=jnp.float32)
    return {"x": x, "edge_index": edge_index, "Wl1": Wl1, "bl1": bl1, "Wr1": Wr1,
            "Wl2": Wl2, "bl2": bl2, "Wr2": Wr2, "Wo": Wo, "bo": bo}


def _sage_conv(x, edge_index, Wl, bl, Wr):
    src = edge_index[0]
    dst = edge_index[1]
    msgs = jnp.take(x, src, axis=0)  # gather source node features
    summed = jax.ops.segment_sum(msgs, dst, num_segments=x.shape[0])
    cnt = jax.ops.segment_sum(jnp.ones((edge_index.shape[1],), dtype=x.dtype), dst, num_segments=x.shape[0])
    agg = summed / jnp.clip(cnt, 1.0, None)[:, None]  # mean aggregation
    return agg @ Wl + bl + x @ Wr


def reference(x, edge_index, Wl1, bl1, Wr1, Wl2, bl2, Wr2, Wo, bo):
    # eval mode: dropout is identity
    h = _sage_conv(x, edge_index, Wl1, bl1, Wr1)
    h = jax.nn.relu(h)
    h = _sage_conv(h, edge_index, Wl2, bl2, Wr2)
    h = jax.nn.relu(h)
    out = h @ Wo + bo
    return out

if __name__ == "__main__":
    import jax
    _d = setup_inputs()
    print(jax.jit(kernel)(*tuple(_d.values())))

</pallas_src>

<mosaic_0001>
#map = affine_map<(d0, d1) -> (0, 0, 0)>
#map1 = affine_map<(d0, d1) -> (0, 0)>
module attributes {stable_mosaic.version = 14 : i64} {
  func.func @_sc_cnt_body(%arg0: i32, %arg1: i32, %arg2: memref<32x63x80xi32, #tpu.memory_space<hbm>>, %arg3: memref<80x128xf32, #tpu.memory_space<hbm>>, %arg4: memref<10240x128xf32, #tpu.memory_space<hbm>>, %arg5: memref<20480x128xf32, #tpu.memory_space<hbm>>, %arg6: memref<63x80xi32, #tpu.memory_space<vmem>>, %arg7: memref<80x128xf32, #tpu.memory_space<vmem>>, %arg8: memref<10240x128xf32, #tpu.memory_space<vmem_shared>>, %arg9: memref<!tpu.dma_semaphore, #tpu.memory_space<semaphore_mem>>) attributes {dimension_semantics = [#tpu.dimension_semantics<core_parallel>, #tpu.dimension_semantics<subcore_parallel>], iteration_bounds = array<i64: 2, 16>, scalar_prefetch = 0 : i64, scratch_operands = 4 : i64, tpu.core_type = #tpu.core_type<sc_vector_subcore>, window_params = [{transform_indices = #map}, {transform_indices = #map1}, {transform_indices = #map1}, {transform_indices = #map1}]} {
    %mul3A = arith.constant 640 : i32
    %mul3A_0 = arith.muli %arg1, %mul3A : i32
    %mul3A_1 = arith.constant 640 : i32
    %mul3A_2 = arith.muli %arg1, %mul3A_1 : i32
    "tpu.region"() ({
      %run_scoped3A = tpu.sem_alloc : memref<!tpu.dma_semaphore, #tpu.memory_space<semaphore_mem>>
      %dma_start3A = arith.constant 0 : i32
      %dma_start3A_18 = tpu.memref_slice %arg8[%mul3A_2, %dma_start3A] : memref<10240x128xf32, #tpu.memory_space<vmem_shared>> -> memref<640x128xf32, #tpu.memory_space<vmem_shared>>
      %dma_start3A_19 = arith.constant 0 : i32
      %dma_start3A_20 = tpu.memref_slice %arg4[%mul3A_0, %dma_start3A_19] : memref<10240x128xf32, #tpu.memory_space<hbm>> -> memref<640x128xf32, #tpu.memory_space<hbm>>
      tpu.enqueue_dma source(%dma_start3A_20 : memref<640x128xf32, #tpu.memory_space<hbm>>) target(%dma_start3A_18 : memref<640x128xf32, #tpu.memory_space<vmem_shared>>) target_semaphore(%run_scoped3A : memref<!tpu.dma_semaphore, #tpu.memory_space<semaphore_mem>>)
      %dma_wait3A = arith.constant 0 : i32
      %dma_wait3A_21 = tpu.memref_slice %arg8[%mul3A_2, %dma_wait3A] : memref<10240x128xf32, #tpu.memory_space<vmem_shared>> -> memref<640x128xf32, #tpu.memory_space<vmem_shared>>
      %dma_wait3A_22 = arith.constant 0 : i32
      %dma_wait3A_23 = tpu.memref_slice %arg4[%mul3A_0, %dma_wait3A_22] : memref<10240x128xf32, #tpu.memory_space<hbm>> -> memref<640x128xf32, #tpu.memory_space<hbm>>
      tpu.wait_dma2 semaphore(%run_scoped3A : memref<!tpu.dma_semaphore, #tpu.memory_space<semaphore_mem>>) src(%dma_wait3A_23 : memref<640x128xf32, #tpu.memory_space<hbm>>) dst(%dma_wait3A_21 : memref<640x128xf32, #tpu.memory_space<vmem_shared>>)
      tpu.yield
    }) : () -> ()
    %mul3A_3 = arith.constant 16 : i32
    %mul3A_4 = arith.muli %arg0, %mul3A_3 : i32
    %add3A = arith.addi %mul3A_4, %arg1 : i32
    "tpu.region"() ({
      %run_scoped3A = tpu.sem_alloc : memref<!tpu.dma_semaphore, #tpu.memory_space<semaphore_mem>>
      %dma_start3A = arith.constant 0 : i32
      %dma_start3A_18 = arith.constant 0 : i32
      %dma_start3A_19 = tpu.memref_slice %arg2[%add3A, %dma_start3A, %dma_start3A_18] : memref<32x63x80xi32, #tpu.memory_space<hbm>> -> memref<1x63x80xi32, #tpu.memory_space<hbm>>
      %dma_start3A_20 = tpu.memref_squeeze %dma_start3A_19 : memref<1x63x80xi32, #tpu.memory_space<hbm>> -> memref<63x80xi32, #tpu.memory_space<hbm>>
      %dma_start3A_21 = arith.constant 0 : i32
      %dma_start3A_22 = arith.constant 0 : i32
      %dma_start3A_23 = tpu.memref_slice %arg2[%add3A, %dma_start3A_21, %dma_start3A_22] : memref<32x63x80xi32, #tpu.memory_space<hbm>> -> memref<1x63x80xi32, #tpu.memory_space<hbm>>
      %dma_start3A_24 = tpu.memref_squeeze %dma_start3A_23 : memref<1x63x80xi32, #tpu.memory_space<hbm>> -> memref<63x80xi32, #tpu.memory_space<hbm>>
      tpu.enqueue_dma source(%dma_start3A_24 : memref<63x80xi32, #tpu.memory_space<hbm>>) target(%arg6 : memref<63x80xi32, #tpu.memory_space<vmem>>) target_semaphore(%run_scoped3A : memref<!tpu.dma_semaphore, #tpu.memory_space<semaphore_mem>>)
      %dma_wait3A = arith.constant 0 : i32
      %dma_wait3A_25 = arith.constant 0 : i32
      %dma_wait3A_26 = tpu.memref_slice %arg2[%add3A, %dma_wait3A, %dma_wait3A_25] : memref<32x63x80xi32, #tpu.memory_space<hbm>> -> memref<1x63x80xi32, #tpu.memory_space<hbm>>
      %dma_wait3A_27 = tpu.memref_squeeze %dma_wait3A_26 : memref<1x63x80xi32, #tpu.memory_space<hbm>> -> memref<63x80xi32, #tpu.memory_space<hbm>>
      %dma_wait3A_28 = arith.constant 0 : i32
      %dma_wait3A_29 = arith.constant 0 : i32
      %dma_wait3A_30 = tpu.memref_slice %arg2[%add3A, %dma_wait3A_28, %dma_wait3A_29] : memref<32x63x80xi32, #tpu.memory_space<hbm>> -> memref<1x63x80xi32, #tpu.memory_space<hbm>>
      %dma_wait3A_31 = tpu.memref_squeeze %dma_wait3A_30 : memref<1x63x80xi32, #tpu.memory_space<hbm>> -> memref<63x80xi32, #tpu.memory_space<hbm>>
      tpu.wait_dma2 semaphore(%run_scoped3A : memref<!tpu.dma_semaphore, #tpu.memory_space<semaphore_mem>>) src(%dma_wait3A_31 : memref<63x80xi32, #tpu.memory_space<hbm>>) dst(%arg6 : memref<63x80xi32, #tpu.memory_space<vmem>>)
      tpu.yield
    }) : () -> ()
    "tpu.region"() ({
      %run_scoped3A = tpu.sem_alloc : memref<!tpu.dma_semaphore, #tpu.memory_space<semaphore_mem>>
      tpu.enqueue_dma source(%arg3 : memref<80x128xf32, #tpu.memory_space<hbm>>) target(%arg7 : memref<80x128xf32, #tpu.memory_space<vmem>>) target_semaphore(%run_scoped3A : memref<!tpu.dma_semaphore, #tpu.memory_space<semaphore_mem>>)
      tpu.wait_dma2 semaphore(%run_scoped3A : memref<!tpu.dma_semaphore, #tpu.memory_space<semaphore_mem>>) src(%arg3 : memref<80x128xf32, #tpu.memory_space<hbm>>) dst(%arg7 : memref<80x128xf32, #tpu.memory_space<vmem>>)
      tpu.yield
    }) : () -> ()
    %barrier3A = arith.constant 0 : index
    tpu.barrier barrier_id(%barrier3A)
    %scan3A = arith.constant 0 : i32
    %scan3A_5 = arith.constant 0 : i32
    %scan3A_6 = arith.constant 9 : i32
    %scan3A_7 = arith.addi %scan3A_5, %scan3A_6 : i32
    %scan3A_8 = arith.constant 1 : i32
    scf.for %scan3A_18 = %scan3A_5 to %scan3A_7 step %scan3A_8  : i32 {
      %mul3A_19 = arith.constant 7 : i32
      %mul3A_20 = arith.muli %mul3A_19, %scan3A_18 : i32
      %add3A_21 = arith.constant 0 : i32
      %add3A_22 = arith.addi %mul3A_20, %add3A_21 : i32
      %dma_start3A = arith.constant 0 : i32
      %dma_start3A_23 = tpu.memref_slice %arg6[%add3A_22, %dma_start3A] : memref<63x80xi32, #tpu.memory_space<vmem>> -> memref<1x80xi32, #tpu.memory_space<vmem>>
      %dma_start3A_24 = tpu.memref_squeeze %dma_start3A_23 : memref<1x80xi32, #tpu.memory_space<vmem>> -> memref<80xi32, #tpu.memory_space<vmem>>
      %dma_start3A_25 = arith.constant 0 : i32
      %dma_start3A_26 = arith.constant 0 : i32
      %dma_start3A_27 = tpu.memref_slice %arg8[%dma_start3A_25, %dma_start3A_26] : memref<10240x128xf32, #tpu.memory_space<vmem_shared>> -> memref<10240x128xf32, #tpu.memory_space<vmem_shared>>
      tpu.enqueue_indirect_dma source(%arg7 : memref<80x128xf32, #tpu.memory_space<vmem>>) target(%dma_start3A_27 : memref<10240x128xf32, #tpu.memory_space<vmem_shared>>) offsets(%dma_start3A_24 : memref<80xi32, #tpu.memory_space<vmem>>) semaphore(%arg9 : memref<!tpu.dma_semaphore, #tpu.memory_space<semaphore_mem>>) {add = true}
      %mul3A_28 = arith.constant 7 : i32
      %mul3A_29 = arith.muli %mul3A_28, %scan3A_18 : i32
      %add3A_30 = arith.constant 1 : i32
      %add3A_31 = arith.addi %mul3A_29, %add3A_30 : i32
      %dma_start3A_32 = arith.constant 0 : i32
      %dma_start3A_33 = tpu.memref_slice %arg6[%add3A_31, %dma_start3A_32] : memref<63x80xi32, #tpu.memory_space<vmem>> -> memref<1x80xi32, #tpu.memory_space<vmem>>
      %dma_start3A_34 = tpu.memref_squeeze %dma_start3A_33 : memref<1x80xi32, #tpu.memory_space<vmem>> -> memref<80xi32, #tpu.memory_space<vmem>>
      %dma_start3A_35 = arith.constant 0 : i32
      %dma_start3A_36 = arith.constant 0 : i32
      %dma_start3A_37 = tpu.memref_slice %arg8[%dma_start3A_35, %dma_start3A_36] : memref<10240x128xf32, #tpu.memory_space<vmem_shared>> -> memref<10240x128xf32, #tpu.memory_space<vmem_shared>>
      tpu.enqueue_indirect_dma source(%arg7 : memref<80x128xf32, #tpu.memory_space<vmem>>) target(%dma_start3A_37 : memref<10240x128xf32, #tpu.memory_space<vmem_shared>>) offsets(%dma_start3A_34 : memref<80xi32, #tpu.memory_space<vmem>>) semaphore(%arg9 : memref<!tpu.dma_semaphore, #tpu.memory_space<semaphore_mem>>) {add = true}
      %mul3A_38 = arith.constant 7 : i32
      %mul3A_39 = arith.muli %mul3A_38, %scan3A_18 : i32
      %add3A_40 = arith.constant 2 : i32
      %add3A_41 = arith.addi %mul3A_39, %add3A_40 : i32
      %dma_start3A_42 = arith.constant 0 : i32
      %dma_start3A_43 = tpu.memref_slice %arg6[%add3A_41, %dma_start3A_42] : memref<63x80xi32, #tpu.memory_space<vmem>> -> memref<1x80xi32, #tpu.memory_space<vmem>>
      %dma_start3A_44 = tpu.memref_squeeze %dma_start3A_43 : memref<1x80xi32, #tpu.memory_space<vmem>> -> memref<80xi32, #tpu.memory_space<vmem>>
      %dma_start3A_45 = arith.constant 0 : i32
      %dma_start3A_46 = arith.constant 0 : i32
      %dma_start3A_47 = tpu.memref_slice %arg8[%dma_start3A_45, %dma_start3A_46] : memref<10240x128xf32, #tpu.memory_space<vmem_shared>> -> memref<10240x128xf32, #tpu.memory_space<vmem_shared>>
      tpu.enqueue_indirect_dma source(%arg7 : memref<80x128xf32, #tpu.memory_space<vmem>>) target(%dma_start3A_47 : memref<10240x128xf32, #tpu.memory_space<vmem_shared>>) offsets(%dma_start3A_44 : memref<80xi32, #tpu.memory_space<vmem>>) semaphore(%arg9 : memref<!tpu.dma_semaphore, #tpu.memory_space<semaphore_mem>>) {add = true}
      %mul3A_48 = arith.constant 7 : i32
      %mul3A_49 = arith.muli %mul3A_48, %scan3A_18 : i32
      %add3A_50 = arith.constant 3 : i32
      %add3A_51 = arith.addi %mul3A_49, %add3A_50 : i32
      %dma_start3A_52 = arith.constant 0 : i32
      %dma_start3A_53 = tpu.memref_slice %arg6[%add3A_51, %dma_start3A_52] : memref<63x80xi32, #tpu.memory_space<vmem>> -> memref<1x80xi32, #tpu.memory_space<vmem>>
      %dma_start3A_54 = tpu.memref_squeeze %dma_start3A_53 : memref<1x80xi32, #tpu.memory_space<vmem>> -> memref<80xi32, #tpu.memory_space<vmem>>
      %dma_start3A_55 = arith.constant 0 : i32
      %dma_start3A_56 = arith.constant 0 : i32
      %dma_start3A_57 = tpu.memref_slice %arg8[%dma_start3A_55, %dma_start3A_56] : memref<10240x128xf32, #tpu.memory_space<vmem_shared>> -> memref<10240x128xf32, #tpu.memory_space<vmem_shared>>
      tpu.enqueue_indirect_dma source(%arg7 : memref<80x128xf32, #tpu.memory_space<vmem>>) target(%dma_start3A_57 : memref<10240x128xf32, #tpu.memory_space<vmem_shared>>) offsets(%dma_start3A_54 : memref<80xi32, #tpu.memory_space<vmem>>) semaphore(%arg9 : memref<!tpu.dma_semaphore, #tpu.memory_space<semaphore_mem>>) {add = true}
      %mul3A_58 = arith.constant 7 : i32
      %mul3A_59 = arith.muli %mul3A_58, %scan3A_18 : i32
      %add3A_60 = arith.constant 4 : i32
      %add3A_61 = arith.addi %mul3A_59, %add3A_60 : i32
      %dma_start3A_62 = arith.constant 0 : i32
      %dma_start3A_63 = tpu.memref_slice %arg6[%add3A_61, %dma_start3A_62] : memref<63x80xi32, #tpu.memory_space<vmem>> -> memref<1x80xi32, #tpu.memory_space<vmem>>
      %dma_start3A_64 = tpu.memref_squeeze %dma_start3A_63 : memref<1x80xi32, #tpu.memory_space<vmem>> -> memref<80xi32, #tpu.memory_space<vmem>>
      %dma_start3A_65 = arith.constant 0 : i32
      %dma_start3A_66 = arith.constant 0 : i32
      %dma_start3A_67 = tpu.memref_slice %arg8[%dma_start3A_65, %dma_start3A_66] : memref<10240x128xf32, #tpu.memory_space<vmem_shared>> -> memref<10240x128xf32, #tpu.memory_space<vmem_shared>>
      tpu.enqueue_indirect_dma source(%arg7 : memref<80x128xf32, #tpu.memory_space<vmem>>) target(%dma_start3A_67 : memref<10240x128xf32, #tpu.memory_space<vmem_shared>>) offsets(%dma_start3A_64 : memref<80xi32, #tpu.memory_space<vmem>>) semaphore(%arg9 : memref<!tpu.dma_semaphore, #tpu.memory_space<semaphore_mem>>) {add = true}
      %mul3A_68 = arith.constant 7 : i32
      %mul3A_69 = arith.muli %mul3A_68, %scan3A_18 : i32
      %add3A_70 = arith.constant 5 : i32
      %add3A_71 = arith.addi %mul3A_69, %add3A_70 : i32
      %dma_start3A_72 = arith.constant 0 : i32
      %dma_start3A_73 = tpu.memref_slice %arg6[%add3A_71, %dma_start3A_72] : memref<63x80xi32, #tpu.memory_space<vmem>> -> memref<1x80xi32, #tpu.memory_space<vmem>>
      %dma_start3A_74 = tpu.memref_squeeze %dma_start3A_73 : memref<1x80xi32, #tpu.memory_space<vmem>> -> memref<80xi32, #tpu.memory_space<vmem>>
      %dma_start3A_75 = arith.constant 0 : i32
      %dma_start3A_76 = arith.constant 0 : i32
      %dma_start3A_77 = tpu.memref_slice %arg8[%dma_start3A_75, %dma_start3A_76] : memref<10240x128xf32, #tpu.memory_space<vmem_shared>> -> memref<10240x128xf32, #tpu.memory_space<vmem_shared>>
      tpu.enqueue_indirect_dma source(%arg7 : memref<80x128xf32, #tpu.memory_space<vmem>>) target(%dma_start3A_77 : memref<10240x128xf32, #tpu.memory_space<vmem_shared>>) offsets(%dma_start3A_74 : memref<80xi32, #tpu.memory_space<vmem>>) semaphore(%arg9 : memref<!tpu.dma_semaphore, #tpu.memory_space<semaphore_mem>>) {add = true}
      %mul3A_78 = arith.constant 7 : i32
      %mul3A_79 = arith.muli %mul3A_78, %scan3A_18 : i32
      %add3A_80 = arith.constant 6 : i32
      %add3A_81 = arith.addi %mul3A_79, %add3A_80 : i32
      %dma_start3A_82 = arith.constant 0 : i32
      %dma_start3A_83 = tpu.memref_slice %arg6[%add3A_81, %dma_start3A_82] : memref<63x80xi32, #tpu.memory_space<vmem>> -> memref<1x80xi32, #tpu.memory_space<vmem>>
      %dma_start3A_84 = tpu.memref_squeeze %dma_start3A_83 : memref<1x80xi32, #tpu.memory_space<vmem>> -> memref<80xi32, #tpu.memory_space<vmem>>
      %dma_start3A_85 = arith.constant 0 : i32
      %dma_start3A_86 = arith.constant 0 : i32
      %dma_start3A_87 = tpu.memref_slice %arg8[%dma_start3A_85, %dma_start3A_86] : memref<10240x128xf32, #tpu.memory_space<vmem_shared>> -> memref<10240x128xf32, #tpu.memory_space<vmem_shared>>
      tpu.enqueue_indirect_dma source(%arg7 : memref<80x128xf32, #tpu.memory_space<vmem>>) target(%dma_start3A_87 : memref<10240x128xf32, #tpu.memory_space<vmem_shared>>) offsets(%dma_start3A_84 : memref<80xi32, #tpu.memory_space<vmem>>) semaphore(%arg9 : memref<!tpu.dma_semaphore, #tpu.memory_space<semaphore_mem>>) {add = true}
      %mul3A_88 = arith.constant 7 : i32
      %mul3A_89 = arith.muli %mul3A_88, %scan3A_18 : i32
      %add3A_90 = arith.constant 0 : i32
      %add3A_91 = arith.addi %mul3A_89, %add3A_90 : i32
      %dma_wait3A = arith.constant 0 : i32
      %dma_wait3A_92 = tpu.memref_slice %arg6[%add3A_91, %dma_wait3A] : memref<63x80xi32, #tpu.memory_space<vmem>> -> memref<1x80xi32, #tpu.memory_space<vmem>>
      %dma_wait3A_93 = tpu.memref_squeeze %dma_wait3A_92 : memref<1x80xi32, #tpu.memory_space<vmem>> -> memref<80xi32, #tpu.memory_space<vmem>>
      %dma_wait3A_94 = arith.constant 0 : i32
      %dma_wait3A_95 = arith.constant 0 : i32
      %dma_wait3A_96 = tpu.memref_slice %arg8[%dma_wait3A_94, %dma_wait3A_95] : memref<10240x128xf32, #tpu.memory_space<vmem_shared>> -> memref<10240x128xf32, #tpu.memory_space<vmem_shared>>
      tpu.wait_indirect_dma semaphore(%arg9 : memref<!tpu.dma_semaphore, #tpu.memory_space<semaphore_mem>>) src(%arg7 : memref<80x128xf32, #tpu.memory_space<vmem>>) dst(%dma_wait3A_96 : memref<10240x128xf32, #tpu.memory_space<vmem_shared>>)
      %mul3A_97 = arith.constant 7 : i32
      %mul3A_98 = arith.muli %mul3A_97, %scan3A_18 : i32
      %add3A_99 = arith.constant 1 : i32
      %add3A_100 = arith.addi %mul3A_98, %add3A_99 : i32
      %dma_wait3A_101 = arith.constant 0 : i32
      %dma_wait3A_102 = tpu.memref_slice %arg6[%add3A_100, %dma_wait3A_101] : memref<63x80xi32, #tpu.memory_space<vmem>> -> memref<1x80xi32, #tpu.memory_space<vmem>>
      %dma_wait3A_103 = tpu.memref_squeeze %dma_wait3A_102 : memref<1x80xi32, #tpu.memory_space<vmem>> -> memref<80xi32, #tpu.memory_space<vmem>>
      %dma_wait3A_104 = arith.constant 0 : i32
      %dma_wait3A_105 = arith.constant 0 : i32
      %dma_wait3A_106 = tpu.memref_slice %arg8[%dma_wait3A_104, %dma_wait3A_105] : memref<10240x128xf32, #tpu.memory_space<vmem_shared>> -> memref<10240x128xf32, #tpu.memory_space<vmem_shared>>
      tpu.wait_indirect_dma semaphore(%arg9 : memref<!tpu.dma_semaphore, #tpu.memory_space<semaphore_mem>>) src(%arg7 : memref<80x128xf32, #tpu.memory_space<vmem>>) dst(%dma_wait3A_106 : memref<10240x128xf32, #tpu.memory_space<vmem_shared>>)
      %mul3A_107 = arith.constant 7 : i32
      %mul3A_108 = arith.muli %mul3A_107, %scan3A_18 : i32
      %add3A_109 = arith.constant 2 : i32
      %add3A_110 = arith.addi %mul3A_108, %add3A_109 : i32
      %dma_wait3A_111 = arith.constant 0 : i32
      %dma_wait3A_112 = tpu.memref_slice %arg6[%add3A_110, %dma_wait3A_111] : memref<63x80xi32, #tpu.memory_space<vmem>> -> memref<1x80xi32, #tpu.memory_space<vmem>>
      %dma_wait3A_113 = tpu.memref_squeeze %dma_wait3A_112 : memref<1x80xi32, #tpu.memory_space<vmem>> -> memref<80xi32, #tpu.memory_space<vmem>>
      %dma_wait3A_114 = arith.constant 0 : i32
      %dma_wait3A_115 = arith.constant 0 : i32
      %dma_wait3A_116 = tpu.memref_slice %arg8[%dma_wait3A_114, %dma_wait3A_115] : memref<10240x128xf32, #tpu.memory_space<vmem_shared>> -> memref<10240x128xf32, #tpu.memory_space<vmem_shared>>
      tpu.wait_indirect_dma semaphore(%arg9 : memref<!tpu.dma_semaphore, #tpu.memory_space<semaphore_mem>>) src(%arg7 : memref<80x128xf32, #tpu.memory_space<vmem>>) dst(%dma_wait3A_116 : memref<10240x128xf32, #tpu.memory_space<vmem_shared>>)
      %mul3A_117 = arith.constant 7 : i32
      %mul3A_118 = arith.muli %mul3A_117, %scan3A_18 : i32
      %add3A_119 = arith.constant 3 : i32
      %add3A_120 = arith.addi %mul3A_118, %add3A_119 : i32
      %dma_wait3A_121 = arith.constant 0 : i32
      %dma_wait3A_122 = tpu.memref_slice %arg6[%add3A_120, %dma_wait3A_121] : memref<63x80xi32, #tpu.memory_space<vmem>> -> memref<1x80xi32, #tpu.memory_space<vmem>>
      %dma_wait3A_123 = tpu.memref_squeeze %dma_wait3A_122 : memref<1x80xi32, #tpu.memory_space<vmem>> -> memref<80xi32, #tpu.memory_space<vmem>>
      %dma_wait3A_124 = arith.constant 0 : i32
      %dma_wait3A_125 = arith.constant 0 : i32
      %dma_wait3A_126 = tpu.memref_slice %arg8[%dma_wait3A_124, %dma_wait3A_125] : memref<10240x128xf32, #tpu.memory_space<vmem_shared>> -> memref<10240x128xf32, #tpu.memory_space<vmem_shared>>
      tpu.wait_indirect_dma semaphore(%arg9 : memref<!tpu.dma_semaphore, #tpu.memory_space<semaphore_mem>>) src(%arg7 : memref<80x128xf32, #tpu.memory_space<vmem>>) dst(%dma_wait3A_126 : memref<10240x128xf32, #tpu.memory_space<vmem_shared>>)
      %mul3A_127 = arith.constant 7 : i32
      %mul3A_128 = arith.muli %mul3A_127, %scan3A_18 : i32
      %add3A_129 = arith.constant 4 : i32
      %add3A_130 = arith.addi %mul3A_128, %add3A_129 : i32
      %dma_wait3A_131 = arith.constant 0 : i32
      %dma_wait3A_132 = tpu.memref_slice %arg6[%add3A_130, %dma_wait3A_131] : memref<63x80xi32, #tpu.memory_space<vmem>> -> memref<1x80xi32, #tpu.memory_space<vmem>>
      %dma_wait3A_133 = tpu.memref_squeeze %dma_wait3A_132 : memref<1x80xi32, #tpu.memory_space<vmem>> -> memref<80xi32, #tpu.memory_space<vmem>>
      %dma_wait3A_134 = arith.constant 0 : i32
      %dma_wait3A_135 = arith.constant 0 : i32
      %dma_wait3A_136 = tpu.memref_slice %arg8[%dma_wait3A_134, %dma_wait3A_135] : memref<10240x128xf32, #tpu.memory_space<vmem_shared>> -> memref<10240x128xf32, #tpu.memory_space<vmem_shared>>
      tpu.wait_indirect_dma semaphore(%arg9 : memref<!tpu.dma_semaphore, #tpu.memory_space<semaphore_mem>>) src(%arg7 : memref<80x128xf32, #tpu.memory_space<vmem>>) dst(%dma_wait3A_136 : memref<10240x128xf32, #tpu.memory_space<vmem_shared>>)
      %mul3A_137 = arith.constant 7 : i32
      %mul3A_138 = arith.muli %mul3A_137, %scan3A_18 : i32
      %add3A_139 = arith.constant 5 : i32
      %add3A_140 = arith.addi %mul3A_138, %add3A_139 : i32
      %dma_wait3A_141 = arith.constant 0 : i32
      %dma_wait3A_142 = tpu.memref_slice %arg6[%add3A_140, %dma_wait3A_141] : memref<63x80xi32, #tpu.memory_space<vmem>> -> memref<1x80xi32, #tpu.memory_space<vmem>>
      %dma_wait3A_143 = tpu.memref_squeeze %dma_wait3A_142 : memref<1x80xi32, #tpu.memory_space<vmem>> -> memref<80xi32, #tpu.memory_space<vmem>>
      %dma_wait3A_144 = arith.constant 0 : i32
      %dma_wait3A_145 = arith.constant 0 : i32
      %dma_wait3A_146 = tpu.memref_slice %arg8[%dma_wait3A_144, %dma_wait3A_145] : memref<10240x128xf32, #tpu.memory_space<vmem_shared>> -> memref<10240x128xf32, #tpu.memory_space<vmem_shared>>
      tpu.wait_indirect_dma semaphore(%arg9 : memref<!tpu.dma_semaphore, #tpu.memory_space<semaphore_mem>>) src(%arg7 : memref<80x128xf32, #tpu.memory_space<vmem>>) dst(%dma_wait3A_146 : memref<10240x128xf32, #tpu.memory_space<vmem_shared>>)
      %mul3A_147 = arith.constant 7 : i32
      %mul3A_148 = arith.muli %mul3A_147, %scan3A_18 : i32
      %add3A_149 = arith.constant 6 : i32
      %add3A_150 = arith.addi %mul3A_148, %add3A_149 : i32
      %dma_wait3A_151 = arith.constant 0 : i32
      %dma_wait3A_152 = tpu.memref_slice %arg6[%add3A_150, %dma_wait3A_151] : memref<63x80xi32, #tpu.memory_space<vmem>> -> memref<1x80xi32, #tpu.memory_space<vmem>>
      %dma_wait3A_153 = tpu.memref_squeeze %dma_wait3A_152 : memref<1x80xi32, #tpu.memory_space<vmem>> -> memref<80xi32, #tpu.memory_space<vmem>>
      %dma_wait3A_154 = arith.constant 0 : i32
      %dma_wait3A_155 = arith.constant 0 : i32
      %dma_wait3A_156 = tpu.memref_slice %arg8[%dma_wait3A_154, %dma_wait3A_155] : memref<10240x128xf32, #tpu.memory_space<vmem_shared>> -> memref<10240x128xf32, #tpu.memory_space<vmem_shared>>
      tpu.wait_indirect_dma semaphore(%arg9 : memref<!tpu.dma_semaphore, #tpu.memory_space<semaphore_mem>>) src(%arg7 : memref<80x128xf32, #tpu.memory_space<vmem>>) dst(%dma_wait3A_156 : memref<10240x128xf32, #tpu.memory_space<vmem_shared>>)
    }
    %scan3A_9 = arith.constant 9 : i32
    %barrier3A_10 = arith.constant 0 : index
    tpu.barrier barrier_id(%barrier3A_10)
    %mul3A_11 = arith.constant 640 : i32
    %mul3A_12 = arith.muli %arg1, %mul3A_11 : i32
    %mul3A_13 = arith.constant 10240 : i32
    %mul3A_14 = arith.muli %arg0, %mul3A_13 : i32
    %mul3A_15 = arith.constant 640 : i32
    %mul3A_16 = arith.muli %arg1, %mul3A_15 : i32
    %add3A_17 = arith.addi %mul3A_14, %mul3A_16 : i32
    "tpu.region"() ({
      %run_scoped3A = tpu.sem_alloc : memref<!tpu.dma_semaphore, #tpu.memory_space<semaphore_mem>>
      %dma_start3A = arith.constant 0 : i32
      %dma_start3A_18 = tpu.memref_slice %arg5[%add3A_17, %dma_start3A] : memref<20480x128xf32, #tpu.memory_space<hbm>> -> memref<640x128xf32, #tpu.memory_space<hbm>>
      %dma_start3A_19 = arith.constant 0 : i32
      %dma_start3A_20 = tpu.memref_slice %arg8[%mul3A_12, %dma_start3A_19] : memref<10240x128xf32, #tpu.memory_space<vmem_shared>> -> memref<640x128xf32, #tpu.memory_space<vmem_shared>>
      tpu.enqueue_dma source(%dma_start3A_20 : memref<640x128xf32, #tpu.memory_space<vmem_shared>>) target(%dma_start3A_18 : memref<640x128xf32, #tpu.memory_space<hbm>>) target_semaphore(%run_scoped3A : memref<!tpu.dma_semaphore, #tpu.memory_space<semaphore_mem>>)
      %dma_wait3A = arith.constant 0 : i32
      %dma_wait3A_21 = tpu.memref_slice %arg5[%add3A_17, %dma_wait3A] : memref<20480x128xf32, #tpu.memory_space<hbm>> -> memref<640x128xf32, #tpu.memory_space<hbm>>
      %dma_wait3A_22 = arith.constant 0 : i32
      %dma_wait3A_23 = tpu.memref_slice %arg8[%mul3A_12, %dma_wait3A_22] : memref<10240x128xf32, #tpu.memory_space<vmem_shared>> -> memref<640x128xf32, #tpu.memory_space<vmem_shared>>
      tpu.wait_dma2 semaphore(%run_scoped3A : memref<!tpu.dma_semaphore, #tpu.memory_space<semaphore_mem>>) src(%dma_wait3A_23 : memref<640x128xf32, #tpu.memory_space<vmem_shared>>) dst(%dma_wait3A_21 : memref<640x128xf32, #tpu.memory_space<hbm>>)
      tpu.yield
    }) : () -> ()
    return
  }
}

#map = affine_map<(d0, d1) -> (0, 0)>
#map1 = affine_map<(d0, d1) -> (0, 0, 0, 0)>
module attributes {stable_mosaic.version = 14 : i64} {
  func.func @_sc_agg_body(%arg0: i32, %arg1: i32, %arg2: memref<20480x128xf32, #tpu.memory_space<hbm>>, %arg3: memref<32x5x21x96xi32, #tpu.memory_space<hbm>>, %arg4: memref<16x5x21x96xi32, #tpu.memory_space<hbm>>, %arg5: memref<10240x128xf32, #tpu.memory_space<hbm>>, %arg6: memref<20480x128xf32, #tpu.memory_space<hbm>>, %arg7: memref<21x96xi32, #tpu.memory_space<vmem>>, %arg8: memref<21x96xi32, #tpu.memory_space<vmem>>, %arg9: memref<2x96x128xf32, #tpu.memory_space<vmem>>, %arg10: memref<10240x128xf32, #tpu.memory_space<vmem_shared>>, %arg11: memref<!tpu.dma_semaphore, #tpu.memory_space<semaphore_mem>>, %arg12: memref<!tpu.dma_semaphore, #tpu.memory_space<semaphore_mem>>) attributes {dimension_semantics = [#tpu.dimension_semantics<core_parallel>, #tpu.dimension_semantics<subcore_parallel>], iteration_bounds = array<i64: 2, 16>, scalar_prefetch = 0 : i64, scratch_operands = 6 : i64, tpu.core_type = #tpu.core_type<sc_vector_subcore>, window_params = [{transform_indices = #map}, {transform_indices = #map1}, {transform_indices = #map1}, {transform_indices = #map}, {transform_indices = #map}]} {
    %mul3A = arith.constant 640 : i32
    %mul3A_0 = arith.muli %arg1, %mul3A : i32
    %mul3A_1 = arith.constant 640 : i32
    %mul3A_2 = arith.muli %arg1, %mul3A_1 : i32
    "tpu.region"() ({
      %run_scoped3A = tpu.sem_alloc : memref<!tpu.dma_semaphore, #tpu.memory_space<semaphore_mem>>
      %dma_start3A = arith.constant 0 : i32
      %dma_start3A_15 = tpu.memref_slice %arg10[%mul3A_2, %dma_start3A] : memref<10240x128xf32, #tpu.memory_space<vmem_shared>> -> memref<640x128xf32, #tpu.memory_space<vmem_shared>>
      %dma_start3A_16 = arith.constant 0 : i32
      %dma_start3A_17 = tpu.memref_slice %arg5[%mul3A_0, %dma_start3A_16] : memref<10240x128xf32, #tpu.memory_space<hbm>> -> memref<640x128xf32, #tpu.memory_space<hbm>>
      tpu.enqueue_dma source(%dma_start3A_17 : memref<640x128xf32, #tpu.memory_space<hbm>>) target(%dma_start3A_15 : memref<640x128xf32, #tpu.memory_space<vmem_shared>>) target_semaphore(%run_scoped3A : memref<!tpu.dma_semaphore, #tpu.memory_space<semaphore_mem>>)
      %dma_wait3A = arith.constant 0 : i32
      %dma_wait3A_18 = tpu.memref_slice %arg10[%mul3A_2, %dma_wait3A] : memref<10240x128xf32, #tpu.memory_space<vmem_shared>> -> memref<640x128xf32, #tpu.memory_space<vmem_shared>>
      %dma_wait3A_19 = arith.constant 0 : i32
      %dma_wait3A_20 = tpu.memref_slice %arg5[%mul3A_0, %dma_wait3A_19] : memref<10240x128xf32, #tpu.memory_space<hbm>> -> memref<640x128xf32, #tpu.memory_space<hbm>>
      tpu.wait_dma2 semaphore(%run_scoped3A : memref<!tpu.dma_semaphore, #tpu.memory_space<semaphore_mem>>) src(%dma_wait3A_20 : memref<640x128xf32, #tpu.memory_space<hbm>>) dst(%dma_wait3A_18 : memref<640x128xf32, #tpu.memory_space<vmem_shared>>)
      tpu.yield
    }) : () -> ()
    %barrier3A = arith.constant 0 : index
    tpu.barrier barrier_id(%barrier3A)
    %scan3A = arith.constant 0 : i32
    %scan3A_3 = arith.constant 0 : i32
    %scan3A_4 = arith.constant 5 : i32
    %scan3A_5 = arith.addi %scan3A_3, %scan3A_4 : i32
    %scan3A_6 = arith.constant 1 : i32
    scf.for %scan3A_15 = %scan3A_3 to %scan3A_5 step %scan3A_6  : i32 {
      %mul3A_16 = arith.constant 16 : i32
      %mul3A_17 = arith.muli %arg0, %mul3A_16 : i32
      %add3A_18 = arith.addi %mul3A_17, %arg1 : i32
      "tpu.region"() ({
        %run_scoped3A_48 = tpu.sem_alloc : memref<!tpu.dma_semaphore, #tpu.memory_space<semaphore_mem>>
        %dma_start3A_49 = arith.constant 0 : i32
        %dma_start3A_50 = arith.constant 0 : i32
        %dma_start3A_51 = tpu.memref_slice %arg3[%add3A_18, %scan3A_15, %dma_start3A_49, %dma_start3A_50] : memref<32x5x21x96xi32, #tpu.memory_space<hbm>> -> memref<1x1x21x96xi32, #tpu.memory_space<hbm>>
        %dma_start3A_52 = tpu.memref_squeeze %dma_start3A_51 : memref<1x1x21x96xi32, #tpu.memory_space<hbm>> -> memref<21x96xi32, #tpu.memory_space<hbm>>
        %dma_start3A_53 = arith.constant 0 : i32
        %dma_start3A_54 = arith.constant 0 : i32
        %dma_start3A_55 = tpu.memref_slice %arg3[%add3A_18, %scan3A_15, %dma_start3A_53, %dma_start3A_54] : memref<32x5x21x96xi32, #tpu.memory_space<hbm>> -> memref<1x1x21x96xi32, #tpu.memory_space<hbm>>
        %dma_start3A_56 = tpu.memref_squeeze %dma_start3A_55 : memref<1x1x21x96xi32, #tpu.memory_space<hbm>> -> memref<21x96xi32, #tpu.memory_space<hbm>>
        tpu.enqueue_dma source(%dma_start3A_56 : memref<21x96xi32, #tpu.memory_space<hbm>>) target(%arg7 : memref<21x96xi32, #tpu.memory_space<vmem>>) target_semaphore(%run_scoped3A_48 : memref<!tpu.dma_semaphore, #tpu.memory_space<semaphore_mem>>)
        %dma_wait3A_57 = arith.constant 0 : i32
        %dma_wait3A_58 = arith.constant 0 : i32
        %dma_wait3A_59 = tpu.memref_slice %arg3[%add3A_18, %scan3A_15, %dma_wait3A_57, %dma_wait3A_58] : memref<32x5x21x96xi32, #tpu.memory_space<hbm>> -> memref<1x1x21x96xi32, #tpu.memory_space<hbm>>
        %dma_wait3A_60 = tpu.memref_squeeze %dma_wait3A_59 : memref<1x1x21x96xi32, #tpu.memory_space<hbm>> -> memref<21x96xi32, #tpu.memory_space<hbm>>
        %dma_wait3A_61 = arith.constant 0 : i32
        %dma_wait3A_62 = arith.constant 0 : i32
        %dma_wait3A_63 = tpu.memref_slice %arg3[%add3A_18, %scan3A_15, %dma_wait3A_61, %dma_wait3A_62] : memref<32x5x21x96xi32, #tpu.memory_space<hbm>> -> memref<1x1x21x96xi32, #tpu.memory_space<hbm>>
        %dma_wait3A_64 = tpu.memref_squeeze %dma_wait3A_63 : memref<1x1x21x96xi32, #tpu.memory_space<hbm>> -> memref<21x96xi32, #tpu.memory_space<hbm>>
        tpu.wait_dma2 semaphore(%run_scoped3A_48 : memref<!tpu.dma_semaphore, #tpu.memory_space<semaphore_mem>>) src(%dma_wait3A_64 : memref<21x96xi32, #tpu.memory_space<hbm>>) dst(%arg7 : memref<21x96xi32, #tpu.memory_space<vmem>>)
        tpu.yield
      }) : () -> ()
      "tpu.region"() ({
        %run_scoped3A_48 = tpu.sem_alloc : memref<!tpu.dma_semaphore, #tpu.memory_space<semaphore_mem>>
        %dma_start3A_49 = arith.constant 0 : i32
        %dma_start3A_50 = arith.constant 0 : i32
        %dma_start3A_51 = tpu.memref_slice %arg4[%arg1, %scan3A_15, %dma_start3A_49, %dma_start3A_50] : memref<16x5x21x96xi32, #tpu.memory_space<hbm>> -> memref<1x1x21x96xi32, #tpu.memory_space<hbm>>
        %dma_start3A_52 = tpu.memref_squeeze %dma_start3A_51 : memref<1x1x21x96xi32, #tpu.memory_space<hbm>> -> memref<21x96xi32, #tpu.memory_space<hbm>>
        %dma_start3A_53 = arith.constant 0 : i32
        %dma_start3A_54 = arith.constant 0 : i32
        %dma_start3A_55 = tpu.memref_slice %arg4[%arg1, %scan3A_15, %dma_start3A_53, %dma_start3A_54] : memref<16x5x21x96xi32, #tpu.memory_space<hbm>> -> memref<1x1x21x96xi32, #tpu.memory_space<hbm>>
        %dma_start3A_56 = tpu.memref_squeeze %dma_start3A_55 : memref<1x1x21x96xi32, #tpu.memory_space<hbm>> -> memref<21x96xi32, #tpu.memory_space<hbm>>
        tpu.enqueue_dma source(%dma_start3A_56 : memref<21x96xi32, #tpu.memory_space<hbm>>) target(%arg8 : memref<21x96xi32, #tpu.memory_space<vmem>>) target_semaphore(%run_scoped3A_48 : memref<!tpu.dma_semaphore, #tpu.memory_space<semaphore_mem>>)
        %dma_wait3A_57 = arith.constant 0 : i32
        %dma_wait3A_58 = arith.constant 0 : i32
        %dma_wait3A_59 = tpu.memref_slice %arg4[%arg1, %scan3A_15, %dma_wait3A_57, %dma_wait3A_58] : memref<16x5x21x96xi32, #tpu.memory_space<hbm>> -> memref<1x1x21x96xi32, #tpu.memory_space<hbm>>
        %dma_wait3A_60 = tpu.memref_squeeze %dma_wait3A_59 : memref<1x1x21x96xi32, #tpu.memory_space<hbm>> -> memref<21x96xi32, #tpu.memory_space<hbm>>
        %dma_wait3A_61 = arith.constant 0 : i32
        %dma_wait3A_62 = arith.constant 0 : i32
        %dma_wait3A_63 = tpu.memref_slice %arg4[%arg1, %scan3A_15, %dma_wait3A_61, %dma_wait3A_62] : memref<16x5x21x96xi32, #tpu.memory_space<hbm>> -> memref<1x1x21x96xi32, #tpu.memory_space<hbm>>
        %dma_wait3A_64 = tpu.memref_squeeze %dma_wait3A_63 : memref<1x1x21x96xi32, #tpu.memory_space<hbm>> -> memref<21x96xi32, #tpu.memory_space<hbm>>
        tpu.wait_dma2 semaphore(%run_scoped3A_48 : memref<!tpu.dma_semaphore, #tpu.memory_space<semaphore_mem>>) src(%dma_wait3A_64 : memref<21x96xi32, #tpu.memory_space<hbm>>) dst(%arg8 : memref<21x96xi32, #tpu.memory_space<vmem>>)
        tpu.yield
      }) : () -> ()
      %dma_start3A = arith.constant 0 : i32
      %dma_start3A_19 = arith.constant 0 : i32
      %dma_start3A_20 = arith.constant 0 : i32
      %dma_start3A_21 = arith.constant 0 : i32
      %dma_start3A_22 = tpu.memref_slice %arg9[%dma_start3A_19, %dma_start3A_20, %dma_start3A_21] : memref<2x96x128xf32, #tpu.memory_space<vmem>> -> memref<1x96x128xf32, #tpu.memory_space<vmem>>
      %dma_start3A_23 = tpu.memref_squeeze %dma_start3A_22 : memref<1x96x128xf32, #tpu.memory_space<vmem>> -> memref<96x128xf32, #tpu.memory_space<vmem>>
      %dma_start3A_24 = arith.constant 0 : i32
      %dma_start3A_25 = tpu.memref_slice %arg7[%dma_start3A, %dma_start3A_24] : memref<21x96xi32, #tpu.memory_space<vmem>> -> memref<1x96xi32, #tpu.memory_space<vmem>>
      %dma_start3A_26 = tpu.memref_squeeze %dma_start3A_25 : memref<1x96xi32, #tpu.memory_space<vmem>> -> memref<96xi32, #tpu.memory_space<vmem>>
      %dma_start3A_27 = arith.constant 0 : i32
      %dma_start3A_28 = arith.constant 0 : i32
      %dma_start3A_29 = tpu.memref_slice %arg2[%dma_start3A_27, %dma_start3A_28] : memref<20480x128xf32, #tpu.memory_space<hbm>> -> memref<20480x128xf32, #tpu.memory_space<hbm>>
      tpu.enqueue_indirect_dma source(%dma_start3A_29 : memref<20480x128xf32, #tpu.memory_space<hbm>>) target(%dma_start3A_23 : memref<96x128xf32, #tpu.memory_space<vmem>>) offsets(%dma_start3A_26 : memref<96xi32, #tpu.memory_space<vmem>>) semaphore(%arg11 : memref<!tpu.dma_semaphore, #tpu.memory_space<semaphore_mem>>)
      %scan3A_30 = arith.constant 0 : i32
      %scan3A_31 = arith.constant 0 : i32
      %scan3A_32 = arith.constant 10 : i32
      %scan3A_33 = arith.addi %scan3A_31, %scan3A_32 : i32
      %scan3A_34 = arith.constant 1 : i32
      scf.for %scan3A_48 = %scan3A_31 to %scan3A_33 step %scan3A_34  : i32 {
        %mul3A_49 = arith.constant 2 : i32
        %mul3A_50 = arith.muli %mul3A_49, %scan3A_48 : i32
        %add3A_51 = arith.constant 1 : i32
        %add3A_52 = arith.addi %mul3A_50, %add3A_51 : i32
        %dma_start3A_53 = arith.constant 1 : i32
        %dma_start3A_54 = arith.constant 0 : i32
        %dma_start3A_55 = arith.constant 0 : i32
        %dma_start3A_56 = tpu.memref_slice %arg9[%dma_start3A_53, %dma_start3A_54, %dma_start3A_55] : memref<2x96x128xf32, #tpu.memory_space<vmem>> -> memref<1x96x128xf32, #tpu.memory_space<vmem>>
        %dma_start3A_57 = tpu.memref_squeeze %dma_start3A_56 : memref<1x96x128xf32, #tpu.memory_space<vmem>> -> memref<96x128xf32, #tpu.memory_space<vmem>>
        %dma_start3A_58 = arith.constant 0 : i32
        %dma_start3A_59 = tpu.memref_slice %arg7[%add3A_52, %dma_start3A_58] : memref<21x96xi32, #tpu.memory_space<vmem>> -> memref<1x96xi32, #tpu.memory_space<vmem>>
        %dma_start3A_60 = tpu.memref_squeeze %dma_start3A_59 : memref<1x96xi32, #tpu.memory_space<vmem>> -> memref<96xi32, #tpu.memory_space<vmem>>
        %dma_start3A_61 = arith.constant 0 : i32
        %dma_start3A_62 = arith.constant 0 : i32
        %dma_start3A_63 = tpu.memref_slice %arg2[%dma_start3A_61, %dma_start3A_62] : memref<20480x128xf32, #tpu.memory_space<hbm>> -> memref<20480x128xf32, #tpu.memory_space<hbm>>
        tpu.enqueue_indirect_dma source(%dma_start3A_63 : memref<20480x128xf32, #tpu.memory_space<hbm>>) target(%dma_start3A_57 : memref<96x128xf32, #tpu.memory_space<vmem>>) offsets(%dma_start3A_60 : memref<96xi32, #tpu.memory_space<vmem>>) semaphore(%arg12 : memref<!tpu.dma_semaphore, #tpu.memory_space<semaphore_mem>>)
        %dma_wait3A_64 = arith.constant 0 : i32
        %dma_wait3A_65 = arith.constant 0 : i32
        %dma_wait3A_66 = arith.constant 0 : i32
        %dma_wait3A_67 = tpu.memref_slice %arg9[%dma_wait3A_64, %dma_wait3A_65, %dma_wait3A_66] : memref<2x96x128xf32, #tpu.memory_space<vmem>> -> memref<1x96x128xf32, #tpu.memory_space<vmem>>
        %dma_wait3A_68 = tpu.memref_squeeze %dma_wait3A_67 : memref<1x96x128xf32, #tpu.memory_space<vmem>> -> memref<96x128xf32, #tpu.memory_space<vmem>>
        %dma_wait3A_69 = arith.constant 0 : i32
        %dma_wait3A_70 = tpu.memref_slice %arg7[%mul3A_50, %dma_wait3A_69] : memref<21x96xi32, #tpu.memory_space<vmem>> -> memref<1x96xi32, #tpu.memory_space<vmem>>
        %dma_wait3A_71 = tpu.memref_squeeze %dma_wait3A_70 : memref<1x96xi32, #tpu.memory_space<vmem>> -> memref<96xi32, #tpu.memory_space<vmem>>
        %dma_wait3A_72 = arith.constant 0 : i32
        %dma_wait3A_73 = arith.constant 0 : i32
        %dma_wait3A_74 = tpu.memref_slice %arg2[%dma_wait3A_72, %dma_wait3A_73] : memref<20480x128xf32, #tpu.memory_space<hbm>> -> memref<20480x128xf32, #tpu.memory_space<hbm>>
        tpu.wait_indirect_dma semaphore(%arg11 : memref<!tpu.dma_semaphore, #tpu.memory_space<semaphore_mem>>) src(%dma_wait3A_74 : memref<20480x128xf32, #tpu.memory_space<hbm>>) dst(%dma_wait3A_68 : memref<96x128xf32, #tpu.memory_space<vmem>>)
        %run_scoped3A_75 = arith.constant 0 : i32
        "tpu.region"() ({
          %run_scoped3A_96 = tpu.sem_alloc : memref<!tpu.dma_semaphore, #tpu.memory_space<semaphore_mem>>
          %dma_start3A_97 = arith.constant 0 : i32
          %dma_start3A_98 = arith.constant 0 : i32
          %dma_start3A_99 = tpu.memref_slice %arg9[%run_scoped3A_75, %dma_start3A_97, %dma_start3A_98] : memref<2x96x128xf32, #tpu.memory_space<vmem>> -> memref<1x96x128xf32, #tpu.memory_space<vmem>>
          %dma_start3A_100 = tpu.memref_squeeze %dma_start3A_99 : memref<1x96x128xf32, #tpu.memory_space<vmem>> -> memref<96x128xf32, #tpu.memory_space<vmem>>
          %dma_start3A_101 = arith.constant 0 : i32
          %dma_start3A_102 = tpu.memref_slice %arg8[%mul3A_50, %dma_start3A_101] : memref<21x96xi32, #tpu.memory_space<vmem>> -> memref<1x96xi32, #tpu.memory_space<vmem>>
          %dma_start3A_103 = tpu.memref_squeeze %dma_start3A_102 : memref<1x96xi32, #tpu.memory_space<vmem>> -> memref<96xi32, #tpu.memory_space<vmem>>
          %dma_start3A_104 = arith.constant 0 : i32
          %dma_start3A_105 = arith.constant 0 : i32
          %dma_start3A_106 = tpu.memref_slice %arg10[%dma_start3A_104, %dma_start3A_105] : memref<10240x128xf32, #tpu.memory_space<vmem_shared>> -> memref<10240x128xf32, #tpu.memory_space<vmem_shared>>
          tpu.enqueue_indirect_dma source(%dma_start3A_100 : memref<96x128xf32, #tpu.memory_space<vmem>>) target(%dma_start3A_106 : memref<10240x128xf32, #tpu.memory_space<vmem_shared>>) offsets(%dma_start3A_103 : memref<96xi32, #tpu.memory_space<vmem>>) semaphore(%run_scoped3A_96 : memref<!tpu.dma_semaphore, #tpu.memory_space<semaphore_mem>>) {add = true}
          %dma_wait3A_107 = arith.constant 0 : i32
          %dma_wait3A_108 = arith.constant 0 : i32
          %dma_wait3A_109 = tpu.memref_slice %arg9[%run_scoped3A_75, %dma_wait3A_107, %dma_wait3A_108] : memref<2x96x128xf32, #tpu.memory_space<vmem>> -> memref<1x96x128xf32, #tpu.memory_space<vmem>>
          %dma_wait3A_110 = tpu.memref_squeeze %dma_wait3A_109 : memref<1x96x128xf32, #tpu.memory_space<vmem>> -> memref<96x128xf32, #tpu.memory_space<vmem>>
          %dma_wait3A_111 = arith.constant 0 : i32
          %dma_wait3A_112 = tpu.memref_slice %arg8[%mul3A_50, %dma_wait3A_111] : memref<21x96xi32, #tpu.memory_space<vmem>> -> memref<1x96xi32, #tpu.memory_space<vmem>>
          %dma_wait3A_113 = tpu.memref_squeeze %dma_wait3A_112 : memref<1x96xi32, #tpu.memory_space<vmem>> -> memref<96xi32, #tpu.memory_space<vmem>>
          %dma_wait3A_114 = arith.constant 0 : i32
          %dma_wait3A_115 = arith.constant 0 : i32
          %dma_wait3A_116 = tpu.memref_slice %arg10[%dma_wait3A_114, %dma_wait3A_115] : memref<10240x128xf32, #tpu.memory_space<vmem_shared>> -> memref<10240x128xf32, #tpu.memory_space<vmem_shared>>
          tpu.wait_indirect_dma semaphore(%run_scoped3A_96 : memref<!tpu.dma_semaphore, #tpu.memory_space<semaphore_mem>>) src(%dma_wait3A_110 : memref<96x128xf32, #tpu.memory_space<vmem>>) dst(%dma_wait3A_116 : memref<10240x128xf32, #tpu.memory_space<vmem_shared>>)
          tpu.yield
        }) : () -> ()
        %add3A_76 = arith.constant 2 : i32
        %add3A_77 = arith.addi %mul3A_50, %add3A_76 : i32
        %lt3A = arith.constant 21 : i32
        %lt3A_78 = arith.cmpi slt, %add3A_77, %lt3A : i32
        %convert_element_type3A = arith.extui %lt3A_78 : i1 to i32
        %cond3A = arith.constant 0 : i32
        %cond3A_79 = arith.cmpi ne, %convert_element_type3A, %cond3A : i32
        scf.if %cond3A_79 {
          %add3A_96 = arith.constant 2 : i32
          %add3A_97 = arith.addi %mul3A_50, %add3A_96 : i32
          %dma_start3A_98 = arith.constant 0 : i32
          %dma_start3A_99 = arith.constant 0 : i32
          %dma_start3A_100 = arith.constant 0 : i32
          %dma_start3A_101 = tpu.memref_slice %arg9[%dma_start3A_98, %dma_start3A_99, %dma_start3A_100] : memref<2x96x128xf32, #tpu.memory_space<vmem>> -> memref<1x96x128xf32, #tpu.memory_space<vmem>>
          %dma_start3A_102 = tpu.memref_squeeze %dma_start3A_101 : memref<1x96x128xf32, #tpu.memory_space<vmem>> -> memref<96x128xf32, #tpu.memory_space<vmem>>
          %dma_start3A_103 = arith.constant 0 : i32
          %dma_start3A_104 = tpu.memref_slice %arg7[%add3A_97, %dma_start3A_103] : memref<21x96xi32, #tpu.memory_space<vmem>> -> memref<1x96xi32, #tpu.memory_space<vmem>>
          %dma_start3A_105 = tpu.memref_squeeze %dma_start3A_104 : memref<1x96xi32, #tpu.memory_space<vmem>> -> memref<96xi32, #tpu.memory_space<vmem>>
          %dma_start3A_106 = arith.constant 0 : i32
          %dma_start3A_107 = arith.constant 0 : i32
          %dma_start3A_108 = tpu.memref_slice %arg2[%dma_start3A_106, %dma_start3A_107] : memref<20480x128xf32, #tpu.memory_space<hbm>> -> memref<20480x128xf32, #tpu.memory_space<hbm>>
          tpu.enqueue_indirect_dma source(%dma_start3A_108 : memref<20480x128xf32, #tpu.memory_space<hbm>>) target(%dma_start3A_102 : memref<96x128xf32, #tpu.memory_space<vmem>>) offsets(%dma_start3A_105 : memref<96xi32, #tpu.memory_space<vmem>>) semaphore(%arg11 : memref<!tpu.dma_semaphore, #tpu.memory_space<semaphore_mem>>)
        } else {
        }
        %add3A_80 = arith.constant 1 : i32
        %add3A_81 = arith.addi %mul3A_50, %add3A_80 : i32
        %dma_wait3A_82 = arith.constant 1 : i32
        %dma_wait3A_83 = arith.constant 0 : i32
        %dma_wait3A_84 = arith.constant 0 : i32
        %dma_wait3A_85 = tpu.memref_slice %arg9[%dma_wait3A_82, %dma_wait3A_83, %dma_wait3A_84] : memref<2x96x128xf32, #tpu.memory_space<vmem>> -> memref<1x96x128xf32, #tpu.memory_space<vmem>>
        %dma_wait3A_86 = tpu.memref_squeeze %dma_wait3A_85 : memref<1x96x128xf32, #tpu.memory_space<vmem>> -> memref<96x128xf32, #tpu.memory_space<vmem>>
        %dma_wait3A_87 = arith.constant 0 : i32
        %dma_wait3A_88 = tpu.memref_slice %arg7[%add3A_81, %dma_wait3A_87] : memref<21x96xi32, #tpu.memory_space<vmem>> -> memref<1x96xi32, #tpu.memory_space<vmem>>
        %dma_wait3A_89 = tpu.memref_squeeze %dma_wait3A_88 : memref<1x96xi32, #tpu.memory_space<vmem>> -> memref<96xi32, #tpu.memory_space<vmem>>
        %dma_wait3A_90 = arith.constant 0 : i32
        %dma_wait3A_91 = arith.constant 0 : i32
        %dma_wait3A_92 = tpu.memref_slice %arg2[%dma_wait3A_90, %dma_wait3A_91] : memref<20480x128xf32, #tpu.memory_space<hbm>> -> memref<20480x128xf32, #tpu.memory_space<hbm>>
        tpu.wait_indirect_dma semaphore(%arg12 : memref<!tpu.dma_semaphore, #tpu.memory_space<semaphore_mem>>) src(%dma_wait3A_92 : memref<20480x128xf32, #tpu.memory_space<hbm>>) dst(%dma_wait3A_86 : memref<96x128xf32, #tpu.memory_space<vmem>>)
        %add3A_93 = arith.constant 1 : i32
        %add3A_94 = arith.addi %mul3A_50, %add3A_93 : i32
        %run_scoped3A_95 = arith.constant 1 : i32
        "tpu.region"() ({
          %run_scoped3A_96 = tpu.sem_alloc : memref<!tpu.dma_semaphore, #tpu.memory_space<semaphore_mem>>
          %dma_start3A_97 = arith.constant 0 : i32
          %dma_start3A_98 = arith.constant 0 : i32
          %dma_start3A_99 = tpu.memref_slice %arg9[%run_scoped3A_95, %dma_start3A_97, %dma_start3A_98] : memref<2x96x128xf32, #tpu.memory_space<vmem>> -> memref<1x96x128xf32, #tpu.memory_space<vmem>>
          %dma_start3A_100 = tpu.memref_squeeze %dma_start3A_99 : memref<1x96x128xf32, #tpu.memory_space<vmem>> -> memref<96x128xf32, #tpu.memory_space<vmem>>
          %dma_start3A_101 = arith.constant 0 : i32
          %dma_start3A_102 = tpu.memref_slice %arg8[%add3A_94, %dma_start3A_101] : memref<21x96xi32, #tpu.memory_space<vmem>> -> memref<1x96xi32, #tpu.memory_space<vmem>>
          %dma_start3A_103 = tpu.memref_squeeze %dma_start3A_102 : memref<1x96xi32, #tpu.memory_space<vmem>> -> memref<96xi32, #tpu.memory_space<vmem>>
          %dma_start3A_104 = arith.constant 0 : i32
          %dma_start3A_105 = arith.constant 0 : i32
          %dma_start3A_106 = tpu.memref_slice %arg10[%dma_start3A_104, %dma_start3A_105] : memref<10240x128xf32, #tpu.memory_space<vmem_shared>> -> memref<10240x128xf32, #tpu.memory_space<vmem_shared>>
          tpu.enqueue_indirect_dma source(%dma_start3A_100 : memref<96x128xf32, #tpu.memory_space<vmem>>) target(%dma_start3A_106 : memref<10240x128xf32, #tpu.memory_space<vmem_shared>>) offsets(%dma_start3A_103 : memref<96xi32, #tpu.memory_space<vmem>>) semaphore(%run_scoped3A_96 : memref<!tpu.dma_semaphore, #tpu.memory_space<semaphore_mem>>) {add = true}
          %dma_wait3A_107 = arith.constant 0 : i32
          %dma_wait3A_108 = arith.constant 0 : i32
          %dma_wait3A_109 = tpu.memref_slice %arg9[%run_scoped3A_95, %dma_wait3A_107, %dma_wait3A_108] : memref<2x96x128xf32, #tpu.memory_space<vmem>> -> memref<1x96x128xf32, #tpu.memory_space<vmem>>
          %dma_wait3A_110 = tpu.memref_squeeze %dma_wait3A_109 : memref<1x96x128xf32, #tpu.memory_space<vmem>> -> memref<96x128xf32, #tpu.memory_space<vmem>>
          %dma_wait3A_111 = arith.constant 0 : i32
          %dma_wait3A_112 = tpu.memref_slice %arg8[%add3A_94, %dma_wait3A_111] : memref<21x96xi32, #tpu.memory_space<vmem>> -> memref<1x96xi32, #tpu.memory_space<vmem>>
          %dma_wait3A_113 = tpu.memref_squeeze %dma_wait3A_112 : memref<1x96xi32, #tpu.memory_space<vmem>> -> memref<96xi32, #tpu.memory_space<vmem>>
          %dma_wait3A_114 = arith.constant 0 : i32
          %dma_wait3A_115 = arith.constant 0 : i32
          %dma_wait3A_116 = tpu.memref_slice %arg10[%dma_wait3A_114, %dma_wait3A_115] : memref<10240x128xf32, #tpu.memory_space<vmem_shared>> -> memref<10240x128xf32, #tpu.memory_space<vmem_shared>>
          tpu.wait_indirect_dma semaphore(%run_scoped3A_96 : memref<!tpu.dma_semaphore, #tpu.memory_space<semaphore_mem>>) src(%dma_wait3A_110 : memref<96x128xf32, #tpu.memory_space<vmem>>) dst(%dma_wait3A_116 : memref<10240x128xf32, #tpu.memory_space<vmem_shared>>)
          tpu.yield
        }) : () -> ()
      }
      %scan3A_35 = arith.constant 10 : i32
      %dma_wait3A = arith.constant 20 : i32
      %dma_wait3A_36 = arith.constant 0 : i32
      %dma_wait3A_37 = arith.constant 0 : i32
      %dma_wait3A_38 = arith.constant 0 : i32
      %dma_wait3A_39 = tpu.memref_slice %arg9[%dma_wait3A_36, %dma_wait3A_37, %dma_wait3A_38] : memref<2x96x128xf32, #tpu.memory_space<vmem>> -> memref<1x96x128xf32, #tpu.memory_space<vmem>>
      %dma_wait3A_40 = tpu.memref_squeeze %dma_wait3A_39 : memref<1x96x128xf32, #tpu.memory_space<vmem>> -> memref<96x128xf32, #tpu.memory_space<vmem>>
      %dma_wait3A_41 = arith.constant 0 : i32
      %dma_wait3A_42 = tpu.memref_slice %arg7[%dma_wait3A, %dma_wait3A_41] : memref<21x96xi32, #tpu.memory_space<vmem>> -> memref<1x96xi32, #tpu.memory_space<vmem>>
      %dma_wait3A_43 = tpu.memref_squeeze %dma_wait3A_42 : memref<1x96xi32, #tpu.memory_space<vmem>> -> memref<96xi32, #tpu.memory_space<vmem>>
      %dma_wait3A_44 = arith.constant 0 : i32
      %dma_wait3A_45 = arith.constant 0 : i32
      %dma_wait3A_46 = tpu.memref_slice %arg2[%dma_wait3A_44, %dma_wait3A_45] : memref<20480x128xf32, #tpu.memory_space<hbm>> -> memref<20480x128xf32, #tpu.memory_space<hbm>>
      tpu.wait_indirect_dma semaphore(%arg11 : memref<!tpu.dma_semaphore, #tpu.memory_space<semaphore_mem>>) src(%dma_wait3A_46 : memref<20480x128xf32, #tpu.memory_space<hbm>>) dst(%dma_wait3A_40 : memref<96x128xf32, #tpu.memory_space<vmem>>)
      %run_scoped3A = arith.constant 0 : i32
      %run_scoped3A_47 = arith.constant 20 : i32
      "tpu.region"() ({
        %run_scoped3A_48 = tpu.sem_alloc : memref<!tpu.dma_semaphore, #tpu.memory_space<semaphore_mem>>
        %dma_start3A_49 = arith.constant 0 : i32
        %dma_start3A_50 = arith.constant 0 : i32
        %dma_start3A_51 = tpu.memref_slice %arg9[%run_scoped3A, %dma_start3A_49, %dma_start3A_50] : memref<2x96x128xf32, #tpu.memory_space<vmem>> -> memref<1x96x128xf32, #tpu.memory_space<vmem>>
        %dma_start3A_52 = tpu.memref_squeeze %dma_start3A_51 : memref<1x96x128xf32, #tpu.memory_space<vmem>> -> memref<96x128xf32, #tpu.memory_space<vmem>>
        %dma_start3A_53 = arith.constant 0 : i32
        %dma_start3A_54 = tpu.memref_slice %arg8[%run_scoped3A_47, %dma_start3A_53] : memref<21x96xi32, #tpu.memory_space<vmem>> -> memref<1x96xi32, #tpu.memory_space<vmem>>
        %dma_start3A_55 = tpu.memref_squeeze %dma_start3A_54 : memref<1x96xi32, #tpu.memory_space<vmem>> -> memref<96xi32, #tpu.memory_space<vmem>>
        %dma_start3A_56 = arith.constant 0 : i32
        %dma_start3A_57 = arith.constant 0 : i32
        %dma_start3A_58 = tpu.memref_slice %arg10[%dma_start3A_56, %dma_start3A_57] : memref<10240x128xf32, #tpu.memory_space<vmem_shared>> -> memref<10240x128xf32, #tpu.memory_space<vmem_shared>>
        tpu.enqueue_indirect_dma source(%dma_start3A_52 : memref<96x128xf32, #tpu.memory_space<vmem>>) target(%dma_start3A_58 : memref<10240x128xf32, #tpu.memory_space<vmem_shared>>) offsets(%dma_start3A_55 : memref<96xi32, #tpu.memory_space<vmem>>) semaphore(%run_scoped3A_48 : memref<!tpu.dma_semaphore, #tpu.memory_space<semaphore_mem>>) {add = true}
        %dma_wait3A_59 = arith.constant 0 : i32
        %dma_wait3A_60 = arith.constant 0 : i32
        %dma_wait3A_61 = tpu.memref_slice %arg9[%run_scoped3A, %dma_wait3A_59, %dma_wait3A_60] : memref<2x96x128xf32, #tpu.memory_space<vmem>> -> memref<1x96x128xf32, #tpu.memory_space<vmem>>
        %dma_wait3A_62 = tpu.memref_squeeze %dma_wait3A_61 : memref<1x96x128xf32, #tpu.memory_space<vmem>> -> memref<96x128xf32, #tpu.memory_space<vmem>>
        %dma_wait3A_63 = arith.constant 0 : i32
        %dma_wait3A_64 = tpu.memref_slice %arg8[%run_scoped3A_47, %dma_wait3A_63] : memref<21x96xi32, #tpu.memory_space<vmem>> -> memref<1x96xi32, #tpu.memory_space<vmem>>
        %dma_wait3A_65 = tpu.memref_squeeze %dma_wait3A_64 : memref<1x96xi32, #tpu.memory_space<vmem>> -> memref<96xi32, #tpu.memory_space<vmem>>
        %dma_wait3A_66 = arith.constant 0 : i32
        %dma_wait3A_67 = arith.constant 0 : i32
        %dma_wait3A_68 = tpu.memref_slice %arg10[%dma_wait3A_66, %dma_wait3A_67] : memref<10240x128xf32, #tpu.memory_space<vmem_shared>> -> memref<10240x128xf32, #tpu.memory_space<vmem_shared>>
        tpu.wait_indirect_dma semaphore(%run_scoped3A_48 : memref<!tpu.dma_semaphore, #tpu.memory_space<semaphore_mem>>) src(%dma_wait3A_62 : memref<96x128xf32, #tpu.memory_space<vmem>>) dst(%dma_wait3A_68 : memref<10240x128xf32, #tpu.memory_space<vmem_shared>>)
        tpu.yield
      }) : () -> ()
    }
    %scan3A_7 = arith.constant 5 : i32
    %barrier3A_8 = arith.constant 0 : index
    tpu.barrier barrier_id(%barrier3A_8)
    %mul3A_9 = arith.constant 640 : i32
    %mul3A_10 = arith.muli %arg1, %mul3A_9 : i32
    %mul3A_11 = arith.constant 10240 : i32
    %mul3A_12 = arith.muli %arg0, %mul3A_11 : i32
    %mul3A_13 = arith.constant 640 : i32
    %mul3A_14 = arith.muli %arg1, %mul3A_13 : i32
    %add3A = arith.addi %mul3A_12, %mul3A_14 : i32
    "tpu.region"() ({
      %run_scoped3A = tpu.sem_alloc : memref<!tpu.dma_semaphore, #tpu.memory_space<semaphore_mem>>
      %dma_start3A = arith.constant 0 : i32
      %dma_start3A_15 = tpu.memref_slice %arg6[%add3A, %dma_start3A] : memref<20480x128xf32, #tpu.memory_space<hbm>> -> memref<640x128xf32, #tpu.memory_space<hbm>>
      %dma_start3A_16 = arith.constant 0 : i32
      %dma_start3A_17 = tpu.memref_slice %arg10[%mul3A_10, %dma_start3A_16] : memref<10240x128xf32, #tpu.memory_space<vmem_shared>> -> memref<640x128xf32, #tpu.memory_space<vmem_shared>>
      tpu.enqueue_dma source(%dma_start3A_17 : memref<640x128xf32, #tpu.memory_space<vmem_shared>>) target(%dma_start3A_15 : memref<640x128xf32, #tpu.memory_space<hbm>>) target_semaphore(%run_scoped3A : memref<!tpu.dma_semaphore, #tpu.memory_space<semaphore_mem>>)
      %dma_wait3A = arith.constant 0 : i32
      %dma_wait3A_18 = tpu.memref_slice %arg6[%add3A, %dma_wait3A] : memref<20480x128xf32, #tpu.memory_space<hbm>> -> memref<640x128xf32, #tpu.memory_space<hbm>>
      %dma_wait3A_19 = arith.constant 0 : i32
      %dma_wait3A_20 = tpu.memref_slice %arg10[%mul3A_10, %dma_wait3A_19] : memref<10240x128xf32, #tpu.memory_space<vmem_shared>> -> memref<640x128xf32, #tpu.memory_space<vmem_shared>>
      tpu.wait_dma2 semaphore(%run_scoped3A : memref<!tpu.dma_semaphore, #tpu.memory_space<semaphore_mem>>) src(%dma_wait3A_20 : memref<640x128xf32, #tpu.memory_space<vmem_shared>>) dst(%dma_wait3A_18 : memref<640x128xf32, #tpu.memory_space<hbm>>)
      tpu.yield
    }) : () -> ()
    return
  }
}

#map = affine_map<(d0, d1) -> (0, 0)>
#map1 = affine_map<(d0, d1) -> (0, 0, 0, 0)>
module attributes {stable_mosaic.version = 14 : i64} {
  func.func @_sc_agg_body(%arg0: i32, %arg1: i32, %arg2: memref<20480x128xf32, #tpu.memory_space<hbm>>, %arg3: memref<32x5x21x96xi32, #tpu.memory_space<hbm>>, %arg4: memref<16x5x21x96xi32, #tpu.memory_space<hbm>>, %arg5: memref<10240x128xf32, #tpu.memory_space<hbm>>, %arg6: memref<20480x128xf32, #tpu.memory_space<hbm>>, %arg7: memref<21x96xi32, #tpu.memory_space<vmem>>, %arg8: memref<21x96xi32, #tpu.memory_space<vmem>>, %arg9: memref<2x96x128xf32, #tpu.memory_space<vmem>>, %arg10: memref<10240x128xf32, #tpu.memory_space<vmem_shared>>, %arg11: memref<!tpu.dma_semaphore, #tpu.memory_space<semaphore_mem>>, %arg12: memref<!tpu.dma_semaphore, #tpu.memory_space<semaphore_mem>>) attributes {dimension_semantics = [#tpu.dimension_semantics<core_parallel>, #tpu.dimension_semantics<subcore_parallel>], iteration_bounds = array<i64: 2, 16>, scalar_prefetch = 0 : i64, scratch_operands = 6 : i64, tpu.core_type = #tpu.core_type<sc_vector_subcore>, window_params = [{transform_indices = #map}, {transform_indices = #map1}, {transform_indices = #map1}, {transform_indices = #map}, {transform_indices = #map}]} {
    %mul3A = arith.constant 640 : i32
    %mul3A_0 = arith.muli %arg1, %mul3A : i32
    %mul3A_1 = arith.constant 640 : i32
    %mul3A_2 = arith.muli %arg1, %mul3A_1 : i32
    "tpu.region"() ({
      %run_scoped3A = tpu.sem_alloc : memref<!tpu.dma_semaphore, #tpu.memory_space<semaphore_mem>>
      %dma_start3A = arith.constant 0 : i32
      %dma_start3A_15 = tpu.memref_slice %arg10[%mul3A_2, %dma_start3A] : memref<10240x128xf32, #tpu.memory_space<vmem_shared>> -> memref<640x128xf32, #tpu.memory_space<vmem_shared>>
      %dma_start3A_16 = arith.constant 0 : i32
      %dma_start3A_17 = tpu.memref_slice %arg5[%mul3A_0, %dma_start3A_16] : memref<10240x128xf32, #tpu.memory_space<hbm>> -> memref<640x128xf32, #tpu.memory_space<hbm>>
      tpu.enqueue_dma source(%dma_start3A_17 : memref<640x128xf32, #tpu.memory_space<hbm>>) target(%dma_start3A_15 : memref<640x128xf32, #tpu.memory_space<vmem_shared>>) target_semaphore(%run_scoped3A : memref<!tpu.dma_semaphore, #tpu.memory_space<semaphore_mem>>)
      %dma_wait3A = arith.constant 0 : i32
      %dma_wait3A_18 = tpu.memref_slice %arg10[%mul3A_2, %dma_wait3A] : memref<10240x128xf32, #tpu.memory_space<vmem_shared>> -> memref<640x128xf32, #tpu.memory_space<vmem_shared>>
      %dma_wait3A_19 = arith.constant 0 : i32
      %dma_wait3A_20 = tpu.memref_slice %arg5[%mul3A_0, %dma_wait3A_19] : memref<10240x128xf32, #tpu.memory_space<hbm>> -> memref<640x128xf32, #tpu.memory_space<hbm>>
      tpu.wait_dma2 semaphore(%run_scoped3A : memref<!tpu.dma_semaphore, #tpu.memory_space<semaphore_mem>>) src(%dma_wait3A_20 : memref<640x128xf32, #tpu.memory_space<hbm>>) dst(%dma_wait3A_18 : memref<640x128xf32, #tpu.memory_space<vmem_shared>>)
      tpu.yield
    }) : () -> ()
    %barrier3A = arith.constant 0 : index
    tpu.barrier barrier_id(%barrier3A)
    %scan3A = arith.constant 0 : i32
    %scan3A_3 = arith.constant 0 : i32
    %scan3A_4 = arith.constant 5 : i32
    %scan3A_5 = arith.addi %scan3A_3, %scan3A_4 : i32
    %scan3A_6 = arith.constant 1 : i32
    scf.for %scan3A_15 = %scan3A_3 to %scan3A_5 step %scan3A_6  : i32 {
      %mul3A_16 = arith.constant 16 : i32
      %mul3A_17 = arith.muli %arg0, %mul3A_16 : i32
      %add3A_18 = arith.addi %mul3A_17, %arg1 : i32
      "tpu.region"() ({
        %run_scoped3A_48 = tpu.sem_alloc : memref<!tpu.dma_semaphore, #tpu.memory_space<semaphore_mem>>
        %dma_start3A_49 = arith.constant 0 : i32
        %dma_start3A_50 = arith.constant 0 : i32
        %dma_start3A_51 = tpu.memref_slice %arg3[%add3A_18, %scan3A_15, %dma_start3A_49, %dma_start3A_50] : memref<32x5x21x96xi32, #tpu.memory_space<hbm>> -> memref<1x1x21x96xi32, #tpu.memory_space<hbm>>
        %dma_start3A_52 = tpu.memref_squeeze %dma_start3A_51 : memref<1x1x21x96xi32, #tpu.memory_space<hbm>> -> memref<21x96xi32, #tpu.memory_space<hbm>>
        %dma_start3A_53 = arith.constant 0 : i32
        %dma_start3A_54 = arith.constant 0 : i32
        %dma_start3A_55 = tpu.memref_slice %arg3[%add3A_18, %scan3A_15, %dma_start3A_53, %dma_start3A_54] : memref<32x5x21x96xi32, #tpu.memory_space<hbm>> -> memref<1x1x21x96xi32, #tpu.memory_space<hbm>>
        %dma_start3A_56 = tpu.memref_squeeze %dma_start3A_55 : memref<1x1x21x96xi32, #tpu.memory_space<hbm>> -> memref<21x96xi32, #tpu.memory_space<hbm>>
        tpu.enqueue_dma source(%dma_start3A_56 : memref<21x96xi32, #tpu.memory_space<hbm>>) target(%arg7 : memref<21x96xi32, #tpu.memory_space<vmem>>) target_semaphore(%run_scoped3A_48 : memref<!tpu.dma_semaphore, #tpu.memory_space<semaphore_mem>>)
        %dma_wait3A_57 = arith.constant 0 : i32
        %dma_wait3A_58 = arith.constant 0 : i32
        %dma_wait3A_59 = tpu.memref_slice %arg3[%add3A_18, %scan3A_15, %dma_wait3A_57, %dma_wait3A_58] : memref<32x5x21x96xi32, #tpu.memory_space<hbm>> -> memref<1x1x21x96xi32, #tpu.memory_space<hbm>>
        %dma_wait3A_60 = tpu.memref_squeeze %dma_wait3A_59 : memref<1x1x21x96xi32, #tpu.memory_space<hbm>> -> memref<21x96xi32, #tpu.memory_space<hbm>>
        %dma_wait3A_61 = arith.constant 0 : i32
        %dma_wait3A_62 = arith.constant 0 : i32
        %dma_wait3A_63 = tpu.memref_slice %arg3[%add3A_18, %scan3A_15, %dma_wait3A_61, %dma_wait3A_62] : memref<32x5x21x96xi32, #tpu.memory_space<hbm>> -> memref<1x1x21x96xi32, #tpu.memory_space<hbm>>
        %dma_wait3A_64 = tpu.memref_squeeze %dma_wait3A_63 : memref<1x1x21x96xi32, #tpu.memory_space<hbm>> -> memref<21x96xi32, #tpu.memory_space<hbm>>
        tpu.wait_dma2 semaphore(%run_scoped3A_48 : memref<!tpu.dma_semaphore, #tpu.memory_space<semaphore_mem>>) src(%dma_wait3A_64 : memref<21x96xi32, #tpu.memory_space<hbm>>) dst(%arg7 : memref<21x96xi32, #tpu.memory_space<vmem>>)
        tpu.yield
      }) : () -> ()
      "tpu.region"() ({
        %run_scoped3A_48 = tpu.sem_alloc : memref<!tpu.dma_semaphore, #tpu.memory_space<semaphore_mem>>
        %dma_start3A_49 = arith.constant 0 : i32
        %dma_start3A_50 = arith.constant 0 : i32
        %dma_start3A_51 = tpu.memref_slice %arg4[%arg1, %scan3A_15, %dma_start3A_49, %dma_start3A_50] : memref<16x5x21x96xi32, #tpu.memory_space<hbm>> -> memref<1x1x21x96xi32, #tpu.memory_space<hbm>>
        %dma_start3A_52 = tpu.memref_squeeze %dma_start3A_51 : memref<1x1x21x96xi32, #tpu.memory_space<hbm>> -> memref<21x96xi32, #tpu.memory_space<hbm>>
        %dma_start3A_53 = arith.constant 0 : i32
        %dma_start3A_54 = arith.constant 0 : i32
        %dma_start3A_55 = tpu.memref_slice %arg4[%arg1, %scan3A_15, %dma_start3A_53, %dma_start3A_54] : memref<16x5x21x96xi32, #tpu.memory_space<hbm>> -> memref<1x1x21x96xi32, #tpu.memory_space<hbm>>
        %dma_start3A_56 = tpu.memref_squeeze %dma_start3A_55 : memref<1x1x21x96xi32, #tpu.memory_space<hbm>> -> memref<21x96xi32, #tpu.memory_space<hbm>>
        tpu.enqueue_dma source(%dma_start3A_56 : memref<21x96xi32, #tpu.memory_space<hbm>>) target(%arg8 : memref<21x96xi32, #tpu.memory_space<vmem>>) target_semaphore(%run_scoped3A_48 : memref<!tpu.dma_semaphore, #tpu.memory_space<semaphore_mem>>)
        %dma_wait3A_57 = arith.constant 0 : i32
        %dma_wait3A_58 = arith.constant 0 : i32
        %dma_wait3A_59 = tpu.memref_slice %arg4[%arg1, %scan3A_15, %dma_wait3A_57, %dma_wait3A_58] : memref<16x5x21x96xi32, #tpu.memory_space<hbm>> -> memref<1x1x21x96xi32, #tpu.memory_space<hbm>>
        %dma_wait3A_60 = tpu.memref_squeeze %dma_wait3A_59 : memref<1x1x21x96xi32, #tpu.memory_space<hbm>> -> memref<21x96xi32, #tpu.memory_space<hbm>>
        %dma_wait3A_61 = arith.constant 0 : i32
        %dma_wait3A_62 = arith.constant 0 : i32
        %dma_wait3A_63 = tpu.memref_slice %arg4[%arg1, %scan3A_15, %dma_wait3A_61, %dma_wait3A_62] : memref<16x5x21x96xi32, #tpu.memory_space<hbm>> -> memref<1x1x21x96xi32, #tpu.memory_space<hbm>>
        %dma_wait3A_64 = tpu.memref_squeeze %dma_wait3A_63 : memref<1x1x21x96xi32, #tpu.memory_space<hbm>> -> memref<21x96xi32, #tpu.memory_space<hbm>>
        tpu.wait_dma2 semaphore(%run_scoped3A_48 : memref<!tpu.dma_semaphore, #tpu.memory_space<semaphore_mem>>) src(%dma_wait3A_64 : memref<21x96xi32, #tpu.memory_space<hbm>>) dst(%arg8 : memref<21x96xi32, #tpu.memory_space<vmem>>)
        tpu.yield
      }) : () -> ()
      %dma_start3A = arith.constant 0 : i32
      %dma_start3A_19 = arith.constant 0 : i32
      %dma_start3A_20 = arith.constant 0 : i32
      %dma_start3A_21 = arith.constant 0 : i32
      %dma_start3A_22 = tpu.memref_slice %arg9[%dma_start3A_19, %dma_start3A_20, %dma_start3A_21] : memref<2x96x128xf32, #tpu.memory_space<vmem>> -> memref<1x96x128xf32, #tpu.memory_space<vmem>>
      %dma_start3A_23 = tpu.memref_squeeze %dma_start3A_22 : memref<1x96x128xf32, #tpu.memory_space<vmem>> -> memref<96x128xf32, #tpu.memory_space<vmem>>
      %dma_start3A_24 = arith.constant 0 : i32
      %dma_start3A_25 = tpu.memref_slice %arg7[%dma_start3A, %dma_start3A_24] : memref<21x96xi32, #tpu.memory_space<vmem>> -> memref<1x96xi32, #tpu.memory_space<vmem>>
      %dma_start3A_26 = tpu.memref_squeeze %dma_start3A_25 : memref<1x96xi32, #tpu.memory_space<vmem>> -> memref<96xi32, #tpu.memory_space<vmem>>
      %dma_start3A_27 = arith.constant 0 : i32
      %dma_start3A_28 = arith.constant 0 : i32
      %dma_start3A_29 = tpu.memref_slice %arg2[%dma_start3A_27, %dma_start3A_28] : memref<20480x128xf32, #tpu.memory_space<hbm>> -> memref<20480x128xf32, #tpu.memory_space<hbm>>
      tpu.enqueue_indirect_dma source(%dma_start3A_29 : memref<20480x128xf32, #tpu.memory_space<hbm>>) target(%dma_start3A_23 : memref<96x128xf32, #tpu.memory_space<vmem>>) offsets(%dma_start3A_26 : memref<96xi32, #tpu.memory_space<vmem>>) semaphore(%arg11 : memref<!tpu.dma_semaphore, #tpu.memory_space<semaphore_mem>>)
      %scan3A_30 = arith.constant 0 : i32
      %scan3A_31 = arith.constant 0 : i32
      %scan3A_32 = arith.constant 10 : i32
      %scan3A_33 = arith.addi %scan3A_31, %scan3A_32 : i32
      %scan3A_34 = arith.constant 1 : i32
      scf.for %scan3A_48 = %scan3A_31 to %scan3A_33 step %scan3A_34  : i32 {
        %mul3A_49 = arith.constant 2 : i32
        %mul3A_50 = arith.muli %mul3A_49, %scan3A_48 : i32
        %add3A_51 = arith.constant 1 : i32
        %add3A_52 = arith.addi %mul3A_50, %add3A_51 : i32
        %dma_start3A_53 = arith.constant 1 : i32
        %dma_start3A_54 = arith.constant 0 : i32
        %dma_start3A_55 = arith.constant 0 : i32
        %dma_start3A_56 = tpu.memref_slice %arg9[%dma_start3A_53, %dma_start3A_54, %dma_start3A_55] : memref<2x96x128xf32, #tpu.memory_space<vmem>> -> memref<1x96x128xf32, #tpu.memory_space<vmem>>
        %dma_start3A_57 = tpu.memref_squeeze %dma_start3A_56 : memref<1x96x128xf32, #tpu.memory_space<vmem>> -> memref<96x128xf32, #tpu.memory_space<vmem>>
        %dma_start3A_58 = arith.constant 0 : i32
        %dma_start3A_59 = tpu.memref_slice %arg7[%add3A_52, %dma_start3A_58] : memref<21x96xi32, #tpu.memory_space<vmem>> -> memref<1x96xi32, #tpu.memory_space<vmem>>
        %dma_start3A_60 = tpu.memref_squeeze %dma_start3A_59 : memref<1x96xi32, #tpu.memory_space<vmem>> -> memref<96xi32, #tpu.memory_space<vmem>>
        %dma_start3A_61 = arith.constant 0 : i32
        %dma_start3A_62 = arith.constant 0 : i32
        %dma_start3A_63 = tpu.memref_slice %arg2[%dma_start3A_61, %dma_start3A_62] : memref<20480x128xf32, #tpu.memory_space<hbm>> -> memref<20480x128xf32, #tpu.memory_space<hbm>>
        tpu.enqueue_indirect_dma source(%dma_start3A_63 : memref<20480x128xf32, #tpu.memory_space<hbm>>) target(%dma_start3A_57 : memref<96x128xf32, #tpu.memory_space<vmem>>) offsets(%dma_start3A_60 : memref<96xi32, #tpu.memory_space<vmem>>) semaphore(%arg12 : memref<!tpu.dma_semaphore, #tpu.memory_space<semaphore_mem>>)
        %dma_wait3A_64 = arith.constant 0 : i32
        %dma_wait3A_65 = arith.constant 0 : i32
        %dma_wait3A_66 = arith.constant 0 : i32
        %dma_wait3A_67 = tpu.memref_slice %arg9[%dma_wait3A_64, %dma_wait3A_65, %dma_wait3A_66] : memref<2x96x128xf32, #tpu.memory_space<vmem>> -> memref<1x96x128xf32, #tpu.memory_space<vmem>>
        %dma_wait3A_68 = tpu.memref_squeeze %dma_wait3A_67 : memref<1x96x128xf32, #tpu.memory_space<vmem>> -> memref<96x128xf32, #tpu.memory_space<vmem>>
        %dma_wait3A_69 = arith.constant 0 : i32
        %dma_wait3A_70 = tpu.memref_slice %arg7[%mul3A_50, %dma_wait3A_69] : memref<21x96xi32, #tpu.memory_space<vmem>> -> memref<1x96xi32, #tpu.memory_space<vmem>>
        %dma_wait3A_71 = tpu.memref_squeeze %dma_wait3A_70 : memref<1x96xi32, #tpu.memory_space<vmem>> -> memref<96xi32, #tpu.memory_space<vmem>>
        %dma_wait3A_72 = arith.constant 0 : i32
        %dma_wait3A_73 = arith.constant 0 : i32
        %dma_wait3A_74 = tpu.memref_slice %arg2[%dma_wait3A_72, %dma_wait3A_73] : memref<20480x128xf32, #tpu.memory_space<hbm>> -> memref<20480x128xf32, #tpu.memory_space<hbm>>
        tpu.wait_indirect_dma semaphore(%arg11 : memref<!tpu.dma_semaphore, #tpu.memory_space<semaphore_mem>>) src(%dma_wait3A_74 : memref<20480x128xf32, #tpu.memory_space<hbm>>) dst(%dma_wait3A_68 : memref<96x128xf32, #tpu.memory_space<vmem>>)
        %run_scoped3A_75 = arith.constant 0 : i32
        "tpu.region"() ({
          %run_scoped3A_96 = tpu.sem_alloc : memref<!tpu.dma_semaphore, #tpu.memory_space<semaphore_mem>>
          %dma_start3A_97 = arith.constant 0 : i32
          %dma_start3A_98 = arith.constant 0 : i32
          %dma_start3A_99 = tpu.memref_slice %arg9[%run_scoped3A_75, %dma_start3A_97, %dma_start3A_98] : memref<2x96x128xf32, #tpu.memory_space<vmem>> -> memref<1x96x128xf32, #tpu.memory_space<vmem>>
          %dma_start3A_100 = tpu.memref_squeeze %dma_start3A_99 : memref<1x96x128xf32, #tpu.memory_space<vmem>> -> memref<96x128xf32, #tpu.memory_space<vmem>>
          %dma_start3A_101 = arith.constant 0 : i32
          %dma_start3A_102 = tpu.memref_slice %arg8[%mul3A_50, %dma_start3A_101] : memref<21x96xi32, #tpu.memory_space<vmem>> -> memref<1x96xi32, #tpu.memory_space<vmem>>
          %dma_start3A_103 = tpu.memref_squeeze %dma_start3A_102 : memref<1x96xi32, #tpu.memory_space<vmem>> -> memref<96xi32, #tpu.memory_space<vmem>>
          %dma_start3A_104 = arith.constant 0 : i32
          %dma_start3A_105 = arith.constant 0 : i32
          %dma_start3A_106 = tpu.memref_slice %arg10[%dma_start3A_104, %dma_start3A_105] : memref<10240x128xf32, #tpu.memory_space<vmem_shared>> -> memref<10240x128xf32, #tpu.memory_space<vmem_shared>>
          tpu.enqueue_indirect_dma source(%dma_start3A_100 : memref<96x128xf32, #tpu.memory_space<vmem>>) target(%dma_start3A_106 : memref<10240x128xf32, #tpu.memory_space<vmem_shared>>) offsets(%dma_start3A_103 : memref<96xi32, #tpu.memory_space<vmem>>) semaphore(%run_scoped3A_96 : memref<!tpu.dma_semaphore, #tpu.memory_space<semaphore_mem>>) {add = true}
          %dma_wait3A_107 = arith.constant 0 : i32
          %dma_wait3A_108 = arith.constant 0 : i32
          %dma_wait3A_109 = tpu.memref_slice %arg9[%run_scoped3A_75, %dma_wait3A_107, %dma_wait3A_108] : memref<2x96x128xf32, #tpu.memory_space<vmem>> -> memref<1x96x128xf32, #tpu.memory_space<vmem>>
          %dma_wait3A_110 = tpu.memref_squeeze %dma_wait3A_109 : memref<1x96x128xf32, #tpu.memory_space<vmem>> -> memref<96x128xf32, #tpu.memory_space<vmem>>
          %dma_wait3A_111 = arith.constant 0 : i32
          %dma_wait3A_112 = tpu.memref_slice %arg8[%mul3A_50, %dma_wait3A_111] : memref<21x96xi32, #tpu.memory_space<vmem>> -> memref<1x96xi32, #tpu.memory_space<vmem>>
          %dma_wait3A_113 = tpu.memref_squeeze %dma_wait3A_112 : memref<1x96xi32, #tpu.memory_space<vmem>> -> memref<96xi32, #tpu.memory_space<vmem>>
          %dma_wait3A_114 = arith.constant 0 : i32
          %dma_wait3A_115 = arith.constant 0 : i32
          %dma_wait3A_116 = tpu.memref_slice %arg10[%dma_wait3A_114, %dma_wait3A_115] : memref<10240x128xf32, #tpu.memory_space<vmem_shared>> -> memref<10240x128xf32, #tpu.memory_space<vmem_shared>>
          tpu.wait_indirect_dma semaphore(%run_scoped3A_96 : memref<!tpu.dma_semaphore, #tpu.memory_space<semaphore_mem>>) src(%dma_wait3A_110 : memref<96x128xf32, #tpu.memory_space<vmem>>) dst(%dma_wait3A_116 : memref<10240x128xf32, #tpu.memory_space<vmem_shared>>)
          tpu.yield
        }) : () -> ()
        %add3A_76 = arith.constant 2 : i32
        %add3A_77 = arith.addi %mul3A_50, %add3A_76 : i32
        %lt3A = arith.constant 21 : i32
        %lt3A_78 = arith.cmpi slt, %add3A_77, %lt3A : i32
        %convert_element_type3A = arith.extui %lt3A_78 : i1 to i32
        %cond3A = arith.constant 0 : i32
        %cond3A_79 = arith.cmpi ne, %convert_element_type3A, %cond3A : i32
        scf.if %cond3A_79 {
          %add3A_96 = arith.constant 2 : i32
          %add3A_97 = arith.addi %mul3A_50, %add3A_96 : i32
          %dma_start3A_98 = arith.constant 0 : i32
          %dma_start3A_99 = arith.constant 0 : i32
          %dma_start3A_100 = arith.constant 0 : i32
          %dma_start3A_101 = tpu.memref_slice %arg9[%dma_start3A_98, %dma_start3A_99, %dma_start3A_100] : memref<2x96x128xf32, #tpu.memory_space<vmem>> -> memref<1x96x128xf32, #tpu.memory_space<vmem>>
          %dma_start3A_102 = tpu.memref_squeeze %dma_start3A_101 : memref<1x96x128xf32, #tpu.memory_space<vmem>> -> memref<96x128xf32, #tpu.memory_space<vmem>>
          %dma_start3A_103 = arith.constant 0 : i32
          %dma_start3A_104 = tpu.memref_slice %arg7[%add3A_97, %dma_start3A_103] : memref<21x96xi32, #tpu.memory_space<vmem>> -> memref<1x96xi32, #tpu.memory_space<vmem>>
          %dma_start3A_105 = tpu.memref_squeeze %dma_start3A_104 : memref<1x96xi32, #tpu.memory_space<vmem>> -> memref<96xi32, #tpu.memory_space<vmem>>
          %dma_start3A_106 = arith.constant 0 : i32
          %dma_start3A_107 = arith.constant 0 : i32
          %dma_start3A_108 = tpu.memref_slice %arg2[%dma_start3A_106, %dma_start3A_107] : memref<20480x128xf32, #tpu.memory_space<hbm>> -> memref<20480x128xf32, #tpu.memory_space<hbm>>
          tpu.enqueue_indirect_dma source(%dma_start3A_108 : memref<20480x128xf32, #tpu.memory_space<hbm>>) target(%dma_start3A_102 : memref<96x128xf32, #tpu.memory_space<vmem>>) offsets(%dma_start3A_105 : memref<96xi32, #tpu.memory_space<vmem>>) semaphore(%arg11 : memref<!tpu.dma_semaphore, #tpu.memory_space<semaphore_mem>>)
        } else {
        }
        %add3A_80 = arith.constant 1 : i32
        %add3A_81 = arith.addi %mul3A_50, %add3A_80 : i32
        %dma_wait3A_82 = arith.constant 1 : i32
        %dma_wait3A_83 = arith.constant 0 : i32
        %dma_wait3A_84 = arith.constant 0 : i32
        %dma_wait3A_85 = tpu.memref_slice %arg9[%dma_wait3A_82, %dma_wait3A_83, %dma_wait3A_84] : memref<2x96x128xf32, #tpu.memory_space<vmem>> -> memref<1x96x128xf32, #tpu.memory_space<vmem>>
        %dma_wait3A_86 = tpu.memref_squeeze %dma_wait3A_85 : memref<1x96x128xf32, #tpu.memory_space<vmem>> -> memref<96x128xf32, #tpu.memory_space<vmem>>
        %dma_wait3A_87 = arith.constant 0 : i32
        %dma_wait3A_88 = tpu.memref_slice %arg7[%add3A_81, %dma_wait3A_87] : memref<21x96xi32, #tpu.memory_space<vmem>> -> memref<1x96xi32, #tpu.memory_space<vmem>>
        %dma_wait3A_89 = tpu.memref_squeeze %dma_wait3A_88 : memref<1x96xi32, #tpu.memory_space<vmem>> -> memref<96xi32, #tpu.memory_space<vmem>>
        %dma_wait3A_90 = arith.constant 0 : i32
        %dma_wait3A_91 = arith.constant 0 : i32
        %dma_wait3A_92 = tpu.memref_slice %arg2[%dma_wait3A_90, %dma_wait3A_91] : memref<20480x128xf32, #tpu.memory_space<hbm>> -> memref<20480x128xf32, #tpu.memory_space<hbm>>
        tpu.wait_indirect_dma semaphore(%arg12 : memref<!tpu.dma_semaphore, #tpu.memory_space<semaphore_mem>>) src(%dma_wait3A_92 : memref<20480x128xf32, #tpu.memory_space<hbm>>) dst(%dma_wait3A_86 : memref<96x128xf32, #tpu.memory_space<vmem>>)
        %add3A_93 = arith.constant 1 : i32
        %add3A_94 = arith.addi %mul3A_50, %add3A_93 : i32
        %run_scoped3A_95 = arith.constant 1 : i32
        "tpu.region"() ({
          %run_scoped3A_96 = tpu.sem_alloc : memref<!tpu.dma_semaphore, #tpu.memory_space<semaphore_mem>>
          %dma_start3A_97 = arith.constant 0 : i32
          %dma_start3A_98 = arith.constant 0 : i32
          %dma_start3A_99 = tpu.memref_slice %arg9[%run_scoped3A_95, %dma_start3A_97, %dma_start3A_98] : memref<2x96x128xf32, #tpu.memory_space<vmem>> -> memref<1x96x128xf32, #tpu.memory_space<vmem>>
          %dma_start3A_100 = tpu.memref_squeeze %dma_start3A_99 : memref<1x96x128xf32, #tpu.memory_space<vmem>> -> memref<96x128xf32, #tpu.memory_space<vmem>>
          %dma_start3A_101 = arith.constant 0 : i32
          %dma_start3A_102 = tpu.memref_slice %arg8[%add3A_94, %dma_start3A_101] : memref<21x96xi32, #tpu.memory_space<vmem>> -> memref<1x96xi32, #tpu.memory_space<vmem>>
          %dma_start3A_103 = tpu.memref_squeeze %dma_start3A_102 : memref<1x96xi32, #tpu.memory_space<vmem>> -> memref<96xi32, #tpu.memory_space<vmem>>
          %dma_start3A_104 = arith.constant 0 : i32
          %dma_start3A_105 = arith.constant 0 : i32
          %dma_start3A_106 = tpu.memref_slice %arg10[%dma_start3A_104, %dma_start3A_105] : memref<10240x128xf32, #tpu.memory_space<vmem_shared>> -> memref<10240x128xf32, #tpu.memory_space<vmem_shared>>
          tpu.enqueue_indirect_dma source(%dma_start3A_100 : memref<96x128xf32, #tpu.memory_space<vmem>>) target(%dma_start3A_106 : memref<10240x128xf32, #tpu.memory_space<vmem_shared>>) offsets(%dma_start3A_103 : memref<96xi32, #tpu.memory_space<vmem>>) semaphore(%run_scoped3A_96 : memref<!tpu.dma_semaphore, #tpu.memory_space<semaphore_mem>>) {add = true}
          %dma_wait3A_107 = arith.constant 0 : i32
          %dma_wait3A_108 = arith.constant 0 : i32
          %dma_wait3A_109 = tpu.memref_slice %arg9[%run_scoped3A_95, %dma_wait3A_107, %dma_wait3A_108] : memref<2x96x128xf32, #tpu.memory_space<vmem>> -> memref<1x96x128xf32, #tpu.memory_space<vmem>>
          %dma_wait3A_110 = tpu.memref_squeeze %dma_wait3A_109 : memref<1x96x128xf32, #tpu.memory_space<vmem>> -> memref<96x128xf32, #tpu.memory_space<vmem>>
          %dma_wait3A_111 = arith.constant 0 : i32
          %dma_wait3A_112 = tpu.memref_slice %arg8[%add3A_94, %dma_wait3A_111] : memref<21x96xi32, #tpu.memory_space<vmem>> -> memref<1x96xi32, #tpu.memory_space<vmem>>
          %dma_wait3A_113 = tpu.memref_squeeze %dma_wait3A_112 : memref<1x96xi32, #tpu.memory_space<vmem>> -> memref<96xi32, #tpu.memory_space<vmem>>
          %dma_wait3A_114 = arith.constant 0 : i32
          %dma_wait3A_115 = arith.constant 0 : i32
          %dma_wait3A_116 = tpu.memref_slice %arg10[%dma_wait3A_114, %dma_wait3A_115] : memref<10240x128xf32, #tpu.memory_space<vmem_shared>> -> memref<10240x128xf32, #tpu.memory_space<vmem_shared>>
          tpu.wait_indirect_dma semaphore(%run_scoped3A_96 : memref<!tpu.dma_semaphore, #tpu.memory_space<semaphore_mem>>) src(%dma_wait3A_110 : memref<96x128xf32, #tpu.memory_space<vmem>>) dst(%dma_wait3A_116 : memref<10240x128xf32, #tpu.memory_space<vmem_shared>>)
          tpu.yield
        }) : () -> ()
      }
      %scan3A_35 = arith.constant 10 : i32
      %dma_wait3A = arith.constant 20 : i32
      %dma_wait3A_36 = arith.constant 0 : i32
      %dma_wait3A_37 = arith.constant 0 : i32
      %dma_wait3A_38 = arith.constant 0 : i32
      %dma_wait3A_39 = tpu.memref_slice %arg9[%dma_wait3A_36, %dma_wait3A_37, %dma_wait3A_38] : memref<2x96x128xf32, #tpu.memory_space<vmem>> -> memref<1x96x128xf32, #tpu.memory_space<vmem>>
      %dma_wait3A_40 = tpu.memref_squeeze %dma_wait3A_39 : memref<1x96x128xf32, #tpu.memory_space<vmem>> -> memref<96x128xf32, #tpu.memory_space<vmem>>
      %dma_wait3A_41 = arith.constant 0 : i32
      %dma_wait3A_42 = tpu.memref_slice %arg7[%dma_wait3A, %dma_wait3A_41] : memref<21x96xi32, #tpu.memory_space<vmem>> -> memref<1x96xi32, #tpu.memory_space<vmem>>
      %dma_wait3A_43 = tpu.memref_squeeze %dma_wait3A_42 : memref<1x96xi32, #tpu.memory_space<vmem>> -> memref<96xi32, #tpu.memory_space<vmem>>
      %dma_wait3A_44 = arith.constant 0 : i32
      %dma_wait3A_45 = arith.constant 0 : i32
      %dma_wait3A_46 = tpu.memref_slice %arg2[%dma_wait3A_44, %dma_wait3A_45] : memref<20480x128xf32, #tpu.memory_space<hbm>> -> memref<20480x128xf32, #tpu.memory_space<hbm>>
      tpu.wait_indirect_dma semaphore(%arg11 : memref<!tpu.dma_semaphore, #tpu.memory_space<semaphore_mem>>) src(%dma_wait3A_46 : memref<20480x128xf32, #tpu.memory_space<hbm>>) dst(%dma_wait3A_40 : memref<96x128xf32, #tpu.memory_space<vmem>>)
      %run_scoped3A = arith.constant 0 : i32
      %run_scoped3A_47 = arith.constant 20 : i32
      "tpu.region"() ({
        %run_scoped3A_48 = tpu.sem_alloc : memref<!tpu.dma_semaphore, #tpu.memory_space<semaphore_mem>>
        %dma_start3A_49 = arith.constant 0 : i32
        %dma_start3A_50 = arith.constant 0 : i32
        %dma_start3A_51 = tpu.memref_slice %arg9[%run_scoped3A, %dma_start3A_49, %dma_start3A_50] : memref<2x96x128xf32, #tpu.memory_space<vmem>> -> memref<1x96x128xf32, #tpu.memory_space<vmem>>
        %dma_start3A_52 = tpu.memref_squeeze %dma_start3A_51 : memref<1x96x128xf32, #tpu.memory_space<vmem>> -> memref<96x128xf32, #tpu.memory_space<vmem>>
        %dma_start3A_53 = arith.constant 0 : i32
        %dma_start3A_54 = tpu.memref_slice %arg8[%run_scoped3A_47, %dma_start3A_53] : memref<21x96xi32, #tpu.memory_space<vmem>> -> memref<1x96xi32, #tpu.memory_space<vmem>>
        %dma_start3A_55 = tpu.memref_squeeze %dma_start3A_54 : memref<1x96xi32, #tpu.memory_space<vmem>> -> memref<96xi32, #tpu.memory_space<vmem>>
        %dma_start3A_56 = arith.constant 0 : i32
        %dma_start3A_57 = arith.constant 0 : i32
        %dma_start3A_58 = tpu.memref_slice %arg10[%dma_start3A_56, %dma_start3A_57] : memref<10240x128xf32, #tpu.memory_space<vmem_shared>> -> memref<10240x128xf32, #tpu.memory_space<vmem_shared>>
        tpu.enqueue_indirect_dma source(%dma_start3A_52 : memref<96x128xf32, #tpu.memory_space<vmem>>) target(%dma_start3A_58 : memref<10240x128xf32, #tpu.memory_space<vmem_shared>>) offsets(%dma_start3A_55 : memref<96xi32, #tpu.memory_space<vmem>>) semaphore(%run_scoped3A_48 : memref<!tpu.dma_semaphore, #tpu.memory_space<semaphore_mem>>) {add = true}
        %dma_wait3A_59 = arith.constant 0 : i32
        %dma_wait3A_60 = arith.constant 0 : i32
        %dma_wait3A_61 = tpu.memref_slice %arg9[%run_scoped3A, %dma_wait3A_59, %dma_wait3A_60] : memref<2x96x128xf32, #tpu.memory_space<vmem>> -> memref<1x96x128xf32, #tpu.memory_space<vmem>>
        %dma_wait3A_62 = tpu.memref_squeeze %dma_wait3A_61 : memref<1x96x128xf32, #tpu.memory_space<vmem>> -> memref<96x128xf32, #tpu.memory_space<vmem>>
        %dma_wait3A_63 = arith.constant 0 : i32
        %dma_wait3A_64 = tpu.memref_slice %arg8[%run_scoped3A_47, %dma_wait3A_63] : memref<21x96xi32, #tpu.memory_space<vmem>> -> memref<1x96xi32, #tpu.memory_space<vmem>>
        %dma_wait3A_65 = tpu.memref_squeeze %dma_wait3A_64 : memref<1x96xi32, #tpu.memory_space<vmem>> -> memref<96xi32, #tpu.memory_space<vmem>>
        %dma_wait3A_66 = arith.constant 0 : i32
        %dma_wait3A_67 = arith.constant 0 : i32
        %dma_wait3A_68 = tpu.memref_slice %arg10[%dma_wait3A_66, %dma_wait3A_67] : memref<10240x128xf32, #tpu.memory_space<vmem_shared>> -> memref<10240x128xf32, #tpu.memory_space<vmem_shared>>
        tpu.wait_indirect_dma semaphore(%run_scoped3A_48 : memref<!tpu.dma_semaphore, #tpu.memory_space<semaphore_mem>>) src(%dma_wait3A_62 : memref<96x128xf32, #tpu.memory_space<vmem>>) dst(%dma_wait3A_68 : memref<10240x128xf32, #tpu.memory_space<vmem_shared>>)
        tpu.yield
      }) : () -> ()
    }
    %scan3A_7 = arith.constant 5 : i32
    %barrier3A_8 = arith.constant 0 : index
    tpu.barrier barrier_id(%barrier3A_8)
    %mul3A_9 = arith.constant 640 : i32
    %mul3A_10 = arith.muli %arg1, %mul3A_9 : i32
    %mul3A_11 = arith.constant 10240 : i32
    %mul3A_12 = arith.muli %arg0, %mul3A_11 : i32
    %mul3A_13 = arith.constant 640 : i32
    %mul3A_14 = arith.muli %arg1, %mul3A_13 : i32
    %add3A = arith.addi %mul3A_12, %mul3A_14 : i32
    "tpu.region"() ({
      %run_scoped3A = tpu.sem_alloc : memref<!tpu.dma_semaphore, #tpu.memory_space<semaphore_mem>>
      %dma_start3A = arith.constant 0 : i32
      %dma_start3A_15 = tpu.memref_slice %arg6[%add3A, %dma_start3A] : memref<20480x128xf32, #tpu.memory_space<hbm>> -> memref<640x128xf32, #tpu.memory_space<hbm>>
      %dma_start3A_16 = arith.constant 0 : i32
      %dma_start3A_17 = tpu.memref_slice %arg10[%mul3A_10, %dma_start3A_16] : memref<10240x128xf32, #tpu.memory_space<vmem_shared>> -> memref<640x128xf32, #tpu.memory_space<vmem_shared>>
      tpu.enqueue_dma source(%dma_start3A_17 : memref<640x128xf32, #tpu.memory_space<vmem_shared>>) target(%dma_start3A_15 : memref<640x128xf32, #tpu.memory_space<hbm>>) target_semaphore(%run_scoped3A : memref<!tpu.dma_semaphore, #tpu.memory_space<semaphore_mem>>)
      %dma_wait3A = arith.constant 0 : i32
      %dma_wait3A_18 = tpu.memref_slice %arg6[%add3A, %dma_wait3A] : memref<20480x128xf32, #tpu.memory_space<hbm>> -> memref<640x128xf32, #tpu.memory_space<hbm>>
      %dma_wait3A_19 = arith.constant 0 : i32
      %dma_wait3A_20 = tpu.memref_slice %arg10[%mul3A_10, %dma_wait3A_19] : memref<10240x128xf32, #tpu.memory_space<vmem_shared>> -> memref<640x128xf32, #tpu.memory_space<vmem_shared>>
      tpu.wait_dma2 semaphore(%run_scoped3A : memref<!tpu.dma_semaphore, #tpu.memory_space<semaphore_mem>>) src(%dma_wait3A_20 : memref<640x128xf32, #tpu.memory_space<vmem_shared>>) dst(%dma_wait3A_18 : memref<640x128xf32, #tpu.memory_space<hbm>>)
      tpu.yield
    }) : () -> ()
    return
  }
}

module attributes {stable_mosaic.version = 14 : i64} {
  func.func @_tc1_body(%arg0: i32, %arg1: memref<2x1000x128xf32, #tpu.memory_space<vmem>>, %arg2: memref<2x1000x128xf32, #tpu.memory_space<vmem>>, %arg3: memref<1000x256xf32, #tpu.memory_space<vmem>>, %arg4: memref<256x256xf32, #tpu.memory_space<vmem>>, %arg5: memref<1x256xf32, #tpu.memory_space<vmem>>, %arg6: memref<256x256xf32, #tpu.memory_space<vmem>>, %arg7: memref<2x1000x128xf32, #tpu.memory_space<vmem>>) attributes {dimension_semantics = [#tpu.dimension_semantics<arbitrary>], iteration_bounds = array<i64: 10>, scalar_prefetch = 0 : i64, scratch_operands = 0 : i64, tpu.core_type = #tpu.core_type<tc>, window_params = [{transform_indices = @transform_0, window_bounds = array<i64: 2, 1000, 128>}, {transform_indices = @transform_1, window_bounds = array<i64: 2, 1000, 128>}, {transform_indices = @transform_2, window_bounds = array<i64: 1000, 256>}, {pipeline_mode = #tpu.pipeline_mode<synchronous>, transform_indices = @transform_3, window_bounds = array<i64: 256, 256>}, {pipeline_mode = #tpu.pipeline_mode<synchronous>, transform_indices = @transform_4, window_bounds = array<i64: 1, 256>}, {pipeline_mode = #tpu.pipeline_mode<synchronous>, transform_indices = @transform_5, window_bounds = array<i64: 256, 256>}, {transform_indices = @transform_6, window_bounds = array<i64: 2, 1000, 128>}]} {
    %get3A = arith.constant 0 : index
    %get3A_0 = arith.constant 0 : index
    %get3A_1 = arith.constant 0 : index
    %get3A_2 = vector.load %arg1[%get3A, %get3A_0, %get3A_1] : memref<2x1000x128xf32, #tpu.memory_space<vmem>>, vector<1x1000x128xf32>
    %get3A_3 = vector.shape_cast %get3A_2 : vector<1x1000x128xf32> to vector<1000x128xf32>
    %get3A_4 = arith.constant 1 : index
    %get3A_5 = arith.constant 0 : index
    %get3A_6 = arith.constant 0 : index
    %get3A_7 = vector.load %arg1[%get3A_4, %get3A_5, %get3A_6] : memref<2x1000x128xf32, #tpu.memory_space<vmem>>, vector<1x1000x128xf32>
    %get3A_8 = vector.shape_cast %get3A_7 : vector<1x1000x128xf32> to vector<1000x128xf32>
    %concatenate3A = tpu.concatenate %get3A_3, %get3A_8 in 1 : vector<1000x128xf32>, vector<1000x128xf32> -> vector<1000x256xf32>
    %get3A_9 = arith.constant 0 : index
    %get3A_10 = arith.constant 0 : index
    %get3A_11 = arith.constant 0 : index
    %get3A_12 = vector.load %arg2[%get3A_9, %get3A_10, %get3A_11] : memref<2x1000x128xf32, #tpu.memory_space<vmem>>, vector<1x1000x1xf32>
    %get3A_13 = vector.shape_cast %get3A_12 : vector<1x1000x1xf32> to vector<1000x1xf32>
    %get3A_14 = arith.constant 1 : index
    %get3A_15 = arith.constant 0 : index
    %get3A_16 = arith.constant 0 : index
    %get3A_17 = vector.load %arg2[%get3A_14, %get3A_15, %get3A_16] : memref<2x1000x128xf32, #tpu.memory_space<vmem>>, vector<1x1000x1xf32>
    %get3A_18 = vector.shape_cast %get3A_17 : vector<1x1000x1xf32> to vector<1000x1xf32>
    %add3A = arith.addf %get3A_13, %get3A_18 : vector<1000x1xf32>
    %max3A = arith.constant 1.000000e+00 : f32
    %max3A_19 = vector.broadcast %max3A : f32 to vector<1000x1xf32>
    %max3A_20 = arith.maximumf %add3A, %max3A_19 : vector<1000x1xf32>
    %div3A = arith.constant 1.000000e+00 : f32
    %div3A_21 = vector.broadcast %div3A : f32 to vector<1000x1xf32>
    %div3A_22 = arith.divf %div3A_21, %max3A_20 : vector<1000x1xf32>
    %get3A_23 = arith.constant 0 : index
    %get3A_24 = arith.constant 0 : index
    %get3A_25 = vector.load %arg4[%get3A_23, %get3A_24] : memref<256x256xf32, #tpu.memory_space<vmem>>, vector<256x256xf32>
    %dot_general3A = arith.constant dense<0.000000e+00> : vector<1000x256xf32>
    %dot_general3A_26 = tpu.matmul %concatenate3A, %get3A_25, %dot_general3A {dimension_numbers = #tpu.dot_dimension_numbers<[1], [0], [0], [1], [0, 0, 1, 1], [], []>, transpose_lhs_hint = false} : vector<1000x256xf32>, vector<256x256xf32>, vector<1000x256xf32> -> vector<1000x256xf32>
    %mul3A = vector.broadcast %div3A_22 : vector<1000x1xf32> to vector<1000x256xf32>
    %mul3A_27 = arith.mulf %dot_general3A_26, %mul3A : vector<1000x256xf32>
    %get3A_28 = arith.constant 0 : index
    %get3A_29 = arith.constant 0 : index
    %get3A_30 = vector.load %arg5[%get3A_28, %get3A_29] : memref<1x256xf32, #tpu.memory_space<vmem>>, vector<1x256xf32>
    %add3A_31 = vector.broadcast %get3A_30 : vector<1x256xf32> to vector<1000x256xf32>
    %add3A_32 = arith.addf %mul3A_27, %add3A_31 : vector<1000x256xf32>
    %get3A_33 = arith.constant 0 : index
    %get3A_34 = arith.constant 0 : index
    %get3A_35 = vector.load %arg3[%get3A_33, %get3A_34] : memref<1000x256xf32, #tpu.memory_space<vmem>>, vector<1000x256xf32>
    %get3A_36 = arith.constant 0 : index
    %get3A_37 = arith.constant 0 : index
    %get3A_38 = vector.load %arg6[%get3A_36, %get3A_37] : memref<256x256xf32, #tpu.memory_space<vmem>>, vector<256x256xf32>
    %dot_general3A_39 = arith.constant dense<0.000000e+00> : vector<1000x256xf32>
    %dot_general3A_40 = tpu.matmul %get3A_35, %get3A_38, %dot_general3A_39 {dimension_numbers = #tpu.dot_dimension_numbers<[1], [0], [0], [1], [0, 0, 1, 1], [], []>, transpose_lhs_hint = false} : vector<1000x256xf32>, vector<256x256xf32>, vector<1000x256xf32> -> vector<1000x256xf32>
    %add3A_41 = arith.addf %add3A_32, %dot_general3A_40 : vector<1000x256xf32>
    %max3A_42 = arith.constant 0.000000e+00 : f32
    %max3A_43 = vector.broadcast %max3A_42 : f32 to vector<1000x256xf32>
    %max3A_44 = arith.maximumf %add3A_41, %max3A_43 : vector<1000x256xf32>
    %slice3A = vector.extract_strided_slice %max3A_44 {offsets = [0, 0], sizes = [1000, 128], strides = [1, 1]} : vector<1000x256xf32> to vector<1000x128xf32>
    %swap3A = arith.constant 0 : index
    %swap3A_45 = arith.constant 0 : index
    %swap3A_46 = arith.constant 0 : index
    %swap3A_47 = vector.load %arg7[%swap3A, %swap3A_45, %swap3A_46] : memref<2x1000x128xf32, #tpu.memory_space<vmem>>, vector<1x1000x128xf32>
    %swap3A_48 = vector.shape_cast %swap3A_47 : vector<1x1000x128xf32> to vector<1000x128xf32>
    %swap3A_49 = vector.shape_cast %slice3A : vector<1000x128xf32> to vector<1x1000x128xf32>
    tpu.vector_store %arg7[%swap3A, %swap3A_45, %swap3A_46], %swap3A_49 {strides = array<i32>} : memref<2x1000x128xf32, #tpu.memory_space<vmem>>, vector<1x1000x128xf32>,
    %slice3A_50 = vector.extract_strided_slice %max3A_44 {offsets = [0, 128], sizes = [1000, 128], strides = [1, 1]} : vector<1000x256xf32> to vector<1000x128xf32>
    %swap3A_51 = arith.constant 1 : index
    %swap3A_52 = arith.constant 0 : index
    %swap3A_53 = arith.constant 0 : index
    %swap3A_54 = vector.load %arg7[%swap3A_51, %swap3A_52, %swap3A_53] : memref<2x1000x128xf32, #tpu.memory_space<vmem>>, vector<1x1000x128xf32>
    %swap3A_55 = vector.shape_cast %swap3A_54 : vector<1x1000x128xf32> to vector<1000x128xf32>
    %swap3A_56 = vector.shape_cast %slice3A_50 : vector<1000x128xf32> to vector<1x1000x128xf32>
    tpu.vector_store %arg7[%swap3A_51, %swap3A_52, %swap3A_53], %swap3A_56 {strides = array<i32>} : memref<2x1000x128xf32, #tpu.memory_space<vmem>>, vector<1x1000x128xf32>,
    return
  }
  func.func @transform_0(%arg0: i32) -> (i32, i32, i32) {
    %c0_i32 = arith.constant 0 : i32
    %c0_i32_0 = arith.constant 0 : i32
    %c0_i32_1 = arith.constant 0 : i32
    return %c0_i32, %arg0, %c0_i32_0 : i32, i32, i32
  }
  func.func @transform_1(%arg0: i32) -> (i32, i32, i32) {
    %c0_i32 = arith.constant 0 : i32
    %c0_i32_0 = arith.constant 0 : i32
    %c0_i32_1 = arith.constant 0 : i32
    return %c0_i32, %arg0, %c0_i32_0 : i32, i32, i32
  }
  func.func @transform_2(%arg0: i32) -> (i32, i32) {
    %c0_i32 = arith.constant 0 : i32
    %c0_i32_0 = arith.constant 0 : i32
    return %arg0, %c0_i32 : i32, i32
  }
  func.func @transform_3(%arg0: i32) -> (i32, i32) {
    %c0_i32 = arith.constant 0 : i32
    %c0_i32_0 = arith.constant 0 : i32
    %c0_i32_1 = arith.constant 0 : i32
    return %c0_i32, %c0_i32_0 : i32, i32
  }
  func.func @transform_4(%arg0: i32) -> (i32, i32) {
    %c0_i32 = arith.constant 0 : i32
    %c0_i32_0 = arith.constant 0 : i32
    %c0_i32_1 = arith.constant 0 : i32
    return %c0_i32, %c0_i32_0 : i32, i32
  }
  func.func @transform_5(%arg0: i32) -> (i32, i32) {
    %c0_i32 = arith.constant 0 : i32
    %c0_i32_0 = arith.constant 0 : i32
    %c0_i32_1 = arith.constant 0 : i32
    return %c0_i32, %c0_i32_0 : i32, i32
  }
  func.func @transform_6(%arg0: i32) -> (i32, i32, i32) {
    %c0_i32 = arith.constant 0 : i32
    %c0_i32_0 = arith.constant 0 : i32
    %c0_i32_1 = arith.constant 0 : i32
    return %c0_i32, %arg0, %c0_i32_0 : i32, i32, i32
  }
}

module attributes {stable_mosaic.version = 14 : i64} {
  func.func @_tc2_body(%arg0: i32, %arg1: memref<2x1000x128xf32, #tpu.memory_space<vmem>>, %arg2: memref<2x1000x128xf32, #tpu.memory_space<vmem>>, %arg3: memref<2x1000x128xf32, #tpu.memory_space<vmem>>, %arg4: memref<256x256xf32, #tpu.memory_space<vmem>>, %arg5: memref<1x256xf32, #tpu.memory_space<vmem>>, %arg6: memref<256x256xf32, #tpu.memory_space<vmem>>, %arg7: memref<256x256xf32, #tpu.memory_space<vmem>>, %arg8: memref<1x256xf32, #tpu.memory_space<vmem>>, %arg9: memref<1000x256xf32, #tpu.memory_space<vmem>>) attributes {dimension_semantics = [#tpu.dimension_semantics<arbitrary>], iteration_bounds = array<i64: 10>, scalar_prefetch = 0 : i64, scratch_operands = 0 : i64, tpu.core_type = #tpu.core_type<tc>, window_params = [{transform_indices = @transform_0, window_bounds = array<i64: 2, 1000, 128>}, {transform_indices = @transform_1, window_bounds = array<i64: 2, 1000, 128>}, {transform_indices = @transform_2, window_bounds = array<i64: 2, 1000, 128>}, {pipeline_mode = #tpu.pipeline_mode<synchronous>, transform_indices = @transform_3, window_bounds = array<i64: 256, 256>}, {pipeline_mode = #tpu.pipeline_mode<synchronous>, transform_indices = @transform_4, window_bounds = array<i64: 1, 256>}, {pipeline_mode = #tpu.pipeline_mode<synchronous>, transform_indices = @transform_5, window_bounds = array<i64: 256, 256>}, {pipeline_mode = #tpu.pipeline_mode<synchronous>, transform_indices = @transform_6, window_bounds = array<i64: 256, 256>}, {pipeline_mode = #tpu.pipeline_mode<synchronous>, transform_indices = @transform_7, window_bounds = array<i64: 1, 256>}, {transform_indices = @transform_8, window_bounds = array<i64: 1000, 256>}]} {
    %get3A = arith.constant 0 : index
    %get3A_0 = arith.constant 0 : index
    %get3A_1 = arith.constant 0 : index
    %get3A_2 = vector.load %arg1[%get3A, %get3A_0, %get3A_1] : memref<2x1000x128xf32, #tpu.memory_space<vmem>>, vector<1x1000x128xf32>
    %get3A_3 = vector.shape_cast %get3A_2 : vector<1x1000x128xf32> to vector<1000x128xf32>
    %get3A_4 = arith.constant 1 : index
    %get3A_5 = arith.constant 0 : index
    %get3A_6 = arith.constant 0 : index
    %get3A_7 = vector.load %arg1[%get3A_4, %get3A_5, %get3A_6] : memref<2x1000x128xf32, #tpu.memory_space<vmem>>, vector<1x1000x128xf32>
    %get3A_8 = vector.shape_cast %get3A_7 : vector<1x1000x128xf32> to vector<1000x128xf32>
    %concatenate3A = tpu.concatenate %get3A_3, %get3A_8 in 1 : vector<1000x128xf32>, vector<1000x128xf32> -> vector<1000x256xf32>
    %get3A_9 = arith.constant 0 : index
    %get3A_10 = arith.constant 0 : index
    %get3A_11 = arith.constant 0 : index
    %get3A_12 = vector.load %arg3[%get3A_9, %get3A_10, %get3A_11] : memref<2x1000x128xf32, #tpu.memory_space<vmem>>, vector<1x1000x128xf32>
    %get3A_13 = vector.shape_cast %get3A_12 : vector<1x1000x128xf32> to vector<1000x128xf32>
    %get3A_14 = arith.constant 1 : index
    %get3A_15 = arith.constant 0 : index
    %get3A_16 = arith.constant 0 : index
    %get3A_17 = vector.load %arg3[%get3A_14, %get3A_15, %get3A_16] : memref<2x1000x128xf32, #tpu.memory_space<vmem>>, vector<1x1000x128xf32>
    %get3A_18 = vector.shape_cast %get3A_17 : vector<1x1000x128xf32> to vector<1000x128xf32>
    %concatenate3A_19 = tpu.concatenate %get3A_13, %get3A_18 in 1 : vector<1000x128xf32>, vector<1000x128xf32> -> vector<1000x256xf32>
    %get3A_20 = arith.constant 0 : index
    %get3A_21 = arith.constant 0 : index
    %get3A_22 = arith.constant 0 : index
    %get3A_23 = vector.load %arg2[%get3A_20, %get3A_21, %get3A_22] : memref<2x1000x128xf32, #tpu.memory_space<vmem>>, vector<1x1000x1xf32>
    %get3A_24 = vector.shape_cast %get3A_23 : vector<1x1000x1xf32> to vector<1000x1xf32>
    %get3A_25 = arith.constant 1 : index
    %get3A_26 = arith.constant 0 : index
    %get3A_27 = arith.constant 0 : index
    %get3A_28 = vector.load %arg2[%get3A_25, %get3A_26, %get3A_27] : memref<2x1000x128xf32, #tpu.memory_space<vmem>>, vector<1x1000x1xf32>
    %get3A_29 = vector.shape_cast %get3A_28 : vector<1x1000x1xf32> to vector<1000x1xf32>
    %add3A = arith.addf %get3A_24, %get3A_29 : vector<1000x1xf32>
    %max3A = arith.constant 1.000000e+00 : f32
    %max3A_30 = vector.broadcast %max3A : f32 to vector<1000x1xf32>
    %max3A_31 = arith.maximumf %add3A, %max3A_30 : vector<1000x1xf32>
    %div3A = arith.constant 1.000000e+00 : f32
    %div3A_32 = vector.broadcast %div3A : f32 to vector<1000x1xf32>
    %div3A_33 = arith.divf %div3A_32, %max3A_31 : vector<1000x1xf32>
    %get3A_34 = arith.constant 0 : index
    %get3A_35 = arith.constant 0 : index
    %get3A_36 = vector.load %arg4[%get3A_34, %get3A_35] : memref<256x256xf32, #tpu.memory_space<vmem>>, vector<256x256xf32>
    %dot_general3A = arith.constant dense<0.000000e+00> : vector<1000x256xf32>
    %dot_general3A_37 = tpu.matmul %concatenate3A, %get3A_36, %dot_general3A {dimension_numbers = #tpu.dot_dimension_numbers<[1], [0], [0], [1], [0, 0, 1, 1], [], []>, transpose_lhs_hint = false} : vector<1000x256xf32>, vector<256x256xf32>, vector<1000x256xf32> -> vector<1000x256xf32>
    %mul3A = vector.broadcast %div3A_33 : vector<1000x1xf32> to vector<1000x256xf32>
    %mul3A_38 = arith.mulf %dot_general3A_37, %mul3A : vector<1000x256xf32>
    %get3A_39 = arith.constant 0 : index
    %get3A_40 = arith.constant 0 : index
    %get3A_41 = vector.load %arg5[%get3A_39, %get3A_40] : memref<1x256xf32, #tpu.memory_space<vmem>>, vector<1x256xf32>
    %add3A_42 = vector.broadcast %get3A_41 : vector<1x256xf32> to vector<1000x256xf32>
    %add3A_43 = arith.addf %mul3A_38, %add3A_42 : vector<1000x256xf32>
    %get3A_44 = arith.constant 0 : index
    %get3A_45 = arith.constant 0 : index
    %get3A_46 = vector.load %arg6[%get3A_44, %get3A_45] : memref<256x256xf32, #tpu.memory_space<vmem>>, vector<256x256xf32>
    %dot_general3A_47 = arith.constant dense<0.000000e+00> : vector<1000x256xf32>
    %dot_general3A_48 = tpu.matmul %concatenate3A_19, %get3A_46, %dot_general3A_47 {dimension_numbers = #tpu.dot_dimension_numbers<[1], [0], [0], [1], [0, 0, 1, 1], [], []>, transpose_lhs_hint = false} : vector<1000x256xf32>, vector<256x256xf32>, vector<1000x256xf32> -> vector<1000x256xf32>
    %add3A_49 = arith.addf %add3A_43, %dot_general3A_48 : vector<1000x256xf32>
    %max3A_50 = arith.constant 0.000000e+00 : f32
    %max3A_51 = vector.broadcast %max3A_50 : f32 to vector<1000x256xf32>
    %max3A_52 = arith.maximumf %add3A_49, %max3A_51 : vector<1000x256xf32>
    %get3A_53 = arith.constant 0 : index
    %get3A_54 = arith.constant 0 : index
    %get3A_55 = vector.load %arg7[%get3A_53, %get3A_54] : memref<256x256xf32, #tpu.memory_space<vmem>>, vector<256x256xf32>
    %dot_general3A_56 = arith.constant dense<0.000000e+00> : vector<1000x256xf32>
    %dot_general3A_57 = tpu.matmul %max3A_52, %get3A_55, %dot_general3A_56 {dimension_numbers = #tpu.dot_dimension_numbers<[1], [0], [0], [1], [0, 0, 1, 1], [], []>, transpose_lhs_hint = false} : vector<1000x256xf32>, vector<256x256xf32>, vector<1000x256xf32> -> vector<1000x256xf32>
    %get3A_58 = arith.constant 0 : index
    %get3A_59 = arith.constant 0 : index
    %get3A_60 = vector.load %arg8[%get3A_58, %get3A_59] : memref<1x256xf32, #tpu.memory_space<vmem>>, vector<1x256xf32>
    %add3A_61 = vector.broadcast %get3A_60 : vector<1x256xf32> to vector<1000x256xf32>
    %add3A_62 = arith.addf %dot_general3A_57, %add3A_61 : vector<1000x256xf32>
    %swap3A = arith.constant 0 : index
    %swap3A_63 = arith.constant 0 : index
    %swap3A_64 = vector.load %arg9[%swap3A, %swap3A_63] : memref<1000x256xf32, #tpu.memory_space<vmem>>, vector<1000x256xf32>
    tpu.vector_store %arg9[%swap3A, %swap3A_63], %add3A_62 {strides = array<i32>} : memref<1000x256xf32, #tpu.memory_space<vmem>>, vector<1000x256xf32>,
    return
  }
  func.func @transform_0(%arg0: i32) -> (i32, i32, i32) {
    %c0_i32 = arith.constant 0 : i32
    %c0_i32_0 = arith.constant 0 : i32
    %c0_i32_1 = arith.constant 0 : i32
    return %c0_i32, %arg0, %c0_i32_0 : i32, i32, i32
  }
  func.func @transform_1(%arg0: i32) -> (i32, i32, i32) {
    %c0_i32 = arith.constant 0 : i32
    %c0_i32_0 = arith.constant 0 : i32
    %c0_i32_1 = arith.constant 0 : i32
    return %c0_i32, %arg0, %c0_i32_0 : i32, i32, i32
  }
  func.func @transform_2(%arg0: i32) -> (i32, i32, i32) {
    %c0_i32 = arith.constant 0 : i32
    %c0_i32_0 = arith.constant 0 : i32
    %c0_i32_1 = arith.constant 0 : i32
    return %c0_i32, %arg0, %c0_i32_0 : i32, i32, i32
  }
  func.func @transform_3(%arg0: i32) -> (i32, i32) {
    %c0_i32 = arith.constant 0 : i32
    %c0_i32_0 = arith.constant 0 : i32
    %c0_i32_1 = arith.constant 0 : i32
    return %c0_i32, %c0_i32_0 : i32, i32
  }
  func.func @transform_4(%arg0: i32) -> (i32, i32) {
    %c0_i32 = arith.constant 0 : i32
    %c0_i32_0 = arith.constant 0 : i32
    %c0_i32_1 = arith.constant 0 : i32
    return %c0_i32, %c0_i32_0 : i32, i32
  }
  func.func @transform_5(%arg0: i32) -> (i32, i32) {
    %c0_i32 = arith.constant 0 : i32
    %c0_i32_0 = arith.constant 0 : i32
    %c0_i32_1 = arith.constant 0 : i32
    return %c0_i32, %c0_i32_0 : i32, i32
  }
  func.func @transform_6(%arg0: i32) -> (i32, i32) {
    %c0_i32 = arith.constant 0 : i32
    %c0_i32_0 = arith.constant 0 : i32
    %c0_i32_1 = arith.constant 0 : i32
    return %c0_i32, %c0_i32_0 : i32, i32
  }
  func.func @transform_7(%arg0: i32) -> (i32, i32) {
    %c0_i32 = arith.constant 0 : i32
    %c0_i32_0 = arith.constant 0 : i32
    %c0_i32_1 = arith.constant 0 : i32
    return %c0_i32, %c0_i32_0 : i32, i32
  }
  func.func @transform_8(%arg0: i32) -> (i32, i32) {
    %c0_i32 = arith.constant 0 : i32
    %c0_i32_0 = arith.constant 0 : i32
    return %arg0, %c0_i32 : i32, i32
  }
}

</mosaic_0001>

<sc_bundles>
// kernel: kernel.10.cloned.1.call-start
scs
__scs_entry_jumppad:
0x0: {  	(pc) =	sbr.rel $0x88, $3  }
0x1: {  	(tag) =	ssettag $0x0;
	lr =	simm.s32 $0x1  }
0x2: {  	[smem:$0x3F97] =	sst lr;
	_ =	strace $0xD0000000  }
0x3: {  	_ = 	snop  }
0x4: {  	_ = 	snop  }
0x5: {  	_ = 	snop  }
0x6: {  	_ = 	snop  }
0x7: {  	_ = 	snop  }
__scs_overlays_trampoline_lowered:
0x8: {  	[smem:$0x3FA6] =	sst s0  }
0x9: {  	[smem:$0x3FA7] =	sst s1  }
0xa: {  	[smem:$0x3FA8] =	sst s2  }
0xb: {  	[smem:$0x3FA9] =	sst s3  }
0xc: {  	[smem:$0x3FAA] =	sst s4  }
0xd: {  	[smem:$0x3FAB] =	sst s5  }
0xe: {  	[smem:$0x3FAC] =	sst s6  }
0xf: {  	[smem:$0x3FAD] =	sst s7  }
0x10: {  	[smem:$0x3FAE] =	sst s8  }
0x11: {  	[smem:$0x3FAF] =	sst s9;
	s0 =	simm.s32 @!p0 $0x0  }
0x12: {  	s1 =	sld [smem:$0x3F95];
	s0 =	simm.s32 @p0 $0x1  }
0x13: {  	[smem:$0x3FB0] =	sst s0;
	s0 =	simm.s32 @!p1 $0x0  }
0x14: {  	s2 =	sld [smem:$0x3F94];
	s0 =	simm.s32 @p1 $0x1  }
0x15: {  	[smem:$0x3FB1] =	sst s0;
	s0 =	simm.s32 @!p2 $0x0  }
0x16: {  	s3 =	sld [smem:$0x3FDB];
	s0 =	simm.s32 @p2 $0x1  }
0x17: {  	s4 =	simm.s32 $0x1BF5;
	[smem:$0x3FB3] =	sst s0  }
0x18: {  	s0 =	sld [smem:$0x3F96];
	_ =	swait.ge [sflag:s4], $0x0  }
0x19: {  	s7 =	sld [smem:$0x3F97]  }
0x1a: {  	s8 =	sadd.s32 $0xFFFFE003, lr  }
0x1b: {  	s9 =	sadd.s32 $0xFFFFFEF7, lr;
	s5 =	simm.s32 $0xFFFFFFFF;
	p2 =	slt.u32 s8, $0xFFFFF086  }
0x1c: {  	p1 =	slt.u32 s9, $0xF7A;
	s5 =	simm.s32 @!p2 $0x0  }
0x1d: {  	s5 =	simm.s32 @p1 $0x1;
	p0 =	seq.s32 s7, s2  }
0x1e: {  	s7 =	smul.u32 @!p0 $0xF7A, s2;
	p2 =	seq.s32 @!p0 s5, $0x0  }
0x1f: {  	s9 =	smul.u32 $0xF7A, s1;
	s8 =	simm.s32 @!p0 $0x1BF5;
	p2 =	por !p2, p0  }
0x20: {  	[sflag:s8] =	ssyncset.s32 @!p0 $0xFFFFF086;
	s6 =	sadd.s32 @!p0 s3, s7;
	s7 =	simm.s32 @!p0 $0x108  }
0x21: {  	s3 =	sadd.s32 s3, s9;
	s6 =	sadd.s32 @!p0 $0x88, s6;
	s7 =	simm.s32 @p2 $0x1082  }
0x22: {  	[simem:s7], [sflag:s8] =	dma.local @!p0 [hbm:s6], $0xF7A  }
0x23: {  	s9 =	sor.u32 $0xD0000000, s2;
	s6 =	simm.s32 $0x108;
	_ =	swait.ge @!p0 [sflag:s8], $0x0  }
0x24: {  	s3 =	sadd.s32 $0x88, s3;
	s6 =	simm.s32 @!p1 $0x1082;
	[sflag:s4] =	ssyncset.s32 $0xFFFFF086  }
0x25: {  	[simem:s6], [sflag:s4] =	dma.local [hbm:s3], $0xF7A  }
0x26: {  	[smem:$0x3F97] =	sst s1;
	(tag) =	ssettag s2;
	_ =	strace s9  }
0x27: {  	s1 =	sld [smem:$0x3FA7]  }
0x28: {  	s2 =	sld [smem:$0x3FA8]  }
0x29: {  	s4 =	sld [smem:$0x3FAA]  }
0x2a: {  	p0 =	seq.s32 s5, $0x0;
	s5 =	sld [smem:$0x3FAB]  }
0x2b: {  	s6 =	sld [smem:$0x3FAC]  }
0x2c: {  	s7 =	sld [smem:$0x3FAD]  }
0x2d: {  	s3 =	simm.s32 $0x108;
	s8 =	sld [smem:$0x3FAE]  }
0x2e: {  	s3 =	simm.s32 @!p0 $0x1082;
	s9 =	sld [smem:$0x3FAF]  }
0x2f: {  	lr =	sadd.s32 s0, s3;
	s0 =	sld [smem:$0x3FA6]  }
0x30: {  	s3 =	sld [smem:$0x3FA9]  }
0x31: {  	[smem:$0x3FB2] =	sst s10  }
0x32: {  	s10 =	sld [smem:$0x3FB0];
	_ =	sdelay $0x3  }
0x33: {  	p0 =	seq.s32 s10, $0x1;
	s10 =	sld [smem:$0x3FB2];
	_ =	sdelay $0x3  }
0x34: {  	[smem:$0x3FB2] =	sst s10  }
0x35: {  	s10 =	sld [smem:$0x3FB1];
	_ =	sdelay $0x3  }
0x36: {  	p1 =	seq.s32 s10, $0x1;
	s10 =	sld [smem:$0x3FB2];
	_ =	sdelay $0x3  }
0x37: {  	[smem:$0x3FB2] =	sst s10  }
0x38: {  	s10 =	sld [smem:$0x3FB3]  }
0x39: {  	_ = 	snop;
	(pc) =	sbr.ind lr, $3  }
0x3a: {  	_ = 	snop  }
0x3b: {  	_ = 	snop  }
0x3c: {  	p2 =	seq.s32 s10, $0x1;
	s10 =	sld [smem:$0x3FB2]  }
0x3d: {  	_ =	shalt  }
0x3e: {  	_ =	shalt  }
0x3f: {  	_ =	shalt  }
0x40: {  	_ =	shalt  }
0x41: {  	_ =	shalt  }
0x42: {  	_ =	shalt  }
0x43: {  	_ =	shalt  }
0x44: {  	_ =	shalt  }
0x45: {  	_ =	shalt  }
0x46: {  	_ =	shalt  }
0x47: {  	_ =	shalt  }
0x48: {  	_ =	shalt  }
0x49: {  	_ =	shalt  }
0x4a: {  	_ =	shalt  }
0x4b: {  	_ =	shalt  }
0x4c: {  	_ =	shalt  }
0x4d: {  	_ =	shalt  }
0x4e: {  	_ =	shalt  }
0x4f: {  	_ =	shalt  }
0x50: {  	_ =	shalt  }
0x51: {  	_ =	shalt  }
0x52: {  	_ =	shalt  }
0x53: {  	_ =	shalt  }
0x54: {  	_ =	shalt  }
0x55: {  	_ =	shalt  }
0x56: {  	_ =	shalt  }
0x57: {  	_ =	shalt  }
0x58: {  	_ =	shalt  }
0x59: {  	_ =	shalt  }
0x5a: {  	_ =	shalt  }
0x5b: {  	_ =	shalt  }
0x5c: {  	_ =	shalt  }
0x5d: {  	_ =	shalt  }
0x5e: {  	_ =	shalt  }
0x5f: {  	_ =	shalt  }
0x60: {  	_ =	shalt  }
0x61: {  	_ =	shalt  }
0x62: {  	_ =	shalt  }
0x63: {  	_ =	shalt  }
0x64: {  	_ =	shalt  }
0x65: {  	_ =	shalt  }
0x66: {  	_ =	shalt  }
0x67: {  	_ =	shalt  }
0x68: {  	_ =	shalt  }
0x69: {  	_ =	shalt  }
0x6a: {  	_ =	shalt  }
0x6b: {  	_ =	shalt  }
0x6c: {  	_ =	shalt  }
0x6d: {  	_ =	shalt  }
0x6e: {  	_ =	shalt  }
0x6f: {  	_ =	shalt  }
0x70: {  	_ =	shalt  }
0x71: {  	_ =	shalt  }
0x72: {  	_ =	shalt  }
0x73: {  	_ =	shalt  }
0x74: {  	_ =	shalt  }
0x75: {  	_ =	shalt  }
0x76: {  	_ =	shalt  }
0x77: {  	_ =	shalt  }
0x78: {  	_ =	shalt  }
0x79: {  	_ =	shalt  }
0x7a: {  	_ =	shalt  }
0x7b: {  	_ =	shalt  }
0x7c: {  	_ =	shalt  }
0x7d: {  	_ =	shalt  }
0x7e: {  	_ =	shalt  }
0x7f: {  	_ =	shalt  }
0x80: {  	_ =	shalt  }
0x81: {  	_ =	shalt  }
0x82: {  	_ =	shalt  }
0x83: {  	_ =	shalt  }
0x84: {  	_ =	shalt  }
0x85: {  	_ =	shalt  }
0x86: {  	_ =	shalt  }
0x87: {  	_ =	shalt  }
.Lfunc_end0:
.L_simem_size_0:
called_computation.1_lowered:
.L_overlay_start_0:
0x88: {  	s2 =	sld [smem:$0x3FD9]  }
0x89: {  	s3 =	sld [smem:$0x3FFE];
	_ =	sdelay $0x1  }
0x8a: {  	s1 =	srdreg.scid  }
0x8b: {  	s0 =	sand.u32 $0x1, s1  }
0x8c: {  	s16 =	sshll.u32 s0, $0xA;
	s2 =	sadd.s32 s3, s2  }
0x8d: {  	s2 =	sadd.s32 s2, s16  }
0x8e: {  	[smem:$0x3FBE] =	sst s2  }
0x8f: {  	_ = 	snop  }
0x90: {  	(tm) =	ssettm $0x1  }
0x91: {  	s17 =	sld [smem:$0x3FFB];
	_ =	sdelay $0x3  }
0x92: {  	_ =	strace s17  }
0x93: {  	s2 =	sld [smem:$0x3FFC];
	_ =	sdelay $0x3  }
0x94: {  	_ =	strace s2  }
0x95: {  	s2 =	sld [smem:$0x3FFD];
	_ =	sdelay $0x3  }
0x96: {  	_ =	strace s2  }
0x97: {  	_ =	strace $0x8FFFFFFF  }
0x98: {  	s18 =	sld [smem:$0x3FDB];
	_ =	sdelay $0x1  }
0x99: {  	s19 =	simm.s32 $_scs_section_size  }
0x9a: {  	s4 =	simm.s32 $_size__tile_overlayer_lowered;
	s5 =	simm.s32 $_tile_overlayer_lowered  }
0x9b: {  	s22 =	simm.s32 $0x1BFF;
	s21 =	sshll.u32 s5, $0x1;
	s2 =	sadd.s32 s19, s18  }
0x9c: {  	s6 =	simm.s32 $0x0;
	s20 =	sshll.u32 s4, $0x1;
	s4 =	sadd.s32 s21, s2  }
0x9d: {  	[timem:s6], [sflag:s22] =	dma.local [hbm:s4], s20  }
0x9e: {  	_ =	swait.ge [sflag:s22], s20  }
0x9f: {  	s3 =	ssub.s32 $0x0, s20;
	[sflag:s22] =	ssyncset.done $0x0  }
0xa0: {  	[sflag:s22] =	ssyncadd.s32 s3;
	_ =	sdelay $0x1  }
0xa1: {  	s23 =	simm.s32 $0x1B8B  }
0xa2: {  	_ =	swait.ge [sflag:s23], $0x1  }
0xa3: {  	[sflag:s23] =	ssyncset.done $0x0  }
0xa4: {  	s25 =	simm.s32 $0x1B8E;
	s24 =	sld [smem:$0x3FFE];
	[sflag:s23] =	ssyncadd.s32 $0xFFFFFFFF  }
0xa5: {  	s26 =	simm.s32 $execute0_lowered;
	[smem:$0x3FD2] =	sst s25  }
0xa6: {  	s4 =	sshll.u32 s26, $0x1;
	_ =	strace $0x80000049;
	[dreg:$0x1] =	wrdreg $0xFFFFFFFF  }
0xa7: {  	s28 =	simm.s32 $_size_execute0_lowered;
	s2 =	sadd.s32 s2, s4;
	[dreg:$0x0] =	wrdreg $0x0  }
0xa8: {  	s4 =	sshll.u32 s28, $0x1;
	[dreg:$0x2] =	wrdreg s2  }
0xa9: {  	[dreg:$0x3] =	wrdreg s4  }
0xaa: {  	[dreg:$0x4] =	wrdreg $0xC0  }
0xab: {  	_ =	task [dreg:s6], $0x5FFFF  }
0xac: {  	[dreg:$0x1] =	wrdreg $0xFFFFFFFF  }
0xad: {  	[dreg:$0x0] =	wrdreg $0x60  }
0xae: {  	[dreg:$0x2] =	wrdreg s24  }
0xaf: {  	[dreg:$0x3] =	wrdreg $0x78000  }
0xb0: {  	[dreg:$0x4] =	wrdreg $0x9  }
0xb1: {  	_ =	task.clear_ibuf [dreg:s6], $0x5FFFF;
	_ =	strace $0x90000049  }
0xb2: {  	s29 =	simm.s32 $0x9;
	_ =	strace $0x8000004B  }
0xb3: {  	_ =	swait.ge [sflag:s29], $0x1  }
0xb4: {  	[sflag:s29] =	ssyncadd.s32 $0xFFFFFFFF  }
0xb5: {  	_ =	strace $0x9000004B  }
0xb6: {  	_ =	sfence  }
0xb7: {  	s30 =	sld [smem:$0x0];
	_ =	sdelay $0x2  }
0xb8: {  	s31 =	sshll.u32 s1, $0xD;
	s1 =	sshrl.u32 s1, $0x2  }
0xb9: {  	s3 =	sand.u32 $0x4000, s31;
	s1 =	sadd.s32 s1, s30  }
0xba: {  	s0 =	sor.u32 s3, s0;
	s1 =	sshll.u32 s1, $0x11  }
0xbb: {  	s0 =	sor.u32 s1, s0  }
0xbc: {  	s0 =	sadd.s32 $0x8F2B, s0  }
0xbd: {  	[sflag:s0] =	ssyncadd.remote.s32 $0x1  }
0xbe: {  	_ =	sfence.sel $0xFFFF  }
0xbf: {  	[dreg:$0x0] =	wrdreg $0xFFFFFFFF;
	(pc) =	sbr.abs _section_cstart, $3  }
0xc0: {  	[dreg:$0x1] =	wrdreg $0xFFFFFFFF  }
0xc1: {  	_ =	task.clear_ibuf [dreg:s6], $0x2FFFF;
	_ =	strace $0x9FFFFFFF  }
0xc2: {  	(tm) =	ssettm $0x7FFFFFFF  }
0xc3: {  	_ =	shalt  }
tec
execute0_lowered:
.L_overlay_start_1:
0x0: {  	(tag) =	ssettag $0x1  }
0x1: {  	s0 =	srdreg.scid;
	s5 =	rddreg [dreg:$0x0]  }
0x2: {  	s9 =	stileid.u32;
	s2 =	rddreg [dreg:$0x1];
	s3 =	simm.s32 $0x0  }
0x3: {  	s15 =	simm.s32 $0x80;
	s17 =	simm.s32 $0x100;
	[smem:$0x7FF] =	sst s3  }
0x4: {  	s18 =	simm.s32 $0xC80;
	_ =	strace $0x8000004A;
	[dreg:$0x5] =	wrdreg s15  }
0x5: {  	s19 =	simm.s32 $0x180;
	s20 =	simm.s32 $0xD00;
	[dreg:$0x6] =	wrdreg s17  }
0x6: {  	s21 =	simm.s32 $0x200;
	s22 =	simm.s32 $0xD80;
	[dreg:$0x7] =	wrdreg s18  }
0x7: {  	s24 =	simm.s32 $0x280;
	s26 =	simm.s32 $0xE00;
	[dreg:$0x8] =	wrdreg s19  }
0x8: {  	s10 =	simm.s32 $0x300;
	s12 =	simm.s32 $0xE80;
	[dreg:$0x9] =	wrdreg s20  }
0x9: {  	s13 =	simm.s32 $0x380;
	s1 =	smul.u32 $0x3C00, s9;
	[dreg:$0xa] =	wrdreg s21  }
0xa: {  	s28 =	simm.s32 $0x900;
	s6 =	smul.u32 $0x780, s9;
	[dreg:$0xb] =	wrdreg s22  }
0xb: {  	s29 =	simm.s32 $0x1480;
	s16 =	smul.u32 $0x2800, s9;
	[dreg:$0xc] =	wrdreg s24  }
0xc: {  	s0 =	sand.u32 $0x1, s0;
	s25 =	smul.u32 $0x50000, s9;
	[dreg:$0xd] =	wrdreg s26  }
0xd: {  	s30 =	simm.s32 $0x980;
	s4 =	smul.u32 $0x3C000, s0;
	[dreg:$0xe] =	wrdreg s10  }
0xe: {  	s31 =	simm.s32 $0x1500;
	s7 =	smul.u32 $0x28000, s0;
	[dreg:$0xf] =	wrdreg s12  }
0xf: {  	s0 =	ssub.s32 $0x2, s0;
	[dreg:$0x10] =	wrdreg s13;
	s15 =	simm.s32 $0xF00  }
0x10: {  	s17 =	simm.s32 $0x400;
	s18 =	simm.s32 $0xF80;
	[dreg:$0x11] =	wrdreg s15  }
0x11: {  	s19 =	simm.s32 $0x480;
	s20 =	simm.s32 $0x1000;
	[dreg:$0x12] =	wrdreg s17  }
0x12: {  	s21 =	simm.s32 $0x500;
	s10 =	simm.s32 $0x3;
	[dreg:$0x13] =	wrdreg s18  }
0x13: {  	s22 =	simm.s32 $0x1080;
	s12 =	simm.s32 $0x60;
	[dreg:$0x14] =	wrdreg s19  }
0x14: {  	s24 =	simm.s32 $0x1100;
	s13 =	simm.s32 $0x1800;
	[dreg:$0x15] =	wrdreg s20  }
0x15: {  	s26 =	simm.s32 $0x1180;
	s14 =	sadd.s32 s6, s5;
	[dreg:$0x16] =	wrdreg s21  }
0x16: {  	s8 =	sadd.s32 s16, s5;
	s23 =	sshrl.u32 s0, $0x1;
	[dreg:$0x17] =	wrdreg s22  }
0x17: {  	s11 =	sshrl.u32 s25, $0x2;
	[dreg:$0x19] =	wrdreg s24;
	s25 =	simm.s32 $0x600  }
0x18: {  	s15 =	simm.s32 $0x1;
	[dreg:$0x1b] =	wrdreg s26;
	s17 =	simm.s32 $0x680  }
0x19: {  	s18 =	simm.s32 $0x1200;
	s19 =	simm.s32 $0x700;
	s20 =	simm.s32 $0x1280  }
0x1a: {  	s21 =	simm.s32 $0x780;
	s22 =	simm.s32 $0x1300;
	s24 =	simm.s32 $0x1380  }
0x1b: {  	s26 =	simm.s32 $0x1400;
	s1 =	sadd.s32 s1, s4;
	s4 =	sadd.s32 $0x5C600, s14  }
0x1c: {  	s6 =	sadd.s32 s16, s7;
	s0 =	ssub.s32 s0, s23;
	s14 =	sadd.s32 $0xC2E00, s8  }
0x1d: {  	s16 =	sshll.u32 s9, $0x6;
	s23 =	simm.s32 $0x580;
	[dreg:$0x1a] =	wrdreg s25  }
0x1e: {  	s25 =	simm.s32 $0x880;
	s9 =	simm.s32 $0x0;
	[dreg:$0x3] =	wrdreg s4  }
0x1f: {  	s1 =	sshrl.u32 s1, $0x3;
	s4 =	sadd.s32 $0x72E00, s5;
	[dreg:$0x1c] =	wrdreg s14  }
0x20: {  	s7 =	sor.u32 $0x1C03, s16;
	s0 =	smax.u32 s0, $0x1;
	[dreg:$0x18] =	wrdreg s23  }
0x21: {  	s14 =	simm.s32 $0x4800;
	s16 =	simm.s32 $0x2;
	s23 =	simm.s32 $0x800  }
0x22: {  	s1 =	sadd.s32 s1, s5;
	s5 =	sadd.s32 s6, s5;
	[dreg:$0x1f] =	wrdreg s0  }
0x23: {  	s6 =	sadd.s32 s11, s2;
	[dreg:$0x1d] =	wrdreg s7;
	s1 =	sadd.s32 $0x63E00, s1  }
0x24: {  	s11 =	simm.s32 $0xC00;
	s5 =	sadd.s32 $0xEAE00, s5;
	[dreg:$0x4] =	wrdreg s1  }
0x25: {  	s0 =	simm.s32 $0x1580;
	s8 =	sshrl.u32 s6, $0x3;
	[dreg:$0x1e] =	wrdreg s5  }
0x26: {  	s1 =	simm.s32 $0xA00;
	s5 =	simm.s32 $0x1600;
	[smem:$0x7FD] =	sst s8  }
.LBB2_1:
0x27: {  	[smem:$0x7FC] =	sst s9  }
0x28: {  	s6 =	rddreg [dreg:$0x1c]  }
0x29: {  	[spmem:s8], [sflag:s7] =	dma.local [hbm:s6], $0x2800  }
0x2a: {  	_ =	swait.ge [sflag:s10], $0x2800  }
0x2b: {  	[sflag:s10] =	ssyncset.done $0x0  }
0x2c: {  	[sflag:s10] =	ssyncadd.s32 $0xFFFFD800  }
0x2d: {  	[bflag:$0x0] =	sbarrier.arrive $0xFFFF  }
0x2e: {  	s9 =	rddreg [dreg:$0x4]  }
0x2f: {  	s6 =	sadd.s32 $0x0, s9  }
0x30: {  	[tilespmem:s3], [sflag:$0x3] =	stream.linear.gather [hbm4b:s6+s3], $0xA80, $0x38;
	[tilespmem:$0x1B800] =	vst v63  }
0x31: {  	_ =	swait.ge [sflag:s10], $0xA80  }
0x32: {  	s7 =	rddreg [dreg:$0x3];
	[sflag:s10] =	ssyncset.done $0x0  }
0x33: {  	[sflag:s10] =	ssyncadd.s32 $0xFFFFF580;
	s6 =	sadd.s32 $0x0, s7  }
0x34: {  	[tilespmem:s11], [sflag:$0x3] =	stream.linear.gather [hbm4b:s6+s3], $0xA80, $0x38;
	[tilespmem:$0x1B800] =	vst v63  }
0x35: {  	_ =	swait.ge [sflag:s10], $0xA80  }
0x36: {  	[sflag:s10] =	ssyncset.done $0x0  }
0x37: {  	[sflag:s10] =	ssyncadd.s32 $0xFFFFF580  }
0x38: {  	[tilespmem:s13], [sflag:$0x1] =	stream.indirect.gather [hbm4b:s4+s12], $0x80, s3, s12, $0xb8;
	[tilespmem:$0x1B800] =	vst v63  }
0x39: {  	s8 =	rddreg [dreg:$0x5]  }
0x3a: {  	[tilespmem:s14], [sflag:$0x2] =	stream.indirect.gather [hbm4b:s4+s12], $0x80, s8, s12, $0xb8;
	[tilespmem:$0x1B800] =	vst v63  }
0x3b: {  	_ =	swait.ge [sflag:s15], $0x3000  }
0x3c: {  	[sflag:s15] =	ssyncset.done $0x0  }
0x3d: {  	[sflag:s15] =	ssyncadd.s32 $0xFFFFD000  }
0x3e: {  	[spmem:s2] =	stream.indirect.scatter.add.f32 [tilespmem:s13], [sflag:$0x3], $0x80, s11, s12, $0xb8;
	[tilespmem:$0x1B800] =	vst v63  }
0x3f: {  	_ =	swait.ge [sflag:s10], $0x3000  }
0x40: {  	[sflag:s10] =	ssyncset.done $0x0  }
0x41: {  	s9 =	rddreg [dreg:$0x6];
	[sflag:s10] =	ssyncadd.s32 $0xFFFFD000  }
0x42: {  	[tilespmem:s13], [sflag:$0x1] =	stream.indirect.gather [hbm4b:s4+s12], $0x80, s9, s12, $0xb8;
	[tilespmem:$0x1B800] =	vst v63  }
0x43: {  	_ =	swait.ge [sflag:s16], $0x3000  }
0x44: {  	[sflag:s16] =	ssyncset.done $0x0  }
0x45: {  	s7 =	rddreg [dreg:$0x7];
	[sflag:s16] =	ssyncadd.s32 $0xFFFFD000  }
0x46: {  	[spmem:s2] =	stream.indirect.scatter.add.f32 [tilespmem:s14], [sflag:$0x3], $0x80, s7, s12, $0xb8;
	[tilespmem:$0x1B800] =	vst v63  }
0x47: {  	_ =	swait.ge [sflag:s10], $0x3000  }
0x48: {  	[sflag:s10] =	ssyncset.done $0x0  }
0x49: {  	s8 =	rddreg [dreg:$0x8];
	[sflag:s10] =	ssyncadd.s32 $0xFFFFD000  }
0x4a: {  	[tilespmem:s14], [sflag:$0x2] =	stream.indirect.gather [hbm4b:s4+s12], $0x80, s8, s12, $0xb8;
	[tilespmem:$0x1B800] =	vst v63  }
0x4b: {  	_ =	swait.ge [sflag:s15], $0x3000  }
0x4c: {  	[sflag:s15] =	ssyncset.done $0x0  }
0x4d: {  	s9 =	rddreg [dreg:$0x9];
	[sflag:s15] =	ssyncadd.s32 $0xFFFFD000  }
0x4e: {  	[spmem:s2] =	stream.indirect.scatter.add.f32 [tilespmem:s13], [sflag:$0x3], $0x80, s9, s12, $0xb8;
	[tilespmem:$0x1B800] =	vst v63  }
0x4f: {  	_ =	swait.ge [sflag:s10], $0x3000  }
0x50: {  	[sflag:s10] =	ssyncset.done $0x0  }
0x51: {  	s7 =	rddreg [dreg:$0xa];
	[sflag:s10] =	ssyncadd.s32 $0xFFFFD000  }
0x52: {  	[tilespmem:s13], [sflag:$0x1] =	stream.indirect.gather [hbm4b:s4+s12], $0x80, s7, s12, $0xb8;
	[tilespmem:$0x1B800] =	vst v63  }
0x53: {  	_ =	swait.ge [sflag:s16], $0x3000  }
0x54: {  	[sflag:s16] =	ssyncset.done $0x0  }
0x55: {  	s8 =	rddreg [dreg:$0xb];
	[sflag:s16] =	ssyncadd.s32 $0xFFFFD000  }
0x56: {  	[spmem:s2] =	stream.indirect.scatter.add.f32 [tilespmem:s14], [sflag:$0x3], $0x80, s8, s12, $0xb8;
	[tilespmem:$0x1B800] =	vst v63  }
0x57: {  	_ =	swait.ge [sflag:s10], $0x3000  }
0x58: {  	[sflag:s10] =	ssyncset.done $0x0  }
0x59: {  	s9 =	rddreg [dreg:$0xc];
	[sflag:s10] =	ssyncadd.s32 $0xFFFFD000  }
0x5a: {  	[tilespmem:s14], [sflag:$0x2] =	stream.indirect.gather [hbm4b:s4+s12], $0x80, s9, s12, $0xb8;
	[tilespmem:$0x1B800] =	vst v63  }
0x5b: {  	_ =	swait.ge [sflag:s15], $0x3000  }
0x5c: {  	[sflag:s15] =	ssyncset.done $0x0  }
0x5d: {  	s7 =	rddreg [dreg:$0xd];
	[sflag:s15] =	ssyncadd.s32 $0xFFFFD000  }
0x5e: {  	[spmem:s2] =	stream.indirect.scatter.add.f32 [tilespmem:s13], [sflag:$0x3], $0x80, s7, s12, $0xb8;
	[tilespmem:$0x1B800] =	vst v63  }
0x5f: {  	_ =	swait.ge [sflag:s10], $0x3000  }
0x60: {  	[sflag:s10] =	ssyncset.done $0x0  }
0x61: {  	s8 =	rddreg [dreg:$0xe];
	[sflag:s10] =	ssyncadd.s32 $0xFFFFD000  }
0x62: {  	[tilespmem:s13], [sflag:$0x1] =	stream.indirect.gather [hbm4b:s4+s12], $0x80, s8, s12, $0xb8;
	[tilespmem:$0x1B800] =	vst v63  }
0x63: {  	_ =	swait.ge [sflag:s16], $0x3000  }
0x64: {  	[sflag:s16] =	ssyncset.done $0x0  }
0x65: {  	s9 =	rddreg [dreg:$0xf];
	[sflag:s16] =	ssyncadd.s32 $0xFFFFD000  }
0x66: {  	[spmem:s2] =	stream.indirect.scatter.add.f32 [tilespmem:s14], [sflag:$0x3], $0x80, s9, s12, $0xb8;
	[tilespmem:$0x1B800] =	vst v63  }
0x67: {  	_ =	swait.ge [sflag:s10], $0x3000  }
0x68: {  	[sflag:s10] =	ssyncset.done $0x0  }
0x69: {  	s7 =	rddreg [dreg:$0x10];
	[sflag:s10] =	ssyncadd.s32 $0xFFFFD000  }
0x6a: {  	[tilespmem:s14], [sflag:$0x2] =	stream.indirect.gather [hbm4b:s4+s12], $0x80, s7, s12, $0xb8;
	[tilespmem:$0x1B800] =	vst v63  }
0x6b: {  	_ =	swait.ge [sflag:s15], $0x3000  }
0x6c: {  	[sflag:s15] =	ssyncset.done $0x0  }
0x6d: {  	s8 =	rddreg [dreg:$0x11];
	[sflag:s15] =	ssyncadd.s32 $0xFFFFD000  }
0x6e: {  	[spmem:s2] =	stream.indirect.scatter.add.f32 [tilespmem:s13], [sflag:$0x3], $0x80, s8, s12, $0xb8;
	[tilespmem:$0x1B800] =	vst v63  }
0x6f: {  	_ =	swait.ge [sflag:s10], $0x3000  }
0x70: {  	[sflag:s10] =	ssyncset.done $0x0  }
0x71: {  	s9 =	rddreg [dreg:$0x12];
	[sflag:s10] =	ssyncadd.s32 $0xFFFFD000  }
0x72: {  	[tilespmem:s13], [sflag:$0x1] =	stream.indirect.gather [hbm4b:s4+s12], $0x80, s9, s12, $0xb8;
	[tilespmem:$0x1B800] =	vst v63  }
0x73: {  	_ =	swait.ge [sflag:s16], $0x3000  }
0x74: {  	[sflag:s16] =	ssyncset.done $0x0  }
0x75: {  	s7 =	rddreg [dreg:$0x13];
	[sflag:s16] =	ssyncadd.s32 $0xFFFFD000  }
0x76: {  	[spmem:s2] =	stream.indirect.scatter.add.f32 [tilespmem:s14], [sflag:$0x3], $0x80, s7, s12, $0xb8;
	[tilespmem:$0x1B800] =	vst v63  }
0x77: {  	_ =	swait.ge [sflag:s10], $0x3000  }
0x78: {  	[sflag:s10] =	ssyncset.done $0x0  }
0x79: {  	s8 =	rddreg [dreg:$0x14];
	[sflag:s10] =	ssyncadd.s32 $0xFFFFD000  }
0x7a: {  	[tilespmem:s14], [sflag:$0x2] =	stream.indirect.gather [hbm4b:s4+s12], $0x80, s8, s12, $0xb8;
	[tilespmem:$0x1B800] =	vst v63  }
0x7b: {  	_ =	swait.ge [sflag:s15], $0x3000  }
0x7c: {  	[sflag:s15] =	ssyncset.done $0x0  }
0x7d: {  	s9 =	rddreg [dreg:$0x15];
	[sflag:s15] =	ssyncadd.s32 $0xFFFFD000  }
0x7e: {  	[spmem:s2] =	stream.indirect.scatter.add.f32 [tilespmem:s13], [sflag:$0x3], $0x80, s9, s12, $0xb8;
	[tilespmem:$0x1B800] =	vst v63  }
0x7f: {  	_ =	swait.ge [sflag:s10], $0x3000  }
0x80: {  	[sflag:s10] =	ssyncset.done $0x0  }
0x81: {  	s7 =	rddreg [dreg:$0x16];
	[sflag:s10] =	ssyncadd.s32 $0xFFFFD000  }
0x82: {  	[tilespmem:s13], [sflag:$0x1] =	stream.indirect.gather [hbm4b:s4+s12], $0x80, s7, s12, $0xb8;
	[tilespmem:$0x1B800] =	vst v63  }
0x83: {  	_ =	swait.ge [sflag:s16], $0x3000  }
0x84: {  	[sflag:s16] =	ssyncset.done $0x0  }
0x85: {  	s8 =	rddreg [dreg:$0x17];
	[sflag:s16] =	ssyncadd.s32 $0xFFFFD000  }
0x86: {  	[spmem:s2] =	stream.indirect.scatter.add.f32 [tilespmem:s14], [sflag:$0x3], $0x80, s8, s12, $0xb8;
	[tilespmem:$0x1B800] =	vst v63  }
0x87: {  	_ =	swait.ge [sflag:s10], $0x3000  }
0x88: {  	[sflag:s10] =	ssyncset.done $0x0  }
0x89: {  	s9 =	rddreg [dreg:$0x18];
	[sflag:s10] =	ssyncadd.s32 $0xFFFFD000  }
0x8a: {  	[tilespmem:s14], [sflag:$0x2] =	stream.indirect.gather [hbm4b:s4+s12], $0x80, s9, s12, $0xb8;
	[tilespmem:$0x1B800] =	vst v63  }
0x8b: {  	_ =	swait.ge [sflag:s15], $0x3000  }
0x8c: {  	[sflag:s15] =	ssyncset.done $0x0  }
0x8d: {  	s7 =	rddreg [dreg:$0x19];
	[sflag:s15] =	ssyncadd.s32 $0xFFFFD000  }
0x8e: {  	[spmem:s2] =	stream.indirect.scatter.add.f32 [tilespmem:s13], [sflag:$0x3], $0x80, s7, s12, $0xb8;
	[tilespmem:$0x1B800] =	vst v63  }
0x8f: {  	_ =	swait.ge [sflag:s10], $0x3000  }
0x90: {  	[sflag:s10] =	ssyncset.done $0x0  }
0x91: {  	s8 =	rddreg [dreg:$0x1a];
	[sflag:s10] =	ssyncadd.s32 $0xFFFFD000  }
0x92: {  	[tilespmem:s13], [sflag:$0x1] =	stream.indirect.gather [hbm4b:s4+s12], $0x80, s8, s12, $0xb8;
	[tilespmem:$0x1B800] =	vst v63  }
0x93: {  	_ =	swait.ge [sflag:s16], $0x3000  }
0x94: {  	[sflag:s16] =	ssyncset.done $0x0  }
0x95: {  	s9 =	rddreg [dreg:$0x1b];
	[sflag:s16] =	ssyncadd.s32 $0xFFFFD000  }
0x96: {  	[spmem:s2] =	stream.indirect.scatter.add.f32 [tilespmem:s14], [sflag:$0x3], $0x80, s9, s12, $0xb8;
	[tilespmem:$0x1B800] =	vst v63  }
0x97: {  	_ =	swait.ge [sflag:s10], $0x3000  }
0x98: {  	[sflag:s10] =	ssyncset.done $0x0  }
0x99: {  	[sflag:s10] =	ssyncadd.s32 $0xFFFFD000  }
0x9a: {  	[tilespmem:s14], [sflag:$0x2] =	stream.indirect.gather [hbm4b:s4+s12], $0x80, s17, s12, $0xb8;
	[tilespmem:$0x1B800] =	vst v63  }
0x9b: {  	_ =	swait.ge [sflag:s15], $0x3000  }
0x9c: {  	[sflag:s15] =	ssyncset.done $0x0  }
0x9d: {  	[sflag:s15] =	ssyncadd.s32 $0xFFFFD000  }
0x9e: {  	[spmem:s2] =	stream.indirect.scatter.add.f32 [tilespmem:s13], [sflag:$0x3], $0x80, s18, s12, $0xb8;
	[tilespmem:$0x1B800] =	vst v63  }
0x9f: {  	_ =	swait.ge [sflag:s10], $0x3000  }
0xa0: {  	[sflag:s10] =	ssyncset.done $0x0  }
0xa1: {  	[sflag:s10] =	ssyncadd.s32 $0xFFFFD000  }
0xa2: {  	[tilespmem:s13], [sflag:$0x1] =	stream.indirect.gather [hbm4b:s4+s12], $0x80, s19, s12, $0xb8;
	[tilespmem:$0x1B800] =	vst v63  }
0xa3: {  	_ =	swait.ge [sflag:s16], $0x3000  }
0xa4: {  	[sflag:s16] =	ssyncset.done $0x0  }
0xa5: {  	[sflag:s16] =	ssyncadd.s32 $0xFFFFD000  }
0xa6: {  	[spmem:s2] =	stream.indirect.scatter.add.f32 [tilespmem:s14], [sflag:$0x3], $0x80, s20, s12, $0xb8;
	[tilespmem:$0x1B800] =	vst v63  }
0xa7: {  	_ =	swait.ge [sflag:s10], $0x3000  }
0xa8: {  	[sflag:s10] =	ssyncset.done $0x0  }
0xa9: {  	[sflag:s10] =	ssyncadd.s32 $0xFFFFD000  }
0xaa: {  	[tilespmem:s14], [sflag:$0x2] =	stream.indirect.gather [hbm4b:s4+s12], $0x80, s21, s12, $0xb8;
	[tilespmem:$0x1B800] =	vst v63  }
0xab: {  	_ =	swait.ge [sflag:s15], $0x3000  }
0xac: {  	[sflag:s15] =	ssyncset.done $0x0  }
0xad: {  	[sflag:s15] =	ssyncadd.s32 $0xFFFFD000  }
0xae: {  	[spmem:s2] =	stream.indirect.scatter.add.f32 [tilespmem:s13], [sflag:$0x3], $0x80, s22, s12, $0xb8;
	[tilespmem:$0x1B800] =	vst v63  }
0xaf: {  	_ =	swait.ge [sflag:s10], $0x3000  }
0xb0: {  	[sflag:s10] =	ssyncset.done $0x0  }
0xb1: {  	[sflag:s10] =	ssyncadd.s32 $0xFFFFD000  }
0xb2: {  	[tilespmem:s13], [sflag:$0x1] =	stream.indirect.gather [hbm4b:s4+s12], $0x80, s23, s12, $0xb8;
	[tilespmem:$0x1B800] =	vst v63  }
0xb3: {  	_ =	swait.ge [sflag:s16], $0x3000  }
0xb4: {  	[sflag:s16] =	ssyncset.done $0x0  }
0xb5: {  	[sflag:s16] =	ssyncadd.s32 $0xFFFFD000  }
0xb6: {  	[spmem:s2] =	stream.indirect.scatter.add.f32 [tilespmem:s14], [sflag:$0x3], $0x80, s24, s12, $0xb8;
	[tilespmem:$0x1B800] =	vst v63  }
0xb7: {  	_ =	swait.ge [sflag:s10], $0x3000  }
0xb8: {  	[sflag:s10] =	ssyncset.done $0x0  }
0xb9: {  	[sflag:s10] =	ssyncadd.s32 $0xFFFFD000  }
0xba: {  	[tilespmem:s14], [sflag:$0x2] =	stream.indirect.gather [hbm4b:s4+s12], $0x80, s25, s12, $0xb8;
	[tilespmem:$0x1B800] =	vst v63  }
0xbb: {  	_ =	swait.ge [sflag:s15], $0x3000  }
0xbc: {  	[sflag:s15] =	ssyncset.done $0x0  }
0xbd: {  	[sflag:s15] =	ssyncadd.s32 $0xFFFFD000  }
0xbe: {  	[spmem:s2] =	stream.indirect.scatter.add.f32 [tilespmem:s13], [sflag:$0x3], $0x80, s26, s12, $0xb8;
	[tilespmem:$0x1B800] =	vst v63  }
0xbf: {  	_ =	swait.ge [sflag:s10], $0x3000  }
0xc0: {  	[sflag:s10] =	ssyncset.done $0x0  }
0xc1: {  	[sflag:s10] =	ssyncadd.s32 $0xFFFFD000  }
0xc2: {  	[tilespmem:s13], [sflag:$0x1] =	stream.indirect.gather [hbm4b:s4+s12], $0x80, s28, s12, $0xb8;
	[tilespmem:$0x1B800] =	vst v63  }
0xc3: {  	_ =	swait.ge [sflag:s16], $0x3000  }
0xc4: {  	[sflag:s16] =	ssyncset.done $0x0  }
0xc5: {  	[sflag:s16] =	ssyncadd.s32 $0xFFFFD000  }
0xc6: {  	[spmem:s2] =	stream.indirect.scatter.add.f32 [tilespmem:s14], [sflag:$0x3], $0x80, s29, s12, $0xb8;
	[tilespmem:$0x1B800] =	vst v63  }
0xc7: {  	_ =	swait.ge [sflag:s10], $0x3000  }
0xc8: {  	[sflag:s10] =	ssyncset.done $0x0  }
0xc9: {  	[sflag:s10] =	ssyncadd.s32 $0xFFFFD000  }
0xca: {  	[tilespmem:s14], [sflag:$0x2] =	stream.indirect.gather [hbm4b:s4+s12], $0x80, s30, s12, $0xb8;
	[tilespmem:$0x1B800] =	vst v63  }
0xcb: {  	_ =	swait.ge [sflag:s15], $0x3000  }
0xcc: {  	[sflag:s15] =	ssyncset.done $0x0  }
0xcd: {  	[sflag:s15] =	ssyncadd.s32 $0xFFFFD000  }
0xce: {  	[spmem:s2] =	stream.indirect.scatter.add.f32 [tilespmem:s13], [sflag:$0x3], $0x80, s31, s12, $0xb8;
	[tilespmem:$0x1B800] =	vst v63  }
0xcf: {  	_ =	swait.ge [sflag:s10], $0x3000  }
0xd0: {  	[sflag:s10] =	ssyncset.done $0x0  }
0xd1: {  	[sflag:s10] =	ssyncadd.s32 $0xFFFFD000  }
0xd2: {  	[tilespmem:s13], [sflag:$0x1] =	stream.indirect.gather [hbm4b:s4+s12], $0x80, s1, s12, $0xb8;
	[tilespmem:$0x1B800] =	vst v63  }
0xd3: {  	_ =	swait.ge [sflag:s16], $0x3000  }
0xd4: {  	[sflag:s16] =	ssyncset.done $0x0  }
0xd5: {  	[sflag:s16] =	ssyncadd.s32 $0xFFFFD000  }
0xd6: {  	[spmem:s2] =	stream.indirect.scatter.add.f32 [tilespmem:s14], [sflag:$0x3], $0x80, s0, s12, $0xb8;
	[tilespmem:$0x1B800] =	vst v63  }
0xd7: {  	_ =	swait.ge [sflag:s10], $0x3000  }
0xd8: {  	[sflag:s10] =	ssyncset.done $0x0  }
0xd9: {  	[sflag:s10] =	ssyncadd.s32 $0xFFFFD000  }
0xda: {  	_ =	swait.ge [sflag:s15], $0x3000  }
0xdb: {  	[sflag:s15] =	ssyncset.done $0x0  }
0xdc: {  	[sflag:s15] =	ssyncadd.s32 $0xFFFFD000  }
0xdd: {  	[spmem:s2] =	stream.indirect.scatter.add.f32 [tilespmem:s13], [sflag:$0x3], $0x80, s5, s12, $0xb8;
	[tilespmem:$0x1B800] =	vst v63  }
0xde: {  	s6 =	simm.s32 $0x300;
	_ =	swait.ge [sflag:s10], $0x3000  }
0xdf: {  	s8 =	simm.s32 $0x180;
	s9 =	rddreg [dreg:$0x4];
	[sflag:s10] =	ssyncset.done $0x0  }
.LBB2_2:
0xe0: {  	[sflag:s10] =	ssyncadd.s32 $0xFFFFD000;
	s9 =	sadd.s32 s8, s9  }
0xe1: {  	[tilespmem:s3], [sflag:$0x3] =	stream.linear.gather [hbm4b:s9+s3], $0xA80, $0x38;
	[tilespmem:$0x1B800] =	vst v63  }
0xe2: {  	_ =	swait.ge [sflag:s10], $0xA80  }
0xe3: {  	s9 =	rddreg [dreg:$0x3];
	[sflag:s10] =	ssyncset.done $0x0  }
0xe4: {  	[sflag:s10] =	ssyncadd.s32 $0xFFFFF580;
	s9 =	sadd.s32 s8, s9  }
0xe5: {  	[tilespmem:s11], [sflag:$0x3] =	stream.linear.gather [hbm4b:s9+s3], $0xA80, $0x38;
	[tilespmem:$0x1B800] =	vst v63  }
0xe6: {  	_ =	swait.ge [sflag:s10], $0xA80  }
0xe7: {  	[sflag:s10] =	ssyncset.done $0x0  }
0xe8: {  	[sflag:s10] =	ssyncadd.s32 $0xFFFFF580  }
0xe9: {  	[tilespmem:s13], [sflag:$0x1] =	stream.indirect.gather [hbm4b:s4+s12], $0x80, s3, s12, $0xb8;
	[tilespmem:$0x1B800] =	vst v63  }
0xea: {  	s9 =	rddreg [dreg:$0x5]  }
0xeb: {  	[tilespmem:s14], [sflag:$0x2] =	stream.indirect.gather [hbm4b:s4+s12], $0x80, s9, s12, $0xb8;
	[tilespmem:$0x1B800] =	vst v63  }
0xec: {  	_ =	swait.ge [sflag:s15], $0x3000  }
0xed: {  	[sflag:s15] =	ssyncset.done $0x0  }
0xee: {  	[sflag:s15] =	ssyncadd.s32 $0xFFFFD000  }
0xef: {  	[spmem:s2] =	stream.indirect.scatter.add.f32 [tilespmem:s13], [sflag:$0x3], $0x80, s11, s12, $0xb8;
	[tilespmem:$0x1B800] =	vst v63  }
0xf0: {  	_ =	swait.ge [sflag:s10], $0x3000  }
0xf1: {  	[sflag:s10] =	ssyncset.done $0x0  }
0xf2: {  	s9 =	rddreg [dreg:$0x6];
	[sflag:s10] =	ssyncadd.s32 $0xFFFFD000  }
0xf3: {  	[tilespmem:s13], [sflag:$0x1] =	stream.indirect.gather [hbm4b:s4+s12], $0x80, s9, s12, $0xb8;
	[tilespmem:$0x1B800] =	vst v63  }
0xf4: {  	_ =	swait.ge [sflag:s16], $0x3000  }
0xf5: {  	[sflag:s16] =	ssyncset.done $0x0  }
0xf6: {  	s9 =	rddreg [dreg:$0x7];
	[sflag:s16] =	ssyncadd.s32 $0xFFFFD000  }
0xf7: {  	[spmem:s2] =	stream.indirect.scatter.add.f32 [tilespmem:s14], [sflag:$0x3], $0x80, s9, s12, $0xb8;
	[tilespmem:$0x1B800] =	vst v63  }
0xf8: {  	_ =	swait.ge [sflag:s10], $0x3000  }
0xf9: {  	[sflag:s10] =	ssyncset.done $0x0  }
0xfa: {  	s9 =	rddreg [dreg:$0x8];
	[sflag:s10] =	ssyncadd.s32 $0xFFFFD000  }
0xfb: {  	[tilespmem:s14], [sflag:$0x2] =	stream.indirect.gather [hbm4b:s4+s12], $0x80, s9, s12, $0xb8;
	[tilespmem:$0x1B800] =	vst v63  }
0xfc: {  	_ =	swait.ge [sflag:s15], $0x3000  }
0xfd: {  	[sflag:s15] =	ssyncset.done $0x0  }
0xfe: {  	s9 =	rddreg [dreg:$0x9];
	[sflag:s15] =	ssyncadd.s32 $0xFFFFD000  }
0xff: {  	[spmem:s2] =	stream.indirect.scatter.add.f32 [tilespmem:s13], [sflag:$0x3], $0x80, s9, s12, $0xb8;
	[tilespmem:$0x1B800] =	vst v63  }
0x100: {  	_ =	swait.ge [sflag:s10], $0x3000  }
0x101: {  	[sflag:s10] =	ssyncset.done $0x0  }
0x102: {  	s9 =	rddreg [dreg:$0xa];
	[sflag:s10] =	ssyncadd.s32 $0xFFFFD000  }
0x103: {  	[tilespmem:s13], [sflag:$0x1] =	stream.indirect.gather [hbm4b:s4+s12], $0x80, s9, s12, $0xb8;
	[tilespmem:$0x1B800] =	vst v63  }
0x104: {  	_ =	swait.ge [sflag:s16], $0x3000  }
0x105: {  	[sflag:s16] =	ssyncset.done $0x0  }
0x106: {  	s9 =	rddreg [dreg:$0xb];
	[sflag:s16] =	ssyncadd.s32 $0xFFFFD000  }
0x107: {  	[spmem:s2] =	stream.indirect.scatter.add.f32 [tilespmem:s14], [sflag:$0x3], $0x80, s9, s12, $0xb8;
	[tilespmem:$0x1B800] =	vst v63  }
0x108: {  	_ =	swait.ge [sflag:s10], $0x3000  }
0x109: {  	[sflag:s10] =	ssyncset.done $0x0  }
0x10a: {  	s9 =	rddreg [dreg:$0xc];
	[sflag:s10] =	ssyncadd.s32 $0xFFFFD000  }
0x10b: {  	[tilespmem:s14], [sflag:$0x2] =	stream.indirect.gather [hbm4b:s4+s12], $0x80, s9, s12, $0xb8;
	[tilespmem:$0x1B800] =	vst v63  }
0x10c: {  	_ =	swait.ge [sflag:s15], $0x3000  }
0x10d: {  	[sflag:s15] =	ssyncset.done $0x0  }
0x10e: {  	s9 =	rddreg [dreg:$0xd];
	[sflag:s15] =	ssyncadd.s32 $0xFFFFD000  }
0x10f: {  	[spmem:s2] =	stream.indirect.scatter.add.f32 [tilespmem:s13], [sflag:$0x3], $0x80, s9, s12, $0xb8;
	[tilespmem:$0x1B800] =	vst v63  }
0x110: {  	_ =	swait.ge [sflag:s10], $0x3000  }
0x111: {  	[sflag:s10] =	ssyncset.done $0x0  }
0x112: {  	s9 =	rddreg [dreg:$0xe];
	[sflag:s10] =	ssyncadd.s32 $0xFFFFD000  }
0x113: {  	[tilespmem:s13], [sflag:$0x1] =	stream.indirect.gather [hbm4b:s4+s12], $0x80, s9, s12, $0xb8;
	[tilespmem:$0x1B800] =	vst v63  }
0x114: {  	_ =	swait.ge [sflag:s16], $0x3000  }
0x115: {  	[sflag:s16] =	ssyncset.done $0x0  }
0x116: {  	s9 =	rddreg [dreg:$0xf];
	[sflag:s16] =	ssyncadd.s32 $0xFFFFD000  }
0x117: {  	[spmem:s2] =	stream.indirect.scatter.add.f32 [tilespmem:s14], [sflag:$0x3], $0x80, s9, s12, $0xb8;
	[tilespmem:$0x1B800] =	vst v63  }
0x118: {  	_ =	swait.ge [sflag:s10], $0x3000  }
0x119: {  	[sflag:s10] =	ssyncset.done $0x0  }
0x11a: {  	s9 =	rddreg [dreg:$0x10];
	[sflag:s10] =	ssyncadd.s32 $0xFFFFD000  }
0x11b: {  	[tilespmem:s14], [sflag:$0x2] =	stream.indirect.gather [hbm4b:s4+s12], $0x80, s9, s12, $0xb8;
	[tilespmem:$0x1B800] =	vst v63  }
0x11c: {  	_ =	swait.ge [sflag:s15], $0x3000  }
0x11d: {  	[sflag:s15] =	ssyncset.done $0x0  }
0x11e: {  	s9 =	rddreg [dreg:$0x11];
	[sflag:s15] =	ssyncadd.s32 $0xFFFFD000  }
0x11f: {  	[spmem:s2] =	stream.indirect.scatter.add.f32 [tilespmem:s13], [sflag:$0x3], $0x80, s9, s12, $0xb8;
	[tilespmem:$0x1B800] =	vst v63  }
0x120: {  	_ =	swait.ge [sflag:s10], $0x3000  }
0x121: {  	[sflag:s10] =	ssyncset.done $0x0  }
0x122: {  	s9 =	rddreg [dreg:$0x12];
	[sflag:s10] =	ssyncadd.s32 $0xFFFFD000  }
0x123: {  	[tilespmem:s13], [sflag:$0x1] =	stream.indirect.gather [hbm4b:s4+s12], $0x80, s9, s12, $0xb8;
	[tilespmem:$0x1B800] =	vst v63  }
0x124: {  	_ =	swait.ge [sflag:s16], $0x3000  }
0x125: {  	[sflag:s16] =	ssyncset.done $0x0  }
0x126: {  	s9 =	rddreg [dreg:$0x13];
	[sflag:s16] =	ssyncadd.s32 $0xFFFFD000  }
0x127: {  	[spmem:s2] =	stream.indirect.scatter.add.f32 [tilespmem:s14], [sflag:$0x3], $0x80, s9, s12, $0xb8;
	[tilespmem:$0x1B800] =	vst v63  }
0x128: {  	_ =	swait.ge [sflag:s10], $0x3000  }
0x129: {  	[sflag:s10] =	ssyncset.done $0x0  }
0x12a: {  	s9 =	rddreg [dreg:$0x14];
	[sflag:s10] =	ssyncadd.s32 $0xFFFFD000  }
0x12b: {  	[tilespmem:s14], [sflag:$0x2] =	stream.indirect.gather [hbm4b:s4+s12], $0x80, s9, s12, $0xb8;
	[tilespmem:$0x1B800] =	vst v63  }
0x12c: {  	_ =	swait.ge [sflag:s15], $0x3000  }
0x12d: {  	[sflag:s15] =	ssyncset.done $0x0  }
0x12e: {  	s9 =	rddreg [dreg:$0x15];
	[sflag:s15] =	ssyncadd.s32 $0xFFFFD000  }
0x12f: {  	[spmem:s2] =	stream.indirect.scatter.add.f32 [tilespmem:s13], [sflag:$0x3], $0x80, s9, s12, $0xb8;
	[tilespmem:$0x1B800] =	vst v63  }
0x130: {  	_ =	swait.ge [sflag:s10], $0x3000  }
0x131: {  	[sflag:s10] =	ssyncset.done $0x0  }
0x132: {  	s9 =	rddreg [dreg:$0x16];
	[sflag:s10] =	ssyncadd.s32 $0xFFFFD000  }
0x133: {  	[tilespmem:s13], [sflag:$0x1] =	stream.indirect.gather [hbm4b:s4+s12], $0x80, s9, s12, $0xb8;
	[tilespmem:$0x1B800] =	vst v63  }
0x134: {  	_ =	swait.ge [sflag:s16], $0x3000  }
0x135: {  	[sflag:s16] =	ssyncset.done $0x0  }
0x136: {  	s9 =	rddreg [dreg:$0x17];
	[sflag:s16] =	ssyncadd.s32 $0xFFFFD000  }
0x137: {  	[spmem:s2] =	stream.indirect.scatter.add.f32 [tilespmem:s14], [sflag:$0x3], $0x80, s9, s12, $0xb8;
	[tilespmem:$0x1B800] =	vst v63  }
0x138: {  	_ =	swait.ge [sflag:s10], $0x3000  }
0x139: {  	[sflag:s10] =	ssyncset.done $0x0  }
0x13a: {  	s9 =	rddreg [dreg:$0x18];
	[sflag:s10] =	ssyncadd.s32 $0xFFFFD000  }
0x13b: {  	[tilespmem:s14], [sflag:$0x2] =	stream.indirect.gather [hbm4b:s4+s12], $0x80, s9, s12, $0xb8;
	[tilespmem:$0x1B800] =	vst v63  }
0x13c: {  	_ =	swait.ge [sflag:s15], $0x3000  }
0x13d: {  	[sflag:s15] =	ssyncset.done $0x0  }
0x13e: {  	s9 =	rddreg [dreg:$0x19];
	[sflag:s15] =	ssyncadd.s32 $0xFFFFD000  }
0x13f: {  	[spmem:s2] =	stream.indirect.scatter.add.f32 [tilespmem:s13], [sflag:$0x3], $0x80, s9, s12, $0xb8;
	[tilespmem:$0x1B800] =	vst v63  }
0x140: {  	_ =	swait.ge [sflag:s10], $0x3000  }
0x141: {  	[sflag:s10] =	ssyncset.done $0x0  }
0x142: {  	s9 =	rddreg [dreg:$0x1a];
	[sflag:s10] =	ssyncadd.s32 $0xFFFFD000  }
0x143: {  	[tilespmem:s13], [sflag:$0x1] =	stream.indirect.gather [hbm4b:s4+s12], $0x80, s9, s12, $0xb8;
	[tilespmem:$0x1B800] =	vst v63  }
0x144: {  	_ =	swait.ge [sflag:s16], $0x3000  }
0x145: {  	[sflag:s16] =	ssyncset.done $0x0  }
0x146: {  	s9 =	rddreg [dreg:$0x1b];
	[sflag:s16] =	ssyncadd.s32 $0xFFFFD000  }
0x147: {  	[spmem:s2] =	stream.indirect.scatter.add.f32 [tilespmem:s14], [sflag:$0x3], $0x80, s9, s12, $0xb8;
	[tilespmem:$0x1B800] =	vst v63  }
0x148: {  	_ =	swait.ge [sflag:s10], $0x3000  }
0x149: {  	[sflag:s10] =	ssyncset.done $0x0  }
0x14a: {  	[sflag:s10] =	ssyncadd.s32 $0xFFFFD000  }
0x14b: {  	[tilespmem:s14], [sflag:$0x2] =	stream.indirect.gather [hbm4b:s4+s12], $0x80, s17, s12, $0xb8;
	[tilespmem:$0x1B800] =	vst v63  }
0x14c: {  	_ =	swait.ge [sflag:s15], $0x3000  }
0x14d: {  	[sflag:s15] =	ssyncset.done $0x0  }
0x14e: {  	[sflag:s15] =	ssyncadd.s32 $0xFFFFD000  }
0x14f: {  	[spmem:s2] =	stream.indirect.scatter.add.f32 [tilespmem:s13], [sflag:$0x3], $0x80, s18, s12, $0xb8;
	[tilespmem:$0x1B800] =	vst v63  }
0x150: {  	_ =	swait.ge [sflag:s10], $0x3000  }
0x151: {  	[sflag:s10] =	ssyncset.done $0x0  }
0x152: {  	[sflag:s10] =	ssyncadd.s32 $0xFFFFD000  }
0x153: {  	[tilespmem:s13], [sflag:$0x1] =	stream.indirect.gather [hbm4b:s4+s12], $0x80, s19, s12, $0xb8;
	[tilespmem:$0x1B800] =	vst v63  }
0x154: {  	_ =	swait.ge [sflag:s16], $0x3000  }
0x155: {  	[sflag:s16] =	ssyncset.done $0x0  }
0x156: {  	[sflag:s16] =	ssyncadd.s32 $0xFFFFD000  }
0x157: {  	[spmem:s2] =	stream.indirect.scatter.add.f32 [tilespmem:s14], [sflag:$0x3], $0x80, s20, s12, $0xb8;
	[tilespmem:$0x1B800] =	vst v63  }
0x158: {  	_ =	swait.ge [sflag:s10], $0x3000  }
0x159: {  	[sflag:s10] =	ssyncset.done $0x0  }
0x15a: {  	[sflag:s10] =	ssyncadd.s32 $0xFFFFD000  }
0x15b: {  	[tilespmem:s14], [sflag:$0x2] =	stream.indirect.gather [hbm4b:s4+s12], $0x80, s21, s12, $0xb8;
	[tilespmem:$0x1B800] =	vst v63  }
0x15c: {  	_ =	swait.ge [sflag:s15], $0x3000  }
0x15d: {  	[sflag:s15] =	ssyncset.done $0x0  }
0x15e: {  	[sflag:s15] =	ssyncadd.s32 $0xFFFFD000  }
0x15f: {  	[spmem:s2] =	stream.indirect.scatter.add.f32 [tilespmem:s13], [sflag:$0x3], $0x80, s22, s12, $0xb8;
	[tilespmem:$0x1B800] =	vst v63  }
0x160: {  	_ =	swait.ge [sflag:s10], $0x3000  }
0x161: {  	[sflag:s10] =	ssyncset.done $0x0  }
0x162: {  	[sflag:s10] =	ssyncadd.s32 $0xFFFFD000  }
0x163: {  	[tilespmem:s13], [sflag:$0x1] =	stream.indirect.gather [hbm4b:s4+s12], $0x80, s23, s12, $0xb8;
	[tilespmem:$0x1B800] =	vst v63  }
0x164: {  	_ =	swait.ge [sflag:s16], $0x3000  }
0x165: {  	[sflag:s16] =	ssyncset.done $0x0  }
0x166: {  	[sflag:s16] =	ssyncadd.s32 $0xFFFFD000  }
0x167: {  	[spmem:s2] =	stream.indirect.scatter.add.f32 [tilespmem:s14], [sflag:$0x3], $0x80, s24, s12, $0xb8;
	[tilespmem:$0x1B800] =	vst v63  }
0x168: {  	_ =	swait.ge [sflag:s10], $0x3000  }
0x169: {  	[sflag:s10] =	ssyncset.done $0x0  }
0x16a: {  	[sflag:s10] =	ssyncadd.s32 $0xFFFFD000  }
0x16b: {  	[tilespmem:s14], [sflag:$0x2] =	stream.indirect.gather [hbm4b:s4+s12], $0x80, s25, s12, $0xb8;
	[tilespmem:$0x1B800] =	vst v63  }
0x16c: {  	_ =	swait.ge [sflag:s15], $0x3000  }
0x16d: {  	[sflag:s15] =	ssyncset.done $0x0  }
0x16e: {  	[sflag:s15] =	ssyncadd.s32 $0xFFFFD000  }
0x16f: {  	[spmem:s2] =	stream.indirect.scatter.add.f32 [tilespmem:s13], [sflag:$0x3], $0x80, s26, s12, $0xb8;
	[tilespmem:$0x1B800] =	vst v63  }
0x170: {  	_ =	swait.ge [sflag:s10], $0x3000  }
0x171: {  	[sflag:s10] =	ssyncset.done $0x0  }
0x172: {  	[sflag:s10] =	ssyncadd.s32 $0xFFFFD000  }
0x173: {  	[tilespmem:s13], [sflag:$0x1] =	stream.indirect.gather [hbm4b:s4+s12], $0x80, s28, s12, $0xb8;
	[tilespmem:$0x1B800] =	vst v63  }
0x174: {  	_ =	swait.ge [sflag:s16], $0x3000  }
0x175: {  	[sflag:s16] =	ssyncset.done $0x0  }
0x176: {  	[sflag:s16] =	ssyncadd.s32 $0xFFFFD000  }
0x177: {  	[spmem:s2] =	stream.indirect.scatter.add.f32 [tilespmem:s14], [sflag:$0x3], $0x80, s29, s12, $0xb8;
	[tilespmem:$0x1B800] =	vst v63  }
0x178: {  	_ =	swait.ge [sflag:s10], $0x3000  }
0x179: {  	[sflag:s10] =	ssyncset.done $0x0  }
0x17a: {  	[sflag:s10] =	ssyncadd.s32 $0xFFFFD000  }
0x17b: {  	[tilespmem:s14], [sflag:$0x2] =	stream.indirect.gather [hbm4b:s4+s12], $0x80, s30, s12, $0xb8;
	[tilespmem:$0x1B800] =	vst v63  }
0x17c: {  	_ =	swait.ge [sflag:s15], $0x3000  }
0x17d: {  	[sflag:s15] =	ssyncset.done $0x0  }
0x17e: {  	[sflag:s15] =	ssyncadd.s32 $0xFFFFD000  }
0x17f: {  	[spmem:s2] =	stream.indirect.scatter.add.f32 [tilespmem:s13], [sflag:$0x3], $0x80, s31, s12, $0xb8;
	[tilespmem:$0x1B800] =	vst v63  }
0x180: {  	_ =	swait.ge [sflag:s10], $0x3000  }
0x181: {  	[sflag:s10] =	ssyncset.done $0x0  }
0x182: {  	[sflag:s10] =	ssyncadd.s32 $0xFFFFD000  }
0x183: {  	[tilespmem:s13], [sflag:$0x1] =	stream.indirect.gather [hbm4b:s4+s12], $0x80, s1, s12, $0xb8;
	[tilespmem:$0x1B800] =	vst v63  }
0x184: {  	_ =	swait.ge [sflag:s16], $0x3000  }
0x185: {  	[sflag:s16] =	ssyncset.done $0x0  }
0x186: {  	[sflag:s16] =	ssyncadd.s32 $0xFFFFD000  }
0x187: {  	[spmem:s2] =	stream.indirect.scatter.add.f32 [tilespmem:s14], [sflag:$0x3], $0x80, s0, s12, $0xb8;
	[tilespmem:$0x1B800] =	vst v63  }
0x188: {  	_ =	swait.ge [sflag:s10], $0x3000  }
0x189: {  	[sflag:s10] =	ssyncset.done $0x0  }
0x18a: {  	[sflag:s10] =	ssyncadd.s32 $0xFFFFD000  }
0x18b: {  	p0 =	sne.s32 s6, $0x600;
	_ =	swait.ge [sflag:s15], $0x3000  }
.Ltmp0:
0x18c: {  	[sflag:s15] =	ssyncset.done $0x0;
	(pc) =	sbr.rel @p0 .LBB2_2-.Ltmp0, $4  }
0x18d: {  	[sflag:s15] =	ssyncadd.s32 $0xFFFFD000  }
0x18e: {  	[spmem:s2] =	stream.indirect.scatter.add.f32 [tilespmem:s13], [sflag:$0x3], $0x80, s5, s12, $0xb8;
	[tilespmem:$0x1B800] =	vst v63  }
0x18f: {  	s7 =	smov.u32 s6;
	s6 =	sadd.s32 $0x180, s6;
	_ =	swait.ge [sflag:s10], $0x3000  }
0x190: {  	s8 =	smov.u32 s7;
	s9 =	rddreg [dreg:$0x4];
	[sflag:s10] =	ssyncset.done $0x0  }
0x191: {  	[sflag:s10] =	ssyncadd.s32 $0xFFFFD000;
	s6 =	sadd.s32 s8, s9  }
0x192: {  	[tilespmem:s3], [sflag:$0x3] =	stream.linear.gather [hbm4b:s6+s3], $0xA80, $0x38;
	[tilespmem:$0x1B800] =	vst v63  }
0x193: {  	_ =	swait.ge [sflag:s10], $0xA80  }
0x194: {  	s9 =	rddreg [dreg:$0x3];
	[sflag:s10] =	ssyncset.done $0x0  }
0x195: {  	s6 =	sadd.s32 s8, s9;
	[sflag:s10] =	ssyncadd.s32 $0xFFFFF580  }
0x196: {  	[tilespmem:s11], [sflag:$0x3] =	stream.linear.gather [hbm4b:s6+s3], $0xA80, $0x38;
	[tilespmem:$0x1B800] =	vst v63  }
0x197: {  	_ =	swait.ge [sflag:s10], $0xA80  }
0x198: {  	[sflag:s10] =	ssyncset.done $0x0  }
0x199: {  	[sflag:s10] =	ssyncadd.s32 $0xFFFFF580  }
0x19a: {  	[tilespmem:s13], [sflag:$0x1] =	stream.indirect.gather [hbm4b:s4+s12], $0x80, s3, s12, $0xb8;
	[tilespmem:$0x1B800] =	vst v63  }
0x19b: {  	s7 =	rddreg [dreg:$0x5]  }
0x19c: {  	[tilespmem:s14], [sflag:$0x2] =	stream.indirect.gather [hbm4b:s4+s12], $0x80, s7, s12, $0xb8;
	[tilespmem:$0x1B800] =	vst v63  }
0x19d: {  	_ =	swait.ge [sflag:s15], $0x3000  }
0x19e: {  	[sflag:s15] =	ssyncset.done $0x0  }
0x19f: {  	[sflag:s15] =	ssyncadd.s32 $0xFFFFD000  }
0x1a0: {  	[spmem:s2] =	stream.indirect.scatter.add.f32 [tilespmem:s13], [sflag:$0x3], $0x80, s11, s12, $0xb8;
	[tilespmem:$0x1B800] =	vst v63  }
0x1a1: {  	_ =	swait.ge [sflag:s10], $0x3000  }
0x1a2: {  	[sflag:s10] =	ssyncset.done $0x0  }
0x1a3: {  	s8 =	rddreg [dreg:$0x6];
	[sflag:s10] =	ssyncadd.s32 $0xFFFFD000  }
0x1a4: {  	[tilespmem:s13], [sflag:$0x1] =	stream.indirect.gather [hbm4b:s4+s12], $0x80, s8, s12, $0xb8;
	[tilespmem:$0x1B800] =	vst v63  }
0x1a5: {  	_ =	swait.ge [sflag:s16], $0x3000  }
0x1a6: {  	[sflag:s16] =	ssyncset.done $0x0  }
0x1a7: {  	s9 =	rddreg [dreg:$0x7];
	[sflag:s16] =	ssyncadd.s32 $0xFFFFD000  }
0x1a8: {  	[spmem:s2] =	stream.indirect.scatter.add.f32 [tilespmem:s14], [sflag:$0x3], $0x80, s9, s12, $0xb8;
	[tilespmem:$0x1B800] =	vst v63  }
0x1a9: {  	_ =	swait.ge [sflag:s10], $0x3000  }
0x1aa: {  	[sflag:s10] =	ssyncset.done $0x0  }
0x1ab: {  	s7 =	rddreg [dreg:$0x8];
	[sflag:s10] =	ssyncadd.s32 $0xFFFFD000  }
0x1ac: {  	[tilespmem:s14], [sflag:$0x2] =	stream.indirect.gather [hbm4b:s4+s12], $0x80, s7, s12, $0xb8;
	[tilespmem:$0x1B800] =	vst v63  }
0x1ad: {  	_ =	swait.ge [sflag:s15], $0x3000  }
0x1ae: {  	[sflag:s15] =	ssyncset.done $0x0  }
0x1af: {  	s8 =	rddreg [dreg:$0x9];
	[sflag:s15] =	ssyncadd.s32 $0xFFFFD000  }
0x1b0: {  	[spmem:s2] =	stream.indirect.scatter.add.f32 [tilespmem:s13], [sflag:$0x3], $0x80, s8, s12, $0xb8;
	[tilespmem:$0x1B800] =	vst v63  }
0x1b1: {  	_ =	swait.ge [sflag:s10], $0x3000  }
0x1b2: {  	[sflag:s10] =	ssyncset.done $0x0  }
0x1b3: {  	s9 =	rddreg [dreg:$0xa];
	[sflag:s10] =	ssyncadd.s32 $0xFFFFD000  }
0x1b4: {  	[tilespmem:s13], [sflag:$0x1] =	stream.indirect.gather [hbm4b:s4+s12], $0x80, s9, s12, $0xb8;
	[tilespmem:$0x1B800] =	vst v63  }
0x1b5: {  	_ =	swait.ge [sflag:s16], $0x3000  }
0x1b6: {  	[sflag:s16] =	ssyncset.done $0x0  }
0x1b7: {  	s7 =	rddreg [dreg:$0xb];
	[sflag:s16] =	ssyncadd.s32 $0xFFFFD000  }
0x1b8: {  	[spmem:s2] =	stream.indirect.scatter.add.f32 [tilespmem:s14], [sflag:$0x3], $0x80, s7, s12, $0xb8;
	[tilespmem:$0x1B800] =	vst v63  }
0x1b9: {  	_ =	swait.ge [sflag:s10], $0x3000  }
0x1ba: {  	[sflag:s10] =	ssyncset.done $0x0  }
0x1bb: {  	s8 =	rddreg [dreg:$0xc];
	[sflag:s10] =	ssyncadd.s32 $0xFFFFD000  }
0x1bc: {  	[tilespmem:s14], [sflag:$0x2] =	stream.indirect.gather [hbm4b:s4+s12], $0x80, s8, s12, $0xb8;
	[tilespmem:$0x1B800] =	vst v63  }
0x1bd: {  	_ =	swait.ge [sflag:s15], $0x3000  }
0x1be: {  	[sflag:s15] =	ssyncset.done $0x0  }
0x1bf: {  	s9 =	rddreg [dreg:$0xd];
	[sflag:s15] =	ssyncadd.s32 $0xFFFFD000  }
0x1c0: {  	[spmem:s2] =	stream.indirect.scatter.add.f32 [tilespmem:s13], [sflag:$0x3], $0x80, s9, s12, $0xb8;
	[tilespmem:$0x1B800] =	vst v63  }
0x1c1: {  	_ =	swait.ge [sflag:s10], $0x3000  }
0x1c2: {  	[sflag:s10] =	ssyncset.done $0x0  }
0x1c3: {  	s7 =	rddreg [dreg:$0xe];
	[sflag:s10] =	ssyncadd.s32 $0xFFFFD000  }
0x1c4: {  	[tilespmem:s13], [sflag:$0x1] =	stream.indirect.gather [hbm4b:s4+s12], $0x80, s7, s12, $0xb8;
	[tilespmem:$0x1B800] =	vst v63  }
0x1c5: {  	_ =	swait.ge [sflag:s16], $0x3000  }
0x1c6: {  	[sflag:s16] =	ssyncset.done $0x0  }
0x1c7: {  	s8 =	rddreg [dreg:$0xf];
	[sflag:s16] =	ssyncadd.s32 $0xFFFFD000  }
0x1c8: {  	[spmem:s2] =	stream.indirect.scatter.add.f32 [tilespmem:s14], [sflag:$0x3], $0x80, s8, s12, $0xb8;
	[tilespmem:$0x1B800] =	vst v63  }
0x1c9: {  	_ =	swait.ge [sflag:s10], $0x3000  }
0x1ca: {  	[sflag:s10] =	ssyncset.done $0x0  }
0x1cb: {  	s9 =	rddreg [dreg:$0x10];
	[sflag:s10] =	ssyncadd.s32 $0xFFFFD000  }
0x1cc: {  	[tilespmem:s14], [sflag:$0x2] =	stream.indirect.gather [hbm4b:s4+s12], $0x80, s9, s12, $0xb8;
	[tilespmem:$0x1B800] =	vst v63  }
0x1cd: {  	_ =	swait.ge [sflag:s15], $0x3000  }
0x1ce: {  	[sflag:s15] =	ssyncset.done $0x0  }
0x1cf: {  	s7 =	rddreg [dreg:$0x11];
	[sflag:s15] =	ssyncadd.s32 $0xFFFFD000  }
0x1d0: {  	[spmem:s2] =	stream.indirect.scatter.add.f32 [tilespmem:s13], [sflag:$0x3], $0x80, s7, s12, $0xb8;
	[tilespmem:$0x1B800] =	vst v63  }
0x1d1: {  	_ =	swait.ge [sflag:s10], $0x3000  }
0x1d2: {  	[sflag:s10] =	ssyncset.done $0x0  }
0x1d3: {  	s8 =	rddreg [dreg:$0x12];
	[sflag:s10] =	ssyncadd.s32 $0xFFFFD000  }
0x1d4: {  	[tilespmem:s13], [sflag:$0x1] =	stream.indirect.gather [hbm4b:s4+s12], $0x80, s8, s12, $0xb8;
	[tilespmem:$0x1B800] =	vst v63  }
0x1d5: {  	_ =	swait.ge [sflag:s16], $0x3000  }
0x1d6: {  	[sflag:s16] =	ssyncset.done $0x0  }
0x1d7: {  	s9 =	rddreg [dreg:$0x13];
	[sflag:s16] =	ssyncadd.s32 $0xFFFFD000  }
0x1d8: {  	[spmem:s2] =	stream.indirect.scatter.add.f32 [tilespmem:s14], [sflag:$0x3], $0x80, s9, s12, $0xb8;
	[tilespmem:$0x1B800] =	vst v63  }
0x1d9: {  	_ =	swait.ge [sflag:s10], $0x3000  }
0x1da: {  	[sflag:s10] =	ssyncset.done $0x0  }
0x1db: {  	s7 =	rddreg [dreg:$0x14];
	[sflag:s10] =	ssyncadd.s32 $0xFFFFD000  }
0x1dc: {  	[tilespmem:s14], [sflag:$0x2] =	stream.indirect.gather [hbm4b:s4+s12], $0x80, s7, s12, $0xb8;
	[tilespmem:$0x1B800] =	vst v63  }
0x1dd: {  	_ =	swait.ge [sflag:s15], $0x3000  }
0x1de: {  	[sflag:s15] =	ssyncset.done $0x0  }
0x1df: {  	s8 =	rddreg [dreg:$0x15];
	[sflag:s15] =	ssyncadd.s32 $0xFFFFD000  }
0x1e0: {  	[spmem:s2] =	stream.indirect.scatter.add.f32 [tilespmem:s13], [sflag:$0x3], $0x80, s8, s12, $0xb8;
	[tilespmem:$0x1B800] =	vst v63  }
0x1e1: {  	_ =	swait.ge [sflag:s10], $0x3000  }
0x1e2: {  	[sflag:s10] =	ssyncset.done $0x0  }
0x1e3: {  	s9 =	rddreg [dreg:$0x16];
	[sflag:s10] =	ssyncadd.s32 $0xFFFFD000  }
0x1e4: {  	[tilespmem:s13], [sflag:$0x1] =	stream.indirect.gather [hbm4b:s4+s12], $0x80, s9, s12, $0xb8;
	[tilespmem:$0x1B800] =	vst v63  }
0x1e5: {  	_ =	swait.ge [sflag:s16], $0x3000  }
0x1e6: {  	[sflag:s16] =	ssyncset.done $0x0  }
0x1e7: {  	s7 =	rddreg [dreg:$0x17];
	[sflag:s16] =	ssyncadd.s32 $0xFFFFD000  }
0x1e8: {  	[spmem:s2] =	stream.indirect.scatter.add.f32 [tilespmem:s14], [sflag:$0x3], $0x80, s7, s12, $0xb8;
	[tilespmem:$0x1B800] =	vst v63  }
0x1e9: {  	_ =	swait.ge [sflag:s10], $0x3000  }
0x1ea: {  	[sflag:s10] =	ssyncset.done $0x0  }
0x1eb: {  	s8 =	rddreg [dreg:$0x18];
	[sflag:s10] =	ssyncadd.s32 $0xFFFFD000  }
0x1ec: {  	[tilespmem:s14], [sflag:$0x2] =	stream.indirect.gather [hbm4b:s4+s12], $0x80, s8, s12, $0xb8;
	[tilespmem:$0x1B800] =	vst v63  }
0x1ed: {  	_ =	swait.ge [sflag:s15], $0x3000  }
0x1ee: {  	[sflag:s15] =	ssyncset.done $0x0  }
0x1ef: {  	s9 =	rddreg [dreg:$0x19];
	[sflag:s15] =	ssyncadd.s32 $0xFFFFD000  }
0x1f0: {  	[spmem:s2] =	stream.indirect.scatter.add.f32 [tilespmem:s13], [sflag:$0x3], $0x80, s9, s12, $0xb8;
	[tilespmem:$0x1B800] =	vst v63  }
0x1f1: {  	_ =	swait.ge [sflag:s10], $0x3000  }
0x1f2: {  	[sflag:s10] =	ssyncset.done $0x0  }
0x1f3: {  	s7 =	rddreg [dreg:$0x1a];
	[sflag:s10] =	ssyncadd.s32 $0xFFFFD000  }
0x1f4: {  	[tilespmem:s13], [sflag:$0x1] =	stream.indirect.gather [hbm4b:s4+s12], $0x80, s7, s12, $0xb8;
	[tilespmem:$0x1B800] =	vst v63  }
0x1f5: {  	_ =	swait.ge [sflag:s16], $0x3000  }
0x1f6: {  	[sflag:s16] =	ssyncset.done $0x0  }
0x1f7: {  	s8 =	rddreg [dreg:$0x1b];
	[sflag:s16] =	ssyncadd.s32 $0xFFFFD000  }
0x1f8: {  	[spmem:s2] =	stream.indirect.scatter.add.f32 [tilespmem:s14], [sflag:$0x3], $0x80, s8, s12, $0xb8;
	[tilespmem:$0x1B800] =	vst v63  }
0x1f9: {  	_ =	swait.ge [sflag:s10], $0x3000  }
0x1fa: {  	[sflag:s10] =	ssyncset.done $0x0  }
0x1fb: {  	[sflag:s10] =	ssyncadd.s32 $0xFFFFD000  }
0x1fc: {  	[tilespmem:s14], [sflag:$0x2] =	stream.indirect.gather [hbm4b:s4+s12], $0x80, s17, s12, $0xb8;
	[tilespmem:$0x1B800] =	vst v63  }
0x1fd: {  	_ =	swait.ge [sflag:s15], $0x3000  }
0x1fe: {  	[sflag:s15] =	ssyncset.done $0x0  }
0x1ff: {  	[sflag:s15] =	ssyncadd.s32 $0xFFFFD000  }
0x200: {  	[spmem:s2] =	stream.indirect.scatter.add.f32 [tilespmem:s13], [sflag:$0x3], $0x80, s18, s12, $0xb8;
	[tilespmem:$0x1B800] =	vst v63  }
0x201: {  	_ =	swait.ge [sflag:s10], $0x3000  }
0x202: {  	[sflag:s10] =	ssyncset.done $0x0  }
0x203: {  	[sflag:s10] =	ssyncadd.s32 $0xFFFFD000  }
0x204: {  	[tilespmem:s13], [sflag:$0x1] =	stream.indirect.gather [hbm4b:s4+s12], $0x80, s19, s12, $0xb8;
	[tilespmem:$0x1B800] =	vst v63  }
0x205: {  	_ =	swait.ge [sflag:s16], $0x3000  }
0x206: {  	[sflag:s16] =	ssyncset.done $0x0  }
0x207: {  	[sflag:s16] =	ssyncadd.s32 $0xFFFFD000  }
0x208: {  	[spmem:s2] =	stream.indirect.scatter.add.f32 [tilespmem:s14], [sflag:$0x3], $0x80, s20, s12, $0xb8;
	[tilespmem:$0x1B800] =	vst v63  }
0x209: {  	_ =	swait.ge [sflag:s10], $0x3000  }
0x20a: {  	[sflag:s10] =	ssyncset.done $0x0  }
0x20b: {  	[sflag:s10] =	ssyncadd.s32 $0xFFFFD000  }
0x20c: {  	[tilespmem:s14], [sflag:$0x2] =	stream.indirect.gather [hbm4b:s4+s12], $0x80, s21, s12, $0xb8;
	[tilespmem:$0x1B800] =	vst v63  }
0x20d: {  	_ =	swait.ge [sflag:s15], $0x3000  }
0x20e: {  	[sflag:s15] =	ssyncset.done $0x0  }
0x20f: {  	[sflag:s15] =	ssyncadd.s32 $0xFFFFD000  }
0x210: {  	[spmem:s2] =	stream.indirect.scatter.add.f32 [tilespmem:s13], [sflag:$0x3], $0x80, s22, s12, $0xb8;
	[tilespmem:$0x1B800] =	vst v63  }
0x211: {  	_ =	swait.ge [sflag:s10], $0x3000  }
0x212: {  	[sflag:s10] =	ssyncset.done $0x0  }
0x213: {  	[sflag:s10] =	ssyncadd.s32 $0xFFFFD000  }
0x214: {  	[tilespmem:s13], [sflag:$0x1] =	stream.indirect.gather [hbm4b:s4+s12], $0x80, s23, s12, $0xb8;
	[tilespmem:$0x1B800] =	vst v63  }
0x215: {  	_ =	swait.ge [sflag:s16], $0x3000  }
0x216: {  	[sflag:s16] =	ssyncset.done $0x0  }
0x217: {  	[sflag:s16] =	ssyncadd.s32 $0xFFFFD000  }
0x218: {  	[spmem:s2] =	stream.indirect.scatter.add.f32 [tilespmem:s14], [sflag:$0x3], $0x80, s24, s12, $0xb8;
	[tilespmem:$0x1B800] =	vst v63  }
0x219: {  	_ =	swait.ge [sflag:s10], $0x3000  }
0x21a: {  	[sflag:s10] =	ssyncset.done $0x0  }
0x21b: {  	[sflag:s10] =	ssyncadd.s32 $0xFFFFD000  }
0x21c: {  	[tilespmem:s14], [sflag:$0x2] =	stream.indirect.gather [hbm4b:s4+s12], $0x80, s25, s12, $0xb8;
	[tilespmem:$0x1B800] =	vst v63  }
0x21d: {  	_ =	swait.ge [sflag:s15], $0x3000  }
0x21e: {  	[sflag:s15] =	ssyncset.done $0x0  }
0x21f: {  	[sflag:s15] =	ssyncadd.s32 $0xFFFFD000  }
0x220: {  	[spmem:s2] =	stream.indirect.scatter.add.f32 [tilespmem:s13], [sflag:$0x3], $0x80, s26, s12, $0xb8;
	[tilespmem:$0x1B800] =	vst v63  }
0x221: {  	_ =	swait.ge [sflag:s10], $0x3000  }
0x222: {  	[sflag:s10] =	ssyncset.done $0x0  }
0x223: {  	[sflag:s10] =	ssyncadd.s32 $0xFFFFD000  }
0x224: {  	[tilespmem:s13], [sflag:$0x1] =	stream.indirect.gather [hbm4b:s4+s12], $0x80, s28, s12, $0xb8;
	[tilespmem:$0x1B800] =	vst v63  }
0x225: {  	_ =	swait.ge [sflag:s16], $0x3000  }
0x226: {  	[sflag:s16] =	ssyncset.done $0x0  }
0x227: {  	[sflag:s16] =	ssyncadd.s32 $0xFFFFD000  }
0x228: {  	[spmem:s2] =	stream.indirect.scatter.add.f32 [tilespmem:s14], [sflag:$0x3], $0x80, s29, s12, $0xb8;
	[tilespmem:$0x1B800] =	vst v63  }
0x229: {  	_ =	swait.ge [sflag:s10], $0x3000  }
0x22a: {  	[sflag:s10] =	ssyncset.done $0x0  }
0x22b: {  	[sflag:s10] =	ssyncadd.s32 $0xFFFFD000  }
0x22c: {  	[tilespmem:s14], [sflag:$0x2] =	stream.indirect.gather [hbm4b:s4+s12], $0x80, s30, s12, $0xb8;
	[tilespmem:$0x1B800] =	vst v63  }
0x22d: {  	_ =	swait.ge [sflag:s15], $0x3000  }
0x22e: {  	[sflag:s15] =	ssyncset.done $0x0  }
0x22f: {  	[sflag:s15] =	ssyncadd.s32 $0xFFFFD000  }
0x230: {  	[spmem:s2] =	stream.indirect.scatter.add.f32 [tilespmem:s13], [sflag:$0x3], $0x80, s31, s12, $0xb8;
	[tilespmem:$0x1B800] =	vst v63  }
0x231: {  	_ =	swait.ge [sflag:s10], $0x3000  }
0x232: {  	[sflag:s10] =	ssyncset.done $0x0  }
0x233: {  	[sflag:s10] =	ssyncadd.s32 $0xFFFFD000  }
0x234: {  	[tilespmem:s13], [sflag:$0x1] =	stream.indirect.gather [hbm4b:s4+s12], $0x80, s1, s12, $0xb8;
	[tilespmem:$0x1B800] =	vst v63  }
0x235: {  	_ =	swait.ge [sflag:s16], $0x3000  }
0x236: {  	[sflag:s16] =	ssyncset.done $0x0  }
0x237: {  	[sflag:s16] =	ssyncadd.s32 $0xFFFFD000  }
0x238: {  	[spmem:s2] =	stream.indirect.scatter.add.f32 [tilespmem:s14], [sflag:$0x3], $0x80, s0, s12, $0xb8;
	[tilespmem:$0x1B800] =	vst v63  }
0x239: {  	_ =	swait.ge [sflag:s10], $0x3000  }
0x23a: {  	[sflag:s10] =	ssyncset.done $0x0  }
0x23b: {  	[sflag:s10] =	ssyncadd.s32 $0xFFFFD000  }
0x23c: {  	_ =	swait.ge [sflag:s15], $0x3000  }
0x23d: {  	[sflag:s15] =	ssyncset.done $0x0  }
0x23e: {  	[sflag:s15] =	ssyncadd.s32 $0xFFFFD000  }
0x23f: {  	[spmem:s2] =	stream.indirect.scatter.add.f32 [tilespmem:s13], [sflag:$0x3], $0x80, s5, s12, $0xb8;
	[tilespmem:$0x1B800] =	vst v63  }
0x240: {  	_ =	swait.ge [sflag:s10], $0x3000  }
0x241: {  	[sflag:s10] =	ssyncset.done $0x0  }
0x242: {  	[sflag:s10] =	ssyncadd.s32 $0xFFFFD000  }
0x243: {  	[bflag:$0x0] =	sbarrier.arrive $0xFFFF  }
0x244: {  	s8 =	sld [smem:$0x7FD]  }
0x245: {  	s7 =	rddreg [dreg:$0x1d]  }
0x246: {  	s9 =	rddreg [dreg:$0x1e]  }
0x247: {  	[hbm:s9], [sflag:s7] =	dma.local [spmem:s8], $0x2800  }
0x248: {  	_ =	swait.ge [sflag:s10], $0x2800  }
0x249: {  	s6 =	sld [smem:$0x7FC];
	_ =	sdelay $0x2  }
0x24a: {  	s9 =	sadd.s32 $0x1, s6;
	s6 =	rddreg [dreg:$0x1f]  }
0x24b: {  	p0 =	sne.s32 s9, s6  }
.Ltmp1:
0x24c: {  	_ = 	snop;
	(pc) =	sbr.rel @p0 .LBB2_1-.Ltmp1, $3  }
0x24d: {  	_ =	sdelay $0x1  }
0x24e: {  	[sflag:s10] =	ssyncset.done $0x0  }
0x24f: {  	[sflag:s10] =	ssyncadd.s32 $0xFFFFD800  }
0x250: {  	_ =	sfence.sel $0x180000  }
0x251: {  	[bflag:$0x0] =	sbarrier.arrive $0xFFFF  }
0x252: {  	_ =	strace $0x9000004A  }
0x253: {  	s0 =	stileid.u32;
	[bflag:$0x2] =	sbarrier.arrive $0xFFFF  }
0x254: {  	p0 =	sne.s32 s0, $0x0;
	s0 =	rddreg [dreg:$0x2]  }
0x255: {  	s0 =	sadd.s32 @!p0 $0x100000, s0  }
0x256: {  	[sflag:s0] =	ssyncadd.tile.s32 @!p0 $0x1;
	_ =	shalt  }
.Lfunc_end2:
_tile_overlayer_lowered:
.L_overlay_start_2:
0x257: {  	(tag) =	ssettag $0x2  }
0x258: {  	s0 =	rddreg [dreg:$0x0];
	s2 =	stileid.u32  }
0x259: {  	s1 =	rddreg [dreg:$0x1];
	p0 =	sne.s32 s2, $0x0  }
0x25a: {  	s3 =	rddreg [dreg:$0x2];
	[bflag:$0x3] =	sbarrier.arrive $0xFFFF;
	s2 =	simm.s32 @!p0 $0x1C03  }
0x25b: {  	[timem:s3], [sflag:s2] =	dma.local @!p0 [hbm:s0], s1  }
0x25c: {  	s0 =	simm.s32 @!p0 $0x3  }
0x25d: {  	_ =	swait.ge @!p0 [sflag:s0], s1  }
0x25e: {  	s1 =	ssub.s32 @!p0 $0x0, s1;
	[sflag:s0] =	ssyncset.done @!p0 $0x0  }
0x25f: {  	[sflag:s0] =	ssyncadd.s32 @!p0 s1  }
0x260: {  	[bflag:$0x3] =	sbarrier.arrive $0xFFFF  }
0x261: {  	_ =	shalt  }

// kernel: kernel.13.cloned.1.call-start
scs
__scs_entry_jumppad:
0x0: {  	(pc) =	sbr.rel $0x88, $3  }
0x1: {  	(tag) =	ssettag $0x0;
	lr =	simm.s32 $0x1  }
0x2: {  	[smem:$0x3F97] =	sst lr;
	_ =	strace $0xD0000000  }
0x3: {  	_ = 	snop  }
0x4: {  	_ = 	snop  }
0x5: {  	_ = 	snop  }
0x6: {  	_ = 	snop  }
0x7: {  	_ = 	snop  }
__scs_overlays_trampoline_lowered:
0x8: {  	[smem:$0x3FA6] =	sst s0  }
0x9: {  	[smem:$0x3FA7] =	sst s1  }
0xa: {  	[smem:$0x3FA8] =	sst s2  }
0xb: {  	[smem:$0x3FA9] =	sst s3  }
0xc: {  	[smem:$0x3FAA] =	sst s4  }
0xd: {  	[smem:$0x3FAB] =	sst s5  }
0xe: {  	[smem:$0x3FAC] =	sst s6  }
0xf: {  	[smem:$0x3FAD] =	sst s7  }
0x10: {  	[smem:$0x3FAE] =	sst s8  }
0x11: {  	[smem:$0x3FAF] =	sst s9;
	s0 =	simm.s32 @!p0 $0x0  }
0x12: {  	s1 =	sld [smem:$0x3F95];
	s0 =	simm.s32 @p0 $0x1  }
0x13: {  	[smem:$0x3FB0] =	sst s0;
	s0 =	simm.s32 @!p1 $0x0  }
0x14: {  	s2 =	sld [smem:$0x3F94];
	s0 =	simm.s32 @p1 $0x1  }
0x15: {  	[smem:$0x3FB1] =	sst s0;
	s0 =	simm.s32 @!p2 $0x0  }
0x16: {  	s3 =	sld [smem:$0x3FDB];
	s0 =	simm.s32 @p2 $0x1  }
0x17: {  	s4 =	simm.s32 $0x1BF5;
	[smem:$0x3FB3] =	sst s0  }
0x18: {  	s0 =	sld [smem:$0x3F96];
	_ =	swait.ge [sflag:s4], $0x0  }
0x19: {  	s7 =	sld [smem:$0x3F97]  }
0x1a: {  	s8 =	sadd.s32 $0xFFFFE003, lr  }
0x1b: {  	s9 =	sadd.s32 $0xFFFFFEF7, lr;
	s5 =	simm.s32 $0xFFFFFFFF;
	p2 =	slt.u32 s8, $0xFFFFF086  }
0x1c: {  	p1 =	slt.u32 s9, $0xF7A;
	s5 =	simm.s32 @!p2 $0x0  }
0x1d: {  	s5 =	simm.s32 @p1 $0x1;
	p0 =	seq.s32 s7, s2  }
0x1e: {  	s7 =	smul.u32 @!p0 $0xF7A, s2;
	p2 =	seq.s32 @!p0 s5, $0x0  }
0x1f: {  	s9 =	smul.u32 $0xF7A, s1;
	s8 =	simm.s32 @!p0 $0x1BF5;
	p2 =	por !p2, p0  }
0x20: {  	[sflag:s8] =	ssyncset.s32 @!p0 $0xFFFFF086;
	s6 =	sadd.s32 @!p0 s3, s7;
	s7 =	simm.s32 @!p0 $0x108  }
0x21: {  	s3 =	sadd.s32 s3, s9;
	s6 =	sadd.s32 @!p0 $0x88, s6;
	s7 =	simm.s32 @p2 $0x1082  }
0x22: {  	[simem:s7], [sflag:s8] =	dma.local @!p0 [hbm:s6], $0xF7A  }
0x23: {  	s9 =	sor.u32 $0xD0000000, s2;
	s6 =	simm.s32 $0x108;
	_ =	swait.ge @!p0 [sflag:s8], $0x0  }
0x24: {  	s3 =	sadd.s32 $0x88, s3;
	s6 =	simm.s32 @!p1 $0x1082;
	[sflag:s4] =	ssyncset.s32 $0xFFFFF086  }
0x25: {  	[simem:s6], [sflag:s4] =	dma.local [hbm:s3], $0xF7A  }
0x26: {  	[smem:$0x3F97] =	sst s1;
	(tag) =	ssettag s2;
	_ =	strace s9  }
0x27: {  	s1 =	sld [smem:$0x3FA7]  }
0x28: {  	s2 =	sld [smem:$0x3FA8]  }
0x29: {  	s4 =	sld [smem:$0x3FAA]  }
0x2a: {  	p0 =	seq.s32 s5, $0x0;
	s5 =	sld [smem:$0x3FAB]  }
0x2b: {  	s6 =	sld [smem:$0x3FAC]  }
0x2c: {  	s7 =	sld [smem:$0x3FAD]  }
0x2d: {  	s3 =	simm.s32 $0x108;
	s8 =	sld [smem:$0x3FAE]  }
0x2e: {  	s3 =	simm.s32 @!p0 $0x1082;
	s9 =	sld [smem:$0x3FAF]  }
0x2f: {  	lr =	sadd.s32 s0, s3;
	s0 =	sld [smem:$0x3FA6]  }
0x30: {  	s3 =	sld [smem:$0x3FA9]  }
0x31: {  	[smem:$0x3FB2] =	sst s10  }
0x32: {  	s10 =	sld [smem:$0x3FB0];
	_ =	sdelay $0x3  }
0x33: {  	p0 =	seq.s32 s10, $0x1;
	s10 =	sld [smem:$0x3FB2];
	_ =	sdelay $0x3  }
0x34: {  	[smem:$0x3FB2] =	sst s10  }
0x35: {  	s10 =	sld [smem:$0x3FB1];
	_ =	sdelay $0x3  }
0x36: {  	p1 =	seq.s32 s10, $0x1;
	s10 =	sld [smem:$0x3FB2];
	_ =	sdelay $0x3  }
0x37: {  	[smem:$0x3FB2] =	sst s10  }
0x38: {  	s10 =	sld [smem:$0x3FB3]  }
0x39: {  	_ = 	snop;
	(pc) =	sbr.ind lr, $3  }
0x3a: {  	_ = 	snop  }
0x3b: {  	_ = 	snop  }
0x3c: {  	p2 =	seq.s32 s10, $0x1;
	s10 =	sld [smem:$0x3FB2]  }
0x3d: {  	_ =	shalt  }
0x3e: {  	_ =	shalt  }
0x3f: {  	_ =	shalt  }
0x40: {  	_ =	shalt  }
0x41: {  	_ =	shalt  }
0x42: {  	_ =	shalt  }
0x43: {  	_ =	shalt  }
0x44: {  	_ =	shalt  }
0x45: {  	_ =	shalt  }
0x46: {  	_ =	shalt  }
0x47: {  	_ =	shalt  }
0x48: {  	_ =	shalt  }
0x49: {  	_ =	shalt  }
0x4a: {  	_ =	shalt  }
0x4b: {  	_ =	shalt  }
0x4c: {  	_ =	shalt  }
0x4d: {  	_ =	shalt  }
0x4e: {  	_ =	shalt  }
0x4f: {  	_ =	shalt  }
0x50: {  	_ =	shalt  }
0x51: {  	_ =	shalt  }
0x52: {  	_ =	shalt  }
0x53: {  	_ =	shalt  }
0x54: {  	_ =	shalt  }
0x55: {  	_ =	shalt  }
0x56: {  	_ =	shalt  }
0x57: {  	_ =	shalt  }
0x58: {  	_ =	shalt  }
0x59: {  	_ =	shalt  }
0x5a: {  	_ =	shalt  }
0x5b: {  	_ =	shalt  }
0x5c: {  	_ =	shalt  }
0x5d: {  	_ =	shalt  }
0x5e: {  	_ =	shalt  }
0x5f: {  	_ =	shalt  }
0x60: {  	_ =	shalt  }
0x61: {  	_ =	shalt  }
0x62: {  	_ =	shalt  }
0x63: {  	_ =	shalt  }
0x64: {  	_ =	shalt  }
0x65: {  	_ =	shalt  }
0x66: {  	_ =	shalt  }
0x67: {  	_ =	shalt  }
0x68: {  	_ =	shalt  }
0x69: {  	_ =	shalt  }
0x6a: {  	_ =	shalt  }
0x6b: {  	_ =	shalt  }
0x6c: {  	_ =	shalt  }
0x6d: {  	_ =	shalt  }
0x6e: {  	_ =	shalt  }
0x6f: {  	_ =	shalt  }
0x70: {  	_ =	shalt  }
0x71: {  	_ =	shalt  }
0x72: {  	_ =	shalt  }
0x73: {  	_ =	shalt  }
0x74: {  	_ =	shalt  }
0x75: {  	_ =	shalt  }
0x76: {  	_ =	shalt  }
0x77: {  	_ =	shalt  }
0x78: {  	_ =	shalt  }
0x79: {  	_ =	shalt  }
0x7a: {  	_ =	shalt  }
0x7b: {  	_ =	shalt  }
0x7c: {  	_ =	shalt  }
0x7d: {  	_ =	shalt  }
0x7e: {  	_ =	shalt  }
0x7f: {  	_ =	shalt  }
0x80: {  	_ =	shalt  }
0x81: {  	_ =	shalt  }
0x82: {  	_ =	shalt  }
0x83: {  	_ =	shalt  }
0x84: {  	_ =	shalt  }
0x85: {  	_ =	shalt  }
0x86: {  	_ =	shalt  }
0x87: {  	_ =	shalt  }
.Lfunc_end0:
.L_simem_size_0:
called_computation.2_lowered:
.L_overlay_start_0:
0x88: {  	s2 =	sld [smem:$0x3FD9]  }
0x89: {  	s3 =	sld [smem:$0x3FFE];
	_ =	sdelay $0x1  }
0x8a: {  	s1 =	srdreg.scid  }
0x8b: {  	s0 =	sand.u32 $0x1, s1  }
0x8c: {  	s17 =	sshll.u32 s0, $0xA;
	s2 =	sadd.s32 s3, s2  }
0x8d: {  	s2 =	sadd.s32 s2, s17  }
0x8e: {  	[smem:$0x3FBE] =	sst s2  }
0x8f: {  	_ = 	snop  }
0x90: {  	s2 =	sld [smem:$0x3FD0];
	(tm) =	ssettm $0x1  }
0x91: {  	s18 =	sld [smem:$0x3FFB];
	_ =	sdelay $0x3  }
0x92: {  	_ =	strace s18  }
0x93: {  	s3 =	sld [smem:$0x3FFC];
	_ =	sdelay $0x3  }
0x94: {  	_ =	strace s3  }
0x95: {  	s3 =	sld [smem:$0x3FFD];
	_ =	sdelay $0x3  }
0x96: {  	_ =	strace s3  }
0x97: {  	_ =	strace $0x8FFFFFFF  }
0x98: {  	s19 =	sld [smem:$0x3FDB];
	_ =	sdelay $0x1  }
0x99: {  	s4 =	simm.s32 $_scs_section_size  }
0x9a: {  	s5 =	simm.s32 $_size__tile_overlayer_lowered;
	s6 =	simm.s32 $_tile_overlayer_lowered  }
0x9b: {  	s22 =	simm.s32 $0x1BFF;
	s21 =	sshll.u32 s6, $0x1;
	s3 =	sadd.s32 s4, s19  }
0x9c: {  	s7 =	simm.s32 $0x0;
	s20 =	sshll.u32 s5, $0x1;
	s5 =	sadd.s32 s21, s3  }
0x9d: {  	[timem:s7], [sflag:s22] =	dma.local [hbm:s5], s20  }
0x9e: {  	_ =	swait.ge [sflag:s22], s20  }
0x9f: {  	s4 =	ssub.s32 $0x0, s20;
	[sflag:s22] =	ssyncset.done $0x0  }
0xa0: {  	[sflag:s22] =	ssyncadd.s32 s4;
	_ =	sdelay $0x1  }
0xa1: {  	s23 =	simm.s32 $0x1B8B  }
0xa2: {  	_ =	swait.ge [sflag:s23], $0x1  }
0xa3: {  	[sflag:s23] =	ssyncset.done $0x0  }
0xa4: {  	s25 =	simm.s32 $0x1B8E;
	s24 =	sld [smem:$0x3FFE];
	[sflag:s23] =	ssyncadd.s32 $0xFFFFFFFF  }
0xa5: {  	s26 =	simm.s32 $execute0_lowered;
	[smem:$0x3FD2] =	sst s25  }
0xa6: {  	s5 =	sshll.u32 s26, $0x1;
	_ =	strace $0x8000004C;
	[dreg:$0x1] =	wrdreg $0xFFFFFFFF  }
0xa7: {  	s28 =	simm.s32 $_size_execute0_lowered;
	s3 =	sadd.s32 s3, s5;
	[dreg:$0x0] =	wrdreg $0x0  }
0xa8: {  	s5 =	sshll.u32 s28, $0x1;
	[dreg:$0x2] =	wrdreg s3  }
0xa9: {  	[dreg:$0x3] =	wrdreg s5  }
0xaa: {  	[dreg:$0x4] =	wrdreg $0xC0  }
0xab: {  	_ =	task [dreg:s7], $0x5FFFF  }
0xac: {  	[dreg:$0x1] =	wrdreg $0xFFFFFFFF  }
0xad: {  	[dreg:$0x0] =	wrdreg $0x60  }
0xae: {  	[dreg:$0x2] =	wrdreg s24  }
0xaf: {  	[dreg:$0x3] =	wrdreg s2  }
0xb0: {  	[dreg:$0x4] =	wrdreg $0x78000  }
0xb1: {  	[dreg:$0x5] =	wrdreg $0x9  }
0xb2: {  	_ =	task.clear_ibuf [dreg:s7], $0x6FFFF;
	_ =	strace $0x9000004C  }
0xb3: {  	s29 =	simm.s32 $0x9;
	_ =	strace $0x8000004E  }
0xb4: {  	_ =	swait.ge [sflag:s29], $0x1  }
0xb5: {  	[sflag:s29] =	ssyncadd.s32 $0xFFFFFFFF  }
0xb6: {  	_ =	strace $0x9000004E  }
0xb7: {  	_ =	sfence  }
0xb8: {  	s30 =	sld [smem:$0x0];
	_ =	sdelay $0x2  }
0xb9: {  	s31 =	sshll.u32 s1, $0xD;
	s1 =	sshrl.u32 s1, $0x2  }
0xba: {  	s3 =	sand.u32 $0x4000, s31;
	s1 =	sadd.s32 s1, s30  }
0xbb: {  	s0 =	sor.u32 s3, s0;
	s1 =	sshll.u32 s1, $0x11  }
0xbc: {  	s0 =	sor.u32 s1, s0  }
0xbd: {  	s0 =	sadd.s32 $0x8F2B, s0  }
0xbe: {  	[sflag:s0] =	ssyncadd.remote.s32 $0x1  }
0xbf: {  	_ =	sfence.sel $0xFFFF  }
0xc0: {  	[dreg:$0x0] =	wrdreg $0xFFFFFFFF;
	(pc) =	sbr.abs _section_cstart, $3  }
0xc1: {  	[dreg:$0x1] =	wrdreg $0xFFFFFFFF  }
0xc2: {  	_ =	task.clear_ibuf [dreg:s7], $0x2FFFF;
	_ =	strace $0x9FFFFFFF  }
0xc3: {  	(tm) =	ssettm $0x7FFFFFFF  }
tec
execute0_lowered:
.L_overlay_start_1:
0x0: {  	(tag) =	ssettag $0x1  }
0x1: {  	s1 =	rddreg [dreg:$0x0]  }
0x2: {  	s5 =	rddreg [dreg:$0x1]  }
0x3: {  	s0 =	srdreg.scid;
	s2 =	rddreg [dreg:$0x2];
	s3 =	simm.s32 $0x0  }
0x4: {  	s10 =	stileid.u32;
	s16 =	simm.s32 $0x80;
	[smem:$0x7FF] =	sst s3  }
0x5: {  	s18 =	simm.s32 $0x100;
	_ =	strace $0x8000004D;
	[dreg:$0x6] =	wrdreg s16  }
0x6: {  	s8 =	simm.s32 $0xC80;
	s20 =	simm.s32 $0x180;
	[dreg:$0x7] =	wrdreg s18  }
0x7: {  	s21 =	simm.s32 $0xD00;
	s22 =	simm.s32 $0x200;
	[dreg:$0x8] =	wrdreg s8  }
0x8: {  	s23 =	simm.s32 $0xD80;
	s25 =	simm.s32 $0x280;
	[dreg:$0x9] =	wrdreg s20  }
0x9: {  	s26 =	simm.s32 $0xE00;
	s11 =	simm.s32 $0x300;
	[dreg:$0xa] =	wrdreg s21  }
0xa: {  	s13 =	simm.s32 $0xE80;
	s14 =	simm.s32 $0x380;
	[dreg:$0xb] =	wrdreg s22  }
0xb: {  	s28 =	simm.s32 $0x900;
	s4 =	smul.u32 $0x3C00, s10;
	[dreg:$0xc] =	wrdreg s23  }
0xc: {  	s29 =	simm.s32 $0x1480;
	s7 =	smul.u32 $0x780, s10;
	[dreg:$0xd] =	wrdreg s25  }
0xd: {  	s30 =	simm.s32 $0x980;
	s17 =	smul.u32 $0x2800, s10;
	[dreg:$0xe] =	wrdreg s26  }
0xe: {  	s0 =	sand.u32 $0x1, s0;
	s9 =	smul.u32 $0x50000, s10;
	[dreg:$0xf] =	wrdreg s11  }
0xf: {  	s31 =	simm.s32 $0x1500;
	s6 =	smul.u32 $0x3C000, s0;
	[dreg:$0x10] =	wrdreg s13  }
0x10: {  	s19 =	smul.u32 $0x28000, s0;
	s0 =	ssub.s32 $0x2, s0;
	[dreg:$0x11] =	wrdreg s14  }
0x11: {  	s16 =	sshll.u32 s10, $0x6;
	s18 =	simm.s32 $0xF80;
	s20 =	simm.s32 $0x1000  }
0x12: {  	s21 =	simm.s32 $0x500;
	s10 =	simm.s32 $0x3;
	[dreg:$0x14] =	wrdreg s18  }
0x13: {  	s22 =	simm.s32 $0x1080;
	s11 =	simm.s32 $0xC00;
	[dreg:$0x16] =	wrdreg s20  }
0x14: {  	s23 =	simm.s32 $0x580;
	s13 =	simm.s32 $0x1800;
	[dreg:$0x17] =	wrdreg s21  }
0x15: {  	s25 =	simm.s32 $0x600;
	s14 =	simm.s32 $0x4800;
	[dreg:$0x18] =	wrdreg s22  }
0x16: {  	s26 =	simm.s32 $0x1180;
	s15 =	sadd.s32 s7, s1;
	[dreg:$0x19] =	wrdreg s23  }
0x17: {  	s24 =	sshrl.u32 s0, $0x1;
	s12 =	sshrl.u32 s9, $0x2;
	[dreg:$0x1b] =	wrdreg s25  }
0x18: {  	s5 =	sadd.s32 s5, s17;
	[dreg:$0x1c] =	wrdreg s26;
	s18 =	simm.s32 $0x1200  }
0x19: {  	s20 =	simm.s32 $0x1280;
	s21 =	simm.s32 $0x780;
	s22 =	simm.s32 $0x1300  }
0x1a: {  	s23 =	simm.s32 $0x800;
	s25 =	simm.s32 $0x880;
	s26 =	simm.s32 $0x1400  }
0x1b: {  	s9 =	simm.s32 $0x0;
	s4 =	sadd.s32 s4, s6;
	s6 =	sadd.s32 $0x5C600, s15  }
0x1c: {  	s7 =	sadd.s32 s17, s19;
	s0 =	ssub.s32 s0, s24;
	[dreg:$0x1d] =	wrdreg s5  }
0x1d: {  	s8 =	sadd.s32 s12, s2;
	s15 =	simm.s32 $0xF00;
	[dreg:$0x4] =	wrdreg s6  }
0x1e: {  	s17 =	simm.s32 $0x400;
	s19 =	simm.s32 $0x480;
	[dreg:$0x12] =	wrdreg s15  }
0x1f: {  	s12 =	simm.s32 $0x60;
	s24 =	simm.s32 $0x1100;
	[dreg:$0x13] =	wrdreg s17  }
0x20: {  	s5 =	simm.s32 $0x1600;
	s4 =	sshrl.u32 s4, $0x3;
	[dreg:$0x15] =	wrdreg s19  }
0x21: {  	s0 =	smax.u32 s0, $0x1;
	s8 =	sshrl.u32 s8, $0x3;
	[dreg:$0x1a] =	wrdreg s24  }
0x22: {  	s15 =	simm.s32 $0x1;
	s4 =	sadd.s32 s4, s1;
	[smem:$0x7FC] =	sst s0  }
0x23: {  	s17 =	simm.s32 $0x680;
	[smem:$0x7FD] =	sst s8;
	s4 =	sadd.s32 $0x63E00, s4  }
0x24: {  	s19 =	simm.s32 $0x700;
	s24 =	simm.s32 $0x1380;
	[dreg:$0x5] =	wrdreg s4  }
0x25: {  	s4 =	sadd.s32 $0x72E00, s1;
	s1 =	sadd.s32 s7, s1;
	s7 =	sor.u32 $0x1C03, s16  }
0x26: {  	s0 =	simm.s32 $0x1580;
	s1 =	sadd.s32 $0xC2E00, s1;
	[dreg:$0x1e] =	wrdreg s7  }
0x27: {  	s16 =	simm.s32 $0x2;
	[dreg:$0x1f] =	wrdreg s1;
	s1 =	simm.s32 $0xA00  }
.LBB2_1:
0x28: {  	[smem:$0x7FB] =	sst s9  }
0x29: {  	s6 =	rddreg [dreg:$0x1d]  }
0x2a: {  	[spmem:s8], [sflag:s7] =	dma.local [hbm:s6], $0x2800  }
0x2b: {  	_ =	swait.ge [sflag:s10], $0x2800  }
0x2c: {  	[sflag:s10] =	ssyncset.done $0x0  }
0x2d: {  	[sflag:s10] =	ssyncadd.s32 $0xFFFFD800  }
0x2e: {  	[bflag:$0x0] =	sbarrier.arrive $0xFFFF  }
0x2f: {  	s9 =	rddreg [dreg:$0x5]  }
0x30: {  	s6 =	sadd.s32 $0x0, s9  }
0x31: {  	[tilespmem:s3], [sflag:$0x3] =	stream.linear.gather [hbm4b:s6+s3], $0xA80, $0x38;
	[tilespmem:$0x1B800] =	vst v63  }
0x32: {  	_ =	swait.ge [sflag:s10], $0xA80  }
0x33: {  	s7 =	rddreg [dreg:$0x4];
	[sflag:s10] =	ssyncset.done $0x0  }
0x34: {  	[sflag:s10] =	ssyncadd.s32 $0xFFFFF580;
	s6 =	sadd.s32 $0x0, s7  }
0x35: {  	[tilespmem:s11], [sflag:$0x3] =	stream.linear.gather [hbm4b:s6+s3], $0xA80, $0x38;
	[tilespmem:$0x1B800] =	vst v63  }
0x36: {  	_ =	swait.ge [sflag:s10], $0xA80  }
0x37: {  	[sflag:s10] =	ssyncset.done $0x0  }
0x38: {  	[sflag:s10] =	ssyncadd.s32 $0xFFFFF580  }
0x39: {  	[tilespmem:s13], [sflag:$0x1] =	stream.indirect.gather [hbm4b:s4+s12], $0x80, s3, s12, $0xb8;
	[tilespmem:$0x1B800] =	vst v63  }
0x3a: {  	s8 =	rddreg [dreg:$0x6]  }
0x3b: {  	[tilespmem:s14], [sflag:$0x2] =	stream.indirect.gather [hbm4b:s4+s12], $0x80, s8, s12, $0xb8;
	[tilespmem:$0x1B800] =	vst v63  }
0x3c: {  	_ =	swait.ge [sflag:s15], $0x3000  }
0x3d: {  	[sflag:s15] =	ssyncset.done $0x0  }
0x3e: {  	[sflag:s15] =	ssyncadd.s32 $0xFFFFD000  }
0x3f: {  	[spmem:s2] =	stream.indirect.scatter.add.f32 [tilespmem:s13], [sflag:$0x3], $0x80, s11, s12, $0xb8;
	[tilespmem:$0x1B800] =	vst v63  }
0x40: {  	_ =	swait.ge [sflag:s10], $0x3000  }
0x41: {  	[sflag:s10] =	ssyncset.done $0x0  }
0x42: {  	s9 =	rddreg [dreg:$0x7];
	[sflag:s10] =	ssyncadd.s32 $0xFFFFD000  }
0x43: {  	[tilespmem:s13], [sflag:$0x1] =	stream.indirect.gather [hbm4b:s4+s12], $0x80, s9, s12, $0xb8;
	[tilespmem:$0x1B800] =	vst v63  }
0x44: {  	_ =	swait.ge [sflag:s16], $0x3000  }
0x45: {  	[sflag:s16] =	ssyncset.done $0x0  }
0x46: {  	s7 =	rddreg [dreg:$0x8];
	[sflag:s16] =	ssyncadd.s32 $0xFFFFD000  }
0x47: {  	[spmem:s2] =	stream.indirect.scatter.add.f32 [tilespmem:s14], [sflag:$0x3], $0x80, s7, s12, $0xb8;
	[tilespmem:$0x1B800] =	vst v63  }
0x48: {  	_ =	swait.ge [sflag:s10], $0x3000  }
0x49: {  	[sflag:s10] =	ssyncset.done $0x0  }
0x4a: {  	s8 =	rddreg [dreg:$0x9];
	[sflag:s10] =	ssyncadd.s32 $0xFFFFD000  }
0x4b: {  	[tilespmem:s14], [sflag:$0x2] =	stream.indirect.gather [hbm4b:s4+s12], $0x80, s8, s12, $0xb8;
	[tilespmem:$0x1B800] =	vst v63  }
0x4c: {  	_ =	swait.ge [sflag:s15], $0x3000  }
0x4d: {  	[sflag:s15] =	ssyncset.done $0x0  }
0x4e: {  	s9 =	rddreg [dreg:$0xa];
	[sflag:s15] =	ssyncadd.s32 $0xFFFFD000  }
0x4f: {  	[spmem:s2] =	stream.indirect.scatter.add.f32 [tilespmem:s13], [sflag:$0x3], $0x80, s9, s12, $0xb8;
	[tilespmem:$0x1B800] =	vst v63  }
0x50: {  	_ =	swait.ge [sflag:s10], $0x3000  }
0x51: {  	[sflag:s10] =	ssyncset.done $0x0  }
0x52: {  	s7 =	rddreg [dreg:$0xb];
	[sflag:s10] =	ssyncadd.s32 $0xFFFFD000  }
0x53: {  	[tilespmem:s13], [sflag:$0x1] =	stream.indirect.gather [hbm4b:s4+s12], $0x80, s7, s12, $0xb8;
	[tilespmem:$0x1B800] =	vst v63  }
0x54: {  	_ =	swait.ge [sflag:s16], $0x3000  }
0x55: {  	[sflag:s16] =	ssyncset.done $0x0  }
0x56: {  	s8 =	rddreg [dreg:$0xc];
	[sflag:s16] =	ssyncadd.s32 $0xFFFFD000  }
0x57: {  	[spmem:s2] =	stream.indirect.scatter.add.f32 [tilespmem:s14], [sflag:$0x3], $0x80, s8, s12, $0xb8;
	[tilespmem:$0x1B800] =	vst v63  }
0x58: {  	_ =	swait.ge [sflag:s10], $0x3000  }
0x59: {  	[sflag:s10] =	ssyncset.done $0x0  }
0x5a: {  	s9 =	rddreg [dreg:$0xd];
	[sflag:s10] =	ssyncadd.s32 $0xFFFFD000  }
0x5b: {  	[tilespmem:s14], [sflag:$0x2] =	stream.indirect.gather [hbm4b:s4+s12], $0x80, s9, s12, $0xb8;
	[tilespmem:$0x1B800] =	vst v63  }
0x5c: {  	_ =	swait.ge [sflag:s15], $0x3000  }
0x5d: {  	[sflag:s15] =	ssyncset.done $0x0  }
0x5e: {  	s7 =	rddreg [dreg:$0xe];
	[sflag:s15] =	ssyncadd.s32 $0xFFFFD000  }
0x5f: {  	[spmem:s2] =	stream.indirect.scatter.add.f32 [tilespmem:s13], [sflag:$0x3], $0x80, s7, s12, $0xb8;
	[tilespmem:$0x1B800] =	vst v63  }
0x60: {  	_ =	swait.ge [sflag:s10], $0x3000  }
0x61: {  	[sflag:s10] =	ssyncset.done $0x0  }
0x62: {  	s8 =	rddreg [dreg:$0xf];
	[sflag:s10] =	ssyncadd.s32 $0xFFFFD000  }
0x63: {  	[tilespmem:s13], [sflag:$0x1] =	stream.indirect.gather [hbm4b:s4+s12], $0x80, s8, s12, $0xb8;
	[tilespmem:$0x1B800] =	vst v63  }
0x64: {  	_ =	swait.ge [sflag:s16], $0x3000  }
0x65: {  	[sflag:s16] =	ssyncset.done $0x0  }
0x66: {  	s9 =	rddreg [dreg:$0x10];
	[sflag:s16] =	ssyncadd.s32 $0xFFFFD000  }
0x67: {  	[spmem:s2] =	stream.indirect.scatter.add.f32 [tilespmem:s14], [sflag:$0x3], $0x80, s9, s12, $0xb8;
	[tilespmem:$0x1B800] =	vst v63  }
0x68: {  	_ =	swait.ge [sflag:s10], $0x3000  }
0x69: {  	[sflag:s10] =	ssyncset.done $0x0  }
0x6a: {  	s7 =	rddreg [dreg:$0x11];
	[sflag:s10] =	ssyncadd.s32 $0xFFFFD000  }
0x6b: {  	[tilespmem:s14], [sflag:$0x2] =	stream.indirect.gather [hbm4b:s4+s12], $0x80, s7, s12, $0xb8;
	[tilespmem:$0x1B800] =	vst v63  }
0x6c: {  	_ =	swait.ge [sflag:s15], $0x3000  }
0x6d: {  	[sflag:s15] =	ssyncset.done $0x0  }
0x6e: {  	s8 =	rddreg [dreg:$0x12];
	[sflag:s15] =	ssyncadd.s32 $0xFFFFD000  }
0x6f: {  	[spmem:s2] =	stream.indirect.scatter.add.f32 [tilespmem:s13], [sflag:$0x3], $0x80, s8, s12, $0xb8;
	[tilespmem:$0x1B800] =	vst v63  }
0x70: {  	_ =	swait.ge [sflag:s10], $0x3000  }
0x71: {  	[sflag:s10] =	ssyncset.done $0x0  }
0x72: {  	s9 =	rddreg [dreg:$0x13];
	[sflag:s10] =	ssyncadd.s32 $0xFFFFD000  }
0x73: {  	[tilespmem:s13], [sflag:$0x1] =	stream.indirect.gather [hbm4b:s4+s12], $0x80, s9, s12, $0xb8;
	[tilespmem:$0x1B800] =	vst v63  }
0x74: {  	_ =	swait.ge [sflag:s16], $0x3000  }
0x75: {  	[sflag:s16] =	ssyncset.done $0x0  }
0x76: {  	s7 =	rddreg [dreg:$0x14];
	[sflag:s16] =	ssyncadd.s32 $0xFFFFD000  }
0x77: {  	[spmem:s2] =	stream.indirect.scatter.add.f32 [tilespmem:s14], [sflag:$0x3], $0x80, s7, s12, $0xb8;
	[tilespmem:$0x1B800] =	vst v63  }
0x78: {  	_ =	swait.ge [sflag:s10], $0x3000  }
0x79: {  	[sflag:s10] =	ssyncset.done $0x0  }
0x7a: {  	s8 =	rddreg [dreg:$0x15];
	[sflag:s10] =	ssyncadd.s32 $0xFFFFD000  }
0x7b: {  	[tilespmem:s14], [sflag:$0x2] =	stream.indirect.gather [hbm4b:s4+s12], $0x80, s8, s12, $0xb8;
	[tilespmem:$0x1B800] =	vst v63  }
0x7c: {  	_ =	swait.ge [sflag:s15], $0x3000  }
0x7d: {  	[sflag:s15] =	ssyncset.done $0x0  }
0x7e: {  	s9 =	rddreg [dreg:$0x16];
	[sflag:s15] =	ssyncadd.s32 $0xFFFFD000  }
0x7f: {  	[spmem:s2] =	stream.indirect.scatter.add.f32 [tilespmem:s13], [sflag:$0x3], $0x80, s9, s12, $0xb8;
	[tilespmem:$0x1B800] =	vst v63  }
0x80: {  	_ =	swait.ge [sflag:s10], $0x3000  }
0x81: {  	[sflag:s10] =	ssyncset.done $0x0  }
0x82: {  	s7 =	rddreg [dreg:$0x17];
	[sflag:s10] =	ssyncadd.s32 $0xFFFFD000  }
0x83: {  	[tilespmem:s13], [sflag:$0x1] =	stream.indirect.gather [hbm4b:s4+s12], $0x80, s7, s12, $0xb8;
	[tilespmem:$0x1B800] =	vst v63  }
0x84: {  	_ =	swait.ge [sflag:s16], $0x3000  }
0x85: {  	[sflag:s16] =	ssyncset.done $0x0  }
0x86: {  	s8 =	rddreg [dreg:$0x18];
	[sflag:s16] =	ssyncadd.s32 $0xFFFFD000  }
0x87: {  	[spmem:s2] =	stream.indirect.scatter.add.f32 [tilespmem:s14], [sflag:$0x3], $0x80, s8, s12, $0xb8;
	[tilespmem:$0x1B800] =	vst v63  }
0x88: {  	_ =	swait.ge [sflag:s10], $0x3000  }
0x89: {  	[sflag:s10] =	ssyncset.done $0x0  }
0x8a: {  	s9 =	rddreg [dreg:$0x19];
	[sflag:s10] =	ssyncadd.s32 $0xFFFFD000  }
0x8b: {  	[tilespmem:s14], [sflag:$0x2] =	stream.indirect.gather [hbm4b:s4+s12], $0x80, s9, s12, $0xb8;
	[tilespmem:$0x1B800] =	vst v63  }
0x8c: {  	_ =	swait.ge [sflag:s15], $0x3000  }
0x8d: {  	[sflag:s15] =	ssyncset.done $0x0  }
0x8e: {  	s7 =	rddreg [dreg:$0x1a];
	[sflag:s15] =	ssyncadd.s32 $0xFFFFD000  }
0x8f: {  	[spmem:s2] =	stream.indirect.scatter.add.f32 [tilespmem:s13], [sflag:$0x3], $0x80, s7, s12, $0xb8;
	[tilespmem:$0x1B800] =	vst v63  }
0x90: {  	_ =	swait.ge [sflag:s10], $0x3000  }
0x91: {  	[sflag:s10] =	ssyncset.done $0x0  }
0x92: {  	s8 =	rddreg [dreg:$0x1b];
	[sflag:s10] =	ssyncadd.s32 $0xFFFFD000  }
0x93: {  	[tilespmem:s13], [sflag:$0x1] =	stream.indirect.gather [hbm4b:s4+s12], $0x80, s8, s12, $0xb8;
	[tilespmem:$0x1B800] =	vst v63  }
0x94: {  	_ =	swait.ge [sflag:s16], $0x3000  }
0x95: {  	[sflag:s16] =	ssyncset.done $0x0  }
0x96: {  	s9 =	rddreg [dreg:$0x1c];
	[sflag:s16] =	ssyncadd.s32 $0xFFFFD000  }
0x97: {  	[spmem:s2] =	stream.indirect.scatter.add.f32 [tilespmem:s14], [sflag:$0x3], $0x80, s9, s12, $0xb8;
	[tilespmem:$0x1B800] =	vst v63  }
0x98: {  	_ =	swait.ge [sflag:s10], $0x3000  }
0x99: {  	[sflag:s10] =	ssyncset.done $0x0  }
0x9a: {  	[sflag:s10] =	ssyncadd.s32 $0xFFFFD000  }
0x9b: {  	[tilespmem:s14], [sflag:$0x2] =	stream.indirect.gather [hbm4b:s4+s12], $0x80, s17, s12, $0xb8;
	[tilespmem:$0x1B800] =	vst v63  }
0x9c: {  	_ =	swait.ge [sflag:s15], $0x3000  }
0x9d: {  	[sflag:s15] =	ssyncset.done $0x0  }
0x9e: {  	[sflag:s15] =	ssyncadd.s32 $0xFFFFD000  }
0x9f: {  	[spmem:s2] =	stream.indirect.scatter.add.f32 [tilespmem:s13], [sflag:$0x3], $0x80, s18, s12, $0xb8;
	[tilespmem:$0x1B800] =	vst v63  }
0xa0: {  	_ =	swait.ge [sflag:s10], $0x3000  }
0xa1: {  	[sflag:s10] =	ssyncset.done $0x0  }
0xa2: {  	[sflag:s10] =	ssyncadd.s32 $0xFFFFD000  }
0xa3: {  	[tilespmem:s13], [sflag:$0x1] =	stream.indirect.gather [hbm4b:s4+s12], $0x80, s19, s12, $0xb8;
	[tilespmem:$0x1B800] =	vst v63  }
0xa4: {  	_ =	swait.ge [sflag:s16], $0x3000  }
0xa5: {  	[sflag:s16] =	ssyncset.done $0x0  }
0xa6: {  	[sflag:s16] =	ssyncadd.s32 $0xFFFFD000  }
0xa7: {  	[spmem:s2] =	stream.indirect.scatter.add.f32 [tilespmem:s14], [sflag:$0x3], $0x80, s20, s12, $0xb8;
	[tilespmem:$0x1B800] =	vst v63  }
0xa8: {  	_ =	swait.ge [sflag:s10], $0x3000  }
0xa9: {  	[sflag:s10] =	ssyncset.done $0x0  }
0xaa: {  	[sflag:s10] =	ssyncadd.s32 $0xFFFFD000  }
0xab: {  	[tilespmem:s14], [sflag:$0x2] =	stream.indirect.gather [hbm4b:s4+s12], $0x80, s21, s12, $0xb8;
	[tilespmem:$0x1B800] =	vst v63  }
0xac: {  	_ =	swait.ge [sflag:s15], $0x3000  }
0xad: {  	[sflag:s15] =	ssyncset.done $0x0  }
0xae: {  	[sflag:s15] =	ssyncadd.s32 $0xFFFFD000  }
0xaf: {  	[spmem:s2] =	stream.indirect.scatter.add.f32 [tilespmem:s13], [sflag:$0x3], $0x80, s22, s12, $0xb8;
	[tilespmem:$0x1B800] =	vst v63  }
0xb0: {  	_ =	swait.ge [sflag:s10], $0x3000  }
0xb1: {  	[sflag:s10] =	ssyncset.done $0x0  }
0xb2: {  	[sflag:s10] =	ssyncadd.s32 $0xFFFFD000  }
0xb3: {  	[tilespmem:s13], [sflag:$0x1] =	stream.indirect.gather [hbm4b:s4+s12], $0x80, s23, s12, $0xb8;
	[tilespmem:$0x1B800] =	vst v63  }
0xb4: {  	_ =	swait.ge [sflag:s16], $0x3000  }
0xb5: {  	[sflag:s16] =	ssyncset.done $0x0  }
0xb6: {  	[sflag:s16] =	ssyncadd.s32 $0xFFFFD000  }
0xb7: {  	[spmem:s2] =	stream.indirect.scatter.add.f32 [tilespmem:s14], [sflag:$0x3], $0x80, s24, s12, $0xb8;
	[tilespmem:$0x1B800] =	vst v63  }
0xb8: {  	_ =	swait.ge [sflag:s10], $0x3000  }
0xb9: {  	[sflag:s10] =	ssyncset.done $0x0  }
0xba: {  	[sflag:s10] =	ssyncadd.s32 $0xFFFFD000  }
0xbb: {  	[tilespmem:s14], [sflag:$0x2] =	stream.indirect.gather [hbm4b:s4+s12], $0x80, s25, s12, $0xb8;
	[tilespmem:$0x1B800] =	vst v63  }
0xbc: {  	_ =	swait.ge [sflag:s15], $0x3000  }
0xbd: {  	[sflag:s15] =	ssyncset.done $0x0  }
0xbe: {  	[sflag:s15] =	ssyncadd.s32 $0xFFFFD000  }
0xbf: {  	[spmem:s2] =	stream.indirect.scatter.add.f32 [tilespmem:s13], [sflag:$0x3], $0x80, s26, s12, $0xb8;
	[tilespmem:$0x1B800] =	vst v63  }
0xc0: {  	_ =	swait.ge [sflag:s10], $0x3000  }
0xc1: {  	[sflag:s10] =	ssyncset.done $0x0  }
0xc2: {  	[sflag:s10] =	ssyncadd.s32 $0xFFFFD000  }
0xc3: {  	[tilespmem:s13], [sflag:$0x1] =	stream.indirect.gather [hbm4b:s4+s12], $0x80, s28, s12, $0xb8;
	[tilespmem:$0x1B800] =	vst v63  }
0xc4: {  	_ =	swait.ge [sflag:s16], $0x3000  }
0xc5: {  	[sflag:s16] =	ssyncset.done $0x0  }
0xc6: {  	[sflag:s16] =	ssyncadd.s32 $0xFFFFD000  }
0xc7: {  	[spmem:s2] =	stream.indirect.scatter.add.f32 [tilespmem:s14], [sflag:$0x3], $0x80, s29, s12, $0xb8;
	[tilespmem:$0x1B800] =	vst v63  }
0xc8: {  	_ =	swait.ge [sflag:s10], $0x3000  }
0xc9: {  	[sflag:s10] =	ssyncset.done $0x0  }
0xca: {  	[sflag:s10] =	ssyncadd.s32 $0xFFFFD000  }
0xcb: {  	[tilespmem:s14], [sflag:$0x2] =	stream.indirect.gather [hbm4b:s4+s12], $0x80, s30, s12, $0xb8;
	[tilespmem:$0x1B800] =	vst v63  }
0xcc: {  	_ =	swait.ge [sflag:s15], $0x3000  }
0xcd: {  	[sflag:s15] =	ssyncset.done $0x0  }
0xce: {  	[sflag:s15] =	ssyncadd.s32 $0xFFFFD000  }
0xcf: {  	[spmem:s2] =	stream.indirect.scatter.add.f32 [tilespmem:s13], [sflag:$0x3], $0x80, s31, s12, $0xb8;
	[tilespmem:$0x1B800] =	vst v63  }
0xd0: {  	_ =	swait.ge [sflag:s10], $0x3000  }
0xd1: {  	[sflag:s10] =	ssyncset.done $0x0  }
0xd2: {  	[sflag:s10] =	ssyncadd.s32 $0xFFFFD000  }
0xd3: {  	[tilespmem:s13], [sflag:$0x1] =	stream.indirect.gather [hbm4b:s4+s12], $0x80, s1, s12, $0xb8;
	[tilespmem:$0x1B800] =	vst v63  }
0xd4: {  	_ =	swait.ge [sflag:s16], $0x3000  }
0xd5: {  	[sflag:s16] =	ssyncset.done $0x0  }
0xd6: {  	[sflag:s16] =	ssyncadd.s32 $0xFFFFD000  }
0xd7: {  	[spmem:s2] =	stream.indirect.scatter.add.f32 [tilespmem:s14], [sflag:$0x3], $0x80, s0, s12, $0xb8;
	[tilespmem:$0x1B800] =	vst v63  }
0xd8: {  	_ =	swait.ge [sflag:s10], $0x3000  }
0xd9: {  	[sflag:s10] =	ssyncset.done $0x0  }
0xda: {  	[sflag:s10] =	ssyncadd.s32 $0xFFFFD000  }
0xdb: {  	_ =	swait.ge [sflag:s15], $0x3000  }
0xdc: {  	[sflag:s15] =	ssyncset.done $0x0  }
0xdd: {  	[sflag:s15] =	ssyncadd.s32 $0xFFFFD000  }
0xde: {  	[spmem:s2] =	stream.indirect.scatter.add.f32 [tilespmem:s13], [sflag:$0x3], $0x80, s5, s12, $0xb8;
	[tilespmem:$0x1B800] =	vst v63  }
0xdf: {  	s6 =	simm.s32 $0x300;
	_ =	swait.ge [sflag:s10], $0x3000  }
0xe0: {  	s8 =	simm.s32 $0x180;
	s9 =	rddreg [dreg:$0x5];
	[sflag:s10] =	ssyncset.done $0x0  }
.LBB2_2:
0xe1: {  	[sflag:s10] =	ssyncadd.s32 $0xFFFFD000;
	s9 =	sadd.s32 s8, s9  }
0xe2: {  	[tilespmem:s3], [sflag:$0x3] =	stream.linear.gather [hbm4b:s9+s3], $0xA80, $0x38;
	[tilespmem:$0x1B800] =	vst v63  }
0xe3: {  	_ =	swait.ge [sflag:s10], $0xA80  }
0xe4: {  	s9 =	rddreg [dreg:$0x4];
	[sflag:s10] =	ssyncset.done $0x0  }
0xe5: {  	[sflag:s10] =	ssyncadd.s32 $0xFFFFF580;
	s9 =	sadd.s32 s8, s9  }
0xe6: {  	[tilespmem:s11], [sflag:$0x3] =	stream.linear.gather [hbm4b:s9+s3], $0xA80, $0x38;
	[tilespmem:$0x1B800] =	vst v63  }
0xe7: {  	_ =	swait.ge [sflag:s10], $0xA80  }
0xe8: {  	[sflag:s10] =	ssyncset.done $0x0  }
0xe9: {  	[sflag:s10] =	ssyncadd.s32 $0xFFFFF580  }
0xea: {  	[tilespmem:s13], [sflag:$0x1] =	stream.indirect.gather [hbm4b:s4+s12], $0x80, s3, s12, $0xb8;
	[tilespmem:$0x1B800] =	vst v63  }
0xeb: {  	s9 =	rddreg [dreg:$0x6]  }
0xec: {  	[tilespmem:s14], [sflag:$0x2] =	stream.indirect.gather [hbm4b:s4+s12], $0x80, s9, s12, $0xb8;
	[tilespmem:$0x1B800] =	vst v63  }
0xed: {  	_ =	swait.ge [sflag:s15], $0x3000  }
0xee: {  	[sflag:s15] =	ssyncset.done $0x0  }
0xef: {  	[sflag:s15] =	ssyncadd.s32 $0xFFFFD000  }
0xf0: {  	[spmem:s2] =	stream.indirect.scatter.add.f32 [tilespmem:s13], [sflag:$0x3], $0x80, s11, s12, $0xb8;
	[tilespmem:$0x1B800] =	vst v63  }
0xf1: {  	_ =	swait.ge [sflag:s10], $0x3000  }
0xf2: {  	[sflag:s10] =	ssyncset.done $0x0  }
0xf3: {  	s9 =	rddreg [dreg:$0x7];
	[sflag:s10] =	ssyncadd.s32 $0xFFFFD000  }
0xf4: {  	[tilespmem:s13], [sflag:$0x1] =	stream.indirect.gather [hbm4b:s4+s12], $0x80, s9, s12, $0xb8;
	[tilespmem:$0x1B800] =	vst v63  }
0xf5: {  	_ =	swait.ge [sflag:s16], $0x3000  }
0xf6: {  	[sflag:s16] =	ssyncset.done $0x0  }
0xf7: {  	s9 =	rddreg [dreg:$0x8];
	[sflag:s16] =	ssyncadd.s32 $0xFFFFD000  }
0xf8: {  	[spmem:s2] =	stream.indirect.scatter.add.f32 [tilespmem:s14], [sflag:$0x3], $0x80, s9, s12, $0xb8;
	[tilespmem:$0x1B800] =	vst v63  }
0xf9: {  	_ =	swait.ge [sflag:s10], $0x3000  }
0xfa: {  	[sflag:s10] =	ssyncset.done $0x0  }
0xfb: {  	s9 =	rddreg [dreg:$0x9];
	[sflag:s10] =	ssyncadd.s32 $0xFFFFD000  }
0xfc: {  	[tilespmem:s14], [sflag:$0x2] =	stream.indirect.gather [hbm4b:s4+s12], $0x80, s9, s12, $0xb8;
	[tilespmem:$0x1B800] =	vst v63  }
0xfd: {  	_ =	swait.ge [sflag:s15], $0x3000  }
0xfe: {  	[sflag:s15] =	ssyncset.done $0x0  }
0xff: {  	s9 =	rddreg [dreg:$0xa];
	[sflag:s15] =	ssyncadd.s32 $0xFFFFD000  }
0x100: {  	[spmem:s2] =	stream.indirect.scatter.add.f32 [tilespmem:s13], [sflag:$0x3], $0x80, s9, s12, $0xb8;
	[tilespmem:$0x1B800] =	vst v63  }
0x101: {  	_ =	swait.ge [sflag:s10], $0x3000  }
0x102: {  	[sflag:s10] =	ssyncset.done $0x0  }
0x103: {  	s9 =	rddreg [dreg:$0xb];
	[sflag:s10] =	ssyncadd.s32 $0xFFFFD000  }
0x104: {  	[tilespmem:s13], [sflag:$0x1] =	stream.indirect.gather [hbm4b:s4+s12], $0x80, s9, s12, $0xb8;
	[tilespmem:$0x1B800] =	vst v63  }
0x105: {  	_ =	swait.ge [sflag:s16], $0x3000  }
0x106: {  	[sflag:s16] =	ssyncset.done $0x0  }
0x107: {  	s9 =	rddreg [dreg:$0xc];
	[sflag:s16] =	ssyncadd.s32 $0xFFFFD000  }
0x108: {  	[spmem:s2] =	stream.indirect.scatter.add.f32 [tilespmem:s14], [sflag:$0x3], $0x80, s9, s12, $0xb8;
	[tilespmem:$0x1B800] =	vst v63  }
0x109: {  	_ =	swait.ge [sflag:s10], $0x3000  }
0x10a: {  	[sflag:s10] =	ssyncset.done $0x0  }
0x10b: {  	s9 =	rddreg [dreg:$0xd];
	[sflag:s10] =	ssyncadd.s32 $0xFFFFD000  }
0x10c: {  	[tilespmem:s14], [sflag:$0x2] =	stream.indirect.gather [hbm4b:s4+s12], $0x80, s9, s12, $0xb8;
	[tilespmem:$0x1B800] =	vst v63  }
0x10d: {  	_ =	swait.ge [sflag:s15], $0x3000  }
0x10e: {  	[sflag:s15] =	ssyncset.done $0x0  }
0x10f: {  	s9 =	rddreg [dreg:$0xe];
	[sflag:s15] =	ssyncadd.s32 $0xFFFFD000  }
0x110: {  	[spmem:s2] =	stream.indirect.scatter.add.f32 [tilespmem:s13], [sflag:$0x3], $0x80, s9, s12, $0xb8;
	[tilespmem:$0x1B800] =	vst v63  }
0x111: {  	_ =	swait.ge [sflag:s10], $0x3000  }
0x112: {  	[sflag:s10] =	ssyncset.done $0x0  }
0x113: {  	s9 =	rddreg [dreg:$0xf];
	[sflag:s10] =	ssyncadd.s32 $0xFFFFD000  }
0x114: {  	[tilespmem:s13], [sflag:$0x1] =	stream.indirect.gather [hbm4b:s4+s12], $0x80, s9, s12, $0xb8;
	[tilespmem:$0x1B800] =	vst v63  }
0x115: {  	_ =	swait.ge [sflag:s16], $0x3000  }
0x116: {  	[sflag:s16] =	ssyncset.done $0x0  }
0x117: {  	s9 =	rddreg [dreg:$0x10];
	[sflag:s16] =	ssyncadd.s32 $0xFFFFD000  }
0x118: {  	[spmem:s2] =	stream.indirect.scatter.add.f32 [tilespmem:s14], [sflag:$0x3], $0x80, s9, s12, $0xb8;
	[tilespmem:$0x1B800] =	vst v63  }
0x119: {  	_ =	swait.ge [sflag:s10], $0x3000  }
0x11a: {  	[sflag:s10] =	ssyncset.done $0x0  }
0x11b: {  	s9 =	rddreg [dreg:$0x11];
	[sflag:s10] =	ssyncadd.s32 $0xFFFFD000  }
0x11c: {  	[tilespmem:s14], [sflag:$0x2] =	stream.indirect.gather [hbm4b:s4+s12], $0x80, s9, s12, $0xb8;
	[tilespmem:$0x1B800] =	vst v63  }
0x11d: {  	_ =	swait.ge [sflag:s15], $0x3000  }
0x11e: {  	[sflag:s15] =	ssyncset.done $0x0  }
0x11f: {  	s9 =	rddreg [dreg:$0x12];
	[sflag:s15] =	ssyncadd.s32 $0xFFFFD000  }
0x120: {  	[spmem:s2] =	stream.indirect.scatter.add.f32 [tilespmem:s13], [sflag:$0x3], $0x80, s9, s12, $0xb8;
	[tilespmem:$0x1B800] =	vst v63  }
0x121: {  	_ =	swait.ge [sflag:s10], $0x3000  }
0x122: {  	[sflag:s10] =	ssyncset.done $0x0  }
0x123: {  	s9 =	rddreg [dreg:$0x13];
	[sflag:s10] =	ssyncadd.s32 $0xFFFFD000  }
0x124: {  	[tilespmem:s13], [sflag:$0x1] =	stream.indirect.gather [hbm4b:s4+s12], $0x80, s9, s12, $0xb8;
	[tilespmem:$0x1B800] =	vst v63  }
0x125: {  	_ =	swait.ge [sflag:s16], $0x3000  }
0x126: {  	[sflag:s16] =	ssyncset.done $0x0  }
0x127: {  	s9 =	rddreg [dreg:$0x14];
	[sflag:s16] =	ssyncadd.s32 $0xFFFFD000  }
0x128: {  	[spmem:s2] =	stream.indirect.scatter.add.f32 [tilespmem:s14], [sflag:$0x3], $0x80, s9, s12, $0xb8;
	[tilespmem:$0x1B800] =	vst v63  }
0x129: {  	_ =	swait.ge [sflag:s10], $0x3000  }
0x12a: {  	[sflag:s10] =	ssyncset.done $0x0  }
0x12b: {  	s9 =	rddreg [dreg:$0x15];
	[sflag:s10] =	ssyncadd.s32 $0xFFFFD000  }
0x12c: {  	[tilespmem:s14], [sflag:$0x2] =	stream.indirect.gather [hbm4b:s4+s12], $0x80, s9, s12, $0xb8;
	[tilespmem:$0x1B800] =	vst v63  }
0x12d: {  	_ =	swait.ge [sflag:s15], $0x3000  }
0x12e: {  	[sflag:s15] =	ssyncset.done $0x0  }
0x12f: {  	s9 =	rddreg [dreg:$0x16];
	[sflag:s15] =	ssyncadd.s32 $0xFFFFD000  }
0x130: {  	[spmem:s2] =	stream.indirect.scatter.add.f32 [tilespmem:s13], [sflag:$0x3], $0x80, s9, s12, $0xb8;
	[tilespmem:$0x1B800] =	vst v63  }
0x131: {  	_ =	swait.ge [sflag:s10], $0x3000  }
0x132: {  	[sflag:s10] =	ssyncset.done $0x0  }
0x133: {  	s9 =	rddreg [dreg:$0x17];
	[sflag:s10] =	ssyncadd.s32 $0xFFFFD000  }
0x134: {  	[tilespmem:s13], [sflag:$0x1] =	stream.indirect.gather [hbm4b:s4+s12], $0x80, s9, s12, $0xb8;
	[tilespmem:$0x1B800] =	vst v63  }
0x135: {  	_ =	swait.ge [sflag:s16], $0x3000  }
0x136: {  	[sflag:s16] =	ssyncset.done $0x0  }
0x137: {  	s9 =	rddreg [dreg:$0x18];
	[sflag:s16] =	ssyncadd.s32 $0xFFFFD000  }
0x138: {  	[spmem:s2] =	stream.indirect.scatter.add.f32 [tilespmem:s14], [sflag:$0x3], $0x80, s9, s12, $0xb8;
	[tilespmem:$0x1B800] =	vst v63  }
0x139: {  	_ =	swait.ge [sflag:s10], $0x3000  }
0x13a: {  	[sflag:s10] =	ssyncset.done $0x0  }
0x13b: {  	s9 =	rddreg [dreg:$0x19];
	[sflag:s10] =	ssyncadd.s32 $0xFFFFD000  }
0x13c: {  	[tilespmem:s14], [sflag:$0x2] =	stream.indirect.gather [hbm4b:s4+s12], $0x80, s9, s12, $0xb8;
	[tilespmem:$0x1B800] =	vst v63  }
0x13d: {  	_ =	swait.ge [sflag:s15], $0x3000  }
0x13e: {  	[sflag:s15] =	ssyncset.done $0x0  }
0x13f: {  	s9 =	rddreg [dreg:$0x1a];
	[sflag:s15] =	ssyncadd.s32 $0xFFFFD000  }
0x140: {  	[spmem:s2] =	stream.indirect.scatter.add.f32 [tilespmem:s13], [sflag:$0x3], $0x80, s9, s12, $0xb8;
	[tilespmem:$0x1B800] =	vst v63  }
0x141: {  	_ =	swait.ge [sflag:s10], $0x3000  }
0x142: {  	[sflag:s10] =	ssyncset.done $0x0  }
0x143: {  	s9 =	rddreg [dreg:$0x1b];
	[sflag:s10] =	ssyncadd.s32 $0xFFFFD000  }
0x144: {  	[tilespmem:s13], [sflag:$0x1] =	stream.indirect.gather [hbm4b:s4+s12], $0x80, s9, s12, $0xb8;
	[tilespmem:$0x1B800] =	vst v63  }
0x145: {  	_ =	swait.ge [sflag:s16], $0x3000  }
0x146: {  	[sflag:s16] =	ssyncset.done $0x0  }
0x147: {  	s9 =	rddreg [dreg:$0x1c];
	[sflag:s16] =	ssyncadd.s32 $0xFFFFD000  }
0x148: {  	[spmem:s2] =	stream.indirect.scatter.add.f32 [tilespmem:s14], [sflag:$0x3], $0x80, s9, s12, $0xb8;
	[tilespmem:$0x1B800] =	vst v63  }
0x149: {  	_ =	swait.ge [sflag:s10], $0x3000  }
0x14a: {  	[sflag:s10] =	ssyncset.done $0x0  }
0x14b: {  	[sflag:s10] =	ssyncadd.s32 $0xFFFFD000  }
0x14c: {  	[tilespmem:s14], [sflag:$0x2] =	stream.indirect.gather [hbm4b:s4+s12], $0x80, s17, s12, $0xb8;
	[tilespmem:$0x1B800] =	vst v63  }
0x14d: {  	_ =	swait.ge [sflag:s15], $0x3000  }
0x14e: {  	[sflag:s15] =	ssyncset.done $0x0  }
0x14f: {  	[sflag:s15] =	ssyncadd.s32 $0xFFFFD000  }
0x150: {  	[spmem:s2] =	stream.indirect.scatter.add.f32 [tilespmem:s13], [sflag:$0x3], $0x80, s18, s12, $0xb8;
	[tilespmem:$0x1B800] =	vst v63  }
0x151: {  	_ =	swait.ge [sflag:s10], $0x3000  }
0x152: {  	[sflag:s10] =	ssyncset.done $0x0  }
0x153: {  	[sflag:s10] =	ssyncadd.s32 $0xFFFFD000  }
0x154: {  	[tilespmem:s13], [sflag:$0x1] =	stream.indirect.gather [hbm4b:s4+s12], $0x80, s19, s12, $0xb8;
	[tilespmem:$0x1B800] =	vst v63  }
0x155: {  	_ =	swait.ge [sflag:s16], $0x3000  }
0x156: {  	[sflag:s16] =	ssyncset.done $0x0  }
0x157: {  	[sflag:s16] =	ssyncadd.s32 $0xFFFFD000  }
0x158: {  	[spmem:s2] =	stream.indirect.scatter.add.f32 [tilespmem:s14], [sflag:$0x3], $0x80, s20, s12, $0xb8;
	[tilespmem:$0x1B800] =	vst v63  }
0x159: {  	_ =	swait.ge [sflag:s10], $0x3000  }
0x15a: {  	[sflag:s10] =	ssyncset.done $0x0  }
0x15b: {  	[sflag:s10] =	ssyncadd.s32 $0xFFFFD000  }
0x15c: {  	[tilespmem:s14], [sflag:$0x2] =	stream.indirect.gather [hbm4b:s4+s12], $0x80, s21, s12, $0xb8;
	[tilespmem:$0x1B800] =	vst v63  }
0x15d: {  	_ =	swait.ge [sflag:s15], $0x3000  }
0x15e: {  	[sflag:s15] =	ssyncset.done $0x0  }
0x15f: {  	[sflag:s15] =	ssyncadd.s32 $0xFFFFD000  }
0x160: {  	[spmem:s2] =	stream.indirect.scatter.add.f32 [tilespmem:s13], [sflag:$0x3], $0x80, s22, s12, $0xb8;
	[tilespmem:$0x1B800] =	vst v63  }
0x161: {  	_ =	swait.ge [sflag:s10], $0x3000  }
0x162: {  	[sflag:s10] =	ssyncset.done $0x0  }
0x163: {  	[sflag:s10] =	ssyncadd.s32 $0xFFFFD000  }
0x164: {  	[tilespmem:s13], [sflag:$0x1] =	stream.indirect.gather [hbm4b:s4+s12], $0x80, s23, s12, $0xb8;
	[tilespmem:$0x1B800] =	vst v63  }
0x165: {  	_ =	swait.ge [sflag:s16], $0x3000  }
0x166: {  	[sflag:s16] =	ssyncset.done $0x0  }
0x167: {  	[sflag:s16] =	ssyncadd.s32 $0xFFFFD000  }
0x168: {  	[spmem:s2] =	stream.indirect.scatter.add.f32 [tilespmem:s14], [sflag:$0x3], $0x80, s24, s12, $0xb8;
	[tilespmem:$0x1B800] =	vst v63  }
0x169: {  	_ =	swait.ge [sflag:s10], $0x3000  }
0x16a: {  	[sflag:s10] =	ssyncset.done $0x0  }
0x16b: {  	[sflag:s10] =	ssyncadd.s32 $0xFFFFD000  }
0x16c: {  	[tilespmem:s14], [sflag:$0x2] =	stream.indirect.gather [hbm4b:s4+s12], $0x80, s25, s12, $0xb8;
	[tilespmem:$0x1B800] =	vst v63  }
0x16d: {  	_ =	swait.ge [sflag:s15], $0x3000  }
0x16e: {  	[sflag:s15] =	ssyncset.done $0x0  }
0x16f: {  	[sflag:s15] =	ssyncadd.s32 $0xFFFFD000  }
0x170: {  	[spmem:s2] =	stream.indirect.scatter.add.f32 [tilespmem:s13], [sflag:$0x3], $0x80, s26, s12, $0xb8;
	[tilespmem:$0x1B800] =	vst v63  }
0x171: {  	_ =	swait.ge [sflag:s10], $0x3000  }
0x172: {  	[sflag:s10] =	ssyncset.done $0x0  }
0x173: {  	[sflag:s10] =	ssyncadd.s32 $0xFFFFD000  }
0x174: {  	[tilespmem:s13], [sflag:$0x1] =	stream.indirect.gather [hbm4b:s4+s12], $0x80, s28, s12, $0xb8;
	[tilespmem:$0x1B800] =	vst v63  }
0x175: {  	_ =	swait.ge [sflag:s16], $0x3000  }
0x176: {  	[sflag:s16] =	ssyncset.done $0x0  }
0x177: {  	[sflag:s16] =	ssyncadd.s32 $0xFFFFD000  }
0x178: {  	[spmem:s2] =	stream.indirect.scatter.add.f32 [tilespmem:s14], [sflag:$0x3], $0x80, s29, s12, $0xb8;
	[tilespmem:$0x1B800] =	vst v63  }
0x179: {  	_ =	swait.ge [sflag:s10], $0x3000  }
0x17a: {  	[sflag:s10] =	ssyncset.done $0x0  }
0x17b: {  	[sflag:s10] =	ssyncadd.s32 $0xFFFFD000  }
0x17c: {  	[tilespmem:s14], [sflag:$0x2] =	stream.indirect.gather [hbm4b:s4+s12], $0x80, s30, s12, $0xb8;
	[tilespmem:$0x1B800] =	vst v63  }
0x17d: {  	_ =	swait.ge [sflag:s15], $0x3000  }
0x17e: {  	[sflag:s15] =	ssyncset.done $0x0  }
0x17f: {  	[sflag:s15] =	ssyncadd.s32 $0xFFFFD000  }
0x180: {  	[spmem:s2] =	stream.indirect.scatter.add.f32 [tilespmem:s13], [sflag:$0x3], $0x80, s31, s12, $0xb8;
	[tilespmem:$0x1B800] =	vst v63  }
0x181: {  	_ =	swait.ge [sflag:s10], $0x3000  }
0x182: {  	[sflag:s10] =	ssyncset.done $0x0  }
0x183: {  	[sflag:s10] =	ssyncadd.s32 $0xFFFFD000  }
0x184: {  	[tilespmem:s13], [sflag:$0x1] =	stream.indirect.gather [hbm4b:s4+s12], $0x80, s1, s12, $0xb8;
	[tilespmem:$0x1B800] =	vst v63  }
0x185: {  	_ =	swait.ge [sflag:s16], $0x3000  }
0x186: {  	[sflag:s16] =	ssyncset.done $0x0  }
0x187: {  	[sflag:s16] =	ssyncadd.s32 $0xFFFFD000  }
0x188: {  	[spmem:s2] =	stream.indirect.scatter.add.f32 [tilespmem:s14], [sflag:$0x3], $0x80, s0, s12, $0xb8;
	[tilespmem:$0x1B800] =	vst v63  }
0x189: {  	_ =	swait.ge [sflag:s10], $0x3000  }
0x18a: {  	[sflag:s10] =	ssyncset.done $0x0  }
0x18b: {  	[sflag:s10] =	ssyncadd.s32 $0xFFFFD000  }
0x18c: {  	p0 =	sne.s32 s6, $0x600;
	_ =	swait.ge [sflag:s15], $0x3000  }
.Ltmp0:
0x18d: {  	[sflag:s15] =	ssyncset.done $0x0;
	(pc) =	sbr.rel @p0 .LBB2_2-.Ltmp0, $4  }
0x18e: {  	[sflag:s15] =	ssyncadd.s32 $0xFFFFD000  }
0x18f: {  	[spmem:s2] =	stream.indirect.scatter.add.f32 [tilespmem:s13], [sflag:$0x3], $0x80, s5, s12, $0xb8;
	[tilespmem:$0x1B800] =	vst v63  }
0x190: {  	s7 =	smov.u32 s6;
	s6 =	sadd.s32 $0x180, s6;
	_ =	swait.ge [sflag:s10], $0x3000  }
0x191: {  	s8 =	smov.u32 s7;
	s9 =	rddreg [dreg:$0x5];
	[sflag:s10] =	ssyncset.done $0x0  }
0x192: {  	[sflag:s10] =	ssyncadd.s32 $0xFFFFD000;
	s6 =	sadd.s32 s8, s9  }
0x193: {  	[tilespmem:s3], [sflag:$0x3] =	stream.linear.gather [hbm4b:s6+s3], $0xA80, $0x38;
	[tilespmem:$0x1B800] =	vst v63  }
0x194: {  	_ =	swait.ge [sflag:s10], $0xA80  }
0x195: {  	s9 =	rddreg [dreg:$0x4];
	[sflag:s10] =	ssyncset.done $0x0  }
0x196: {  	s6 =	sadd.s32 s8, s9;
	[sflag:s10] =	ssyncadd.s32 $0xFFFFF580  }
0x197: {  	[tilespmem:s11], [sflag:$0x3] =	stream.linear.gather [hbm4b:s6+s3], $0xA80, $0x38;
	[tilespmem:$0x1B800] =	vst v63  }
0x198: {  	_ =	swait.ge [sflag:s10], $0xA80  }
0x199: {  	[sflag:s10] =	ssyncset.done $0x0  }
0x19a: {  	[sflag:s10] =	ssyncadd.s32 $0xFFFFF580  }
0x19b: {  	[tilespmem:s13], [sflag:$0x1] =	stream.indirect.gather [hbm4b:s4+s12], $0x80, s3, s12, $0xb8;
	[tilespmem:$0x1B800] =	vst v63  }
0x19c: {  	s7 =	rddreg [dreg:$0x6]  }
0x19d: {  	[tilespmem:s14], [sflag:$0x2] =	stream.indirect.gather [hbm4b:s4+s12], $0x80, s7, s12, $0xb8;
	[tilespmem:$0x1B800] =	vst v63  }
0x19e: {  	_ =	swait.ge [sflag:s15], $0x3000  }
0x19f: {  	[sflag:s15] =	ssyncset.done $0x0  }
0x1a0: {  	[sflag:s15] =	ssyncadd.s32 $0xFFFFD000  }
0x1a1: {  	[spmem:s2] =	stream.indirect.scatter.add.f32 [tilespmem:s13], [sflag:$0x3], $0x80, s11, s12, $0xb8;
	[tilespmem:$0x1B800] =	vst v63  }
0x1a2: {  	_ =	swait.ge [sflag:s10], $0x3000  }
0x1a3: {  	[sflag:s10] =	ssyncset.done $0x0  }
0x1a4: {  	s8 =	rddreg [dreg:$0x7];
	[sflag:s10] =	ssyncadd.s32 $0xFFFFD000  }
0x1a5: {  	[tilespmem:s13], [sflag:$0x1] =	stream.indirect.gather [hbm4b:s4+s12], $0x80, s8, s12, $0xb8;
	[tilespmem:$0x1B800] =	vst v63  }
0x1a6: {  	_ =	swait.ge [sflag:s16], $0x3000  }
0x1a7: {  	[sflag:s16] =	ssyncset.done $0x0  }
0x1a8: {  	s9 =	rddreg [dreg:$0x8];
	[sflag:s16] =	ssyncadd.s32 $0xFFFFD000  }
0x1a9: {  	[spmem:s2] =	stream.indirect.scatter.add.f32 [tilespmem:s14], [sflag:$0x3], $0x80, s9, s12, $0xb8;
	[tilespmem:$0x1B800] =	vst v63  }
0x1aa: {  	_ =	swait.ge [sflag:s10], $0x3000  }
0x1ab: {  	[sflag:s10] =	ssyncset.done $0x0  }
0x1ac: {  	s7 =	rddreg [dreg:$0x9];
	[sflag:s10] =	ssyncadd.s32 $0xFFFFD000  }
0x1ad: {  	[tilespmem:s14], [sflag:$0x2] =	stream.indirect.gather [hbm4b:s4+s12], $0x80, s7, s12, $0xb8;
	[tilespmem:$0x1B800] =	vst v63  }
0x1ae: {  	_ =	swait.ge [sflag:s15], $0x3000  }
0x1af: {  	[sflag:s15] =	ssyncset.done $0x0  }
0x1b0: {  	s8 =	rddreg [dreg:$0xa];
	[sflag:s15] =	ssyncadd.s32 $0xFFFFD000  }
0x1b1: {  	[spmem:s2] =	stream.indirect.scatter.add.f32 [tilespmem:s13], [sflag:$0x3], $0x80, s8, s12, $0xb8;
	[tilespmem:$0x1B800] =	vst v63  }
0x1b2: {  	_ =	swait.ge [sflag:s10], $0x3000  }
0x1b3: {  	[sflag:s10] =	ssyncset.done $0x0  }
0x1b4: {  	s9 =	rddreg [dreg:$0xb];
	[sflag:s10] =	ssyncadd.s32 $0xFFFFD000  }
0x1b5: {  	[tilespmem:s13], [sflag:$0x1] =	stream.indirect.gather [hbm4b:s4+s12], $0x80, s9, s12, $0xb8;
	[tilespmem:$0x1B800] =	vst v63  }
0x1b6: {  	_ =	swait.ge [sflag:s16], $0x3000  }
0x1b7: {  	[sflag:s16] =	ssyncset.done $0x0  }
0x1b8: {  	s7 =	rddreg [dreg:$0xc];
	[sflag:s16] =	ssyncadd.s32 $0xFFFFD000  }
0x1b9: {  	[spmem:s2] =	stream.indirect.scatter.add.f32 [tilespmem:s14], [sflag:$0x3], $0x80, s7, s12, $0xb8;
	[tilespmem:$0x1B800] =	vst v63  }
0x1ba: {  	_ =	swait.ge [sflag:s10], $0x3000  }
0x1bb: {  	[sflag:s10] =	ssyncset.done $0x0  }
0x1bc: {  	s8 =	rddreg [dreg:$0xd];
	[sflag:s10] =	ssyncadd.s32 $0xFFFFD000  }
0x1bd: {  	[tilespmem:s14], [sflag:$0x2] =	stream.indirect.gather [hbm4b:s4+s12], $0x80, s8, s12, $0xb8;
	[tilespmem:$0x1B800] =	vst v63  }
0x1be: {  	_ =	swait.ge [sflag:s15], $0x3000  }
0x1bf: {  	[sflag:s15] =	ssyncset.done $0x0  }
0x1c0: {  	s9 =	rddreg [dreg:$0xe];
	[sflag:s15] =	ssyncadd.s32 $0xFFFFD000  }
0x1c1: {  	[spmem:s2] =	stream.indirect.scatter.add.f32 [tilespmem:s13], [sflag:$0x3], $0x80, s9, s12, $0xb8;
	[tilespmem:$0x1B800] =	vst v63  }
0x1c2: {  	_ =	swait.ge [sflag:s10], $0x3000  }
0x1c3: {  	[sflag:s10] =	ssyncset.done $0x0  }
0x1c4: {  	s7 =	rddreg [dreg:$0xf];
	[sflag:s10] =	ssyncadd.s32 $0xFFFFD000  }
0x1c5: {  	[tilespmem:s13], [sflag:$0x1] =	stream.indirect.gather [hbm4b:s4+s12], $0x80, s7, s12, $0xb8;
	[tilespmem:$0x1B800] =	vst v63  }
0x1c6: {  	_ =	swait.ge [sflag:s16], $0x3000  }
0x1c7: {  	[sflag:s16] =	ssyncset.done $0x0  }
0x1c8: {  	s8 =	rddreg [dreg:$0x10];
	[sflag:s16] =	ssyncadd.s32 $0xFFFFD000  }
0x1c9: {  	[spmem:s2] =	stream.indirect.scatter.add.f32 [tilespmem:s14], [sflag:$0x3], $0x80, s8, s12, $0xb8;
	[tilespmem:$0x1B800] =	vst v63  }
0x1ca: {  	_ =	swait.ge [sflag:s10], $0x3000  }
0x1cb: {  	[sflag:s10] =	ssyncset.done $0x0  }
0x1cc: {  	s9 =	rddreg [dreg:$0x11];
	[sflag:s10] =	ssyncadd.s32 $0xFFFFD000  }
0x1cd: {  	[tilespmem:s14], [sflag:$0x2] =	stream.indirect.gather [hbm4b:s4+s12], $0x80, s9, s12, $0xb8;
	[tilespmem:$0x1B800] =	vst v63  }
0x1ce: {  	_ =	swait.ge [sflag:s15], $0x3000  }
0x1cf: {  	[sflag:s15] =	ssyncset.done $0x0  }
0x1d0: {  	s7 =	rddreg [dreg:$0x12];
	[sflag:s15] =	ssyncadd.s32 $0xFFFFD000  }
0x1d1: {  	[spmem:s2] =	stream.indirect.scatter.add.f32 [tilespmem:s13], [sflag:$0x3], $0x80, s7, s12, $0xb8;
	[tilespmem:$0x1B800] =	vst v63  }
0x1d2: {  	_ =	swait.ge [sflag:s10], $0x3000  }
0x1d3: {  	[sflag:s10] =	ssyncset.done $0x0  }
0x1d4: {  	s8 =	rddreg [dreg:$0x13];
	[sflag:s10] =	ssyncadd.s32 $0xFFFFD000  }
0x1d5: {  	[tilespmem:s13], [sflag:$0x1] =	stream.indirect.gather [hbm4b:s4+s12], $0x80, s8, s12, $0xb8;
	[tilespmem:$0x1B800] =	vst v63  }
0x1d6: {  	_ =	swait.ge [sflag:s16], $0x3000  }
0x1d7: {  	[sflag:s16] =	ssyncset.done $0x0  }
0x1d8: {  	s9 =	rddreg [dreg:$0x14];
	[sflag:s16] =	ssyncadd.s32 $0xFFFFD000  }
0x1d9: {  	[spmem:s2] =	stream.indirect.scatter.add.f32 [tilespmem:s14], [sflag:$0x3], $0x80, s9, s12, $0xb8;
	[tilespmem:$0x1B800] =	vst v63  }
0x1da: {  	_ =	swait.ge [sflag:s10], $0x3000  }
0x1db: {  	[sflag:s10] =	ssyncset.done $0x0  }
0x1dc: {  	s7 =	rddreg [dreg:$0x15];
	[sflag:s10] =	ssyncadd.s32 $0xFFFFD000  }
0x1dd: {  	[tilespmem:s14], [sflag:$0x2] =	stream.indirect.gather [hbm4b:s4+s12], $0x80, s7, s12, $0xb8;
	[tilespmem:$0x1B800] =	vst v63  }
0x1de: {  	_ =	swait.ge [sflag:s15], $0x3000  }
0x1df: {  	[sflag:s15] =	ssyncset.done $0x0  }
0x1e0: {  	s8 =	rddreg [dreg:$0x16];
	[sflag:s15] =	ssyncadd.s32 $0xFFFFD000  }
0x1e1: {  	[spmem:s2] =	stream.indirect.scatter.add.f32 [tilespmem:s13], [sflag:$0x3], $0x80, s8, s12, $0xb8;
	[tilespmem:$0x1B800] =	vst v63  }
0x1e2: {  	_ =	swait.ge [sflag:s10], $0x3000  }
0x1e3: {  	[sflag:s10] =	ssyncset.done $0x0  }
0x1e4: {  	s9 =	rddreg [dreg:$0x17];
	[sflag:s10] =	ssyncadd.s32 $0xFFFFD000  }
0x1e5: {  	[tilespmem:s13], [sflag:$0x1] =	stream.indirect.gather [hbm4b:s4+s12], $0x80, s9, s12, $0xb8;
	[tilespmem:$0x1B800] =	vst v63  }
0x1e6: {  	_ =	swait.ge [sflag:s16], $0x3000  }
0x1e7: {  	[sflag:s16] =	ssyncset.done $0x0  }
0x1e8: {  	s7 =	rddreg [dreg:$0x18];
	[sflag:s16] =	ssyncadd.s32 $0xFFFFD000  }
0x1e9: {  	[spmem:s2] =	stream.indirect.scatter.add.f32 [tilespmem:s14], [sflag:$0x3], $0x80, s7, s12, $0xb8;
	[tilespmem:$0x1B800] =	vst v63  }
0x1ea: {  	_ =	swait.ge [sflag:s10], $0x3000  }
0x1eb: {  	[sflag:s10] =	ssyncset.done $0x0  }
0x1ec: {  	s8 =	rddreg [dreg:$0x19];
	[sflag:s10] =	ssyncadd.s32 $0xFFFFD000  }
0x1ed: {  	[tilespmem:s14], [sflag:$0x2] =	stream.indirect.gather [hbm4b:s4+s12], $0x80, s8, s12, $0xb8;
	[tilespmem:$0x1B800] =	vst v63  }
0x1ee: {  	_ =	swait.ge [sflag:s15], $0x3000  }
0x1ef: {  	[sflag:s15] =	ssyncset.done $0x0  }
0x1f0: {  	s9 =	rddreg [dreg:$0x1a];
	[sflag:s15] =	ssyncadd.s32 $0xFFFFD000  }
0x1f1: {  	[spmem:s2] =	stream.indirect.scatter.add.f32 [tilespmem:s13], [sflag:$0x3], $0x80, s9, s12, $0xb8;
	[tilespmem:$0x1B800] =	vst v63  }
0x1f2: {  	_ =	swait.ge [sflag:s10], $0x3000  }
0x1f3: {  	[sflag:s10] =	ssyncset.done $0x0  }
0x1f4: {  	s7 =	rddreg [dreg:$0x1b];
	[sflag:s10] =	ssyncadd.s32 $0xFFFFD000  }
0x1f5: {  	[tilespmem:s13], [sflag:$0x1] =	stream.indirect.gather [hbm4b:s4+s12], $0x80, s7, s12, $0xb8;
	[tilespmem:$0x1B800] =	vst v63  }
0x1f6: {  	_ =	swait.ge [sflag:s16], $0x3000  }
0x1f7: {  	[sflag:s16] =	ssyncset.done $0x0  }
0x1f8: {  	s8 =	rddreg [dreg:$0x1c];
	[sflag:s16] =	ssyncadd.s32 $0xFFFFD000  }
0x1f9: {  	[spmem:s2] =	stream.indirect.scatter.add.f32 [tilespmem:s14], [sflag:$0x3], $0x80, s8, s12, $0xb8;
	[tilespmem:$0x1B800] =	vst v63  }
0x1fa: {  	_ =	swait.ge [sflag:s10], $0x3000  }
0x1fb: {  	[sflag:s10] =	ssyncset.done $0x0  }
0x1fc: {  	[sflag:s10] =	ssyncadd.s32 $0xFFFFD000  }
0x1fd: {  	[tilespmem:s14], [sflag:$0x2] =	stream.indirect.gather [hbm4b:s4+s12], $0x80, s17, s12, $0xb8;
	[tilespmem:$0x1B800] =	vst v63  }
0x1fe: {  	_ =	swait.ge [sflag:s15], $0x3000  }
0x1ff: {  	[sflag:s15] =	ssyncset.done $0x0  }
0x200: {  	[sflag:s15] =	ssyncadd.s32 $0xFFFFD000  }
0x201: {  	[spmem:s2] =	stream.indirect.scatter.add.f32 [tilespmem:s13], [sflag:$0x3], $0x80, s18, s12, $0xb8;
	[tilespmem:$0x1B800] =	vst v63  }
0x202: {  	_ =	swait.ge [sflag:s10], $0x3000  }
0x203: {  	[sflag:s10] =	ssyncset.done $0x0  }
0x204: {  	[sflag:s10] =	ssyncadd.s32 $0xFFFFD000  }
0x205: {  	[tilespmem:s13], [sflag:$0x1] =	stream.indirect.gather [hbm4b:s4+s12], $0x80, s19, s12, $0xb8;
	[tilespmem:$0x1B800] =	vst v63  }
0x206: {  	_ =	swait.ge [sflag:s16], $0x3000  }
0x207: {  	[sflag:s16] =	ssyncset.done $0x0  }
0x208: {  	[sflag:s16] =	ssyncadd.s32 $0xFFFFD000  }
0x209: {  	[spmem:s2] =	stream.indirect.scatter.add.f32 [tilespmem:s14], [sflag:$0x3], $0x80, s20, s12, $0xb8;
	[tilespmem:$0x1B800] =	vst v63  }
0x20a: {  	_ =	swait.ge [sflag:s10], $0x3000  }
0x20b: {  	[sflag:s10] =	ssyncset.done $0x0  }
0x20c: {  	[sflag:s10] =	ssyncadd.s32 $0xFFFFD000  }
0x20d: {  	[tilespmem:s14], [sflag:$0x2] =	stream.indirect.gather [hbm4b:s4+s12], $0x80, s21, s12, $0xb8;
	[tilespmem:$0x1B800] =	vst v63  }
0x20e: {  	_ =	swait.ge [sflag:s15], $0x3000  }
0x20f: {  	[sflag:s15] =	ssyncset.done $0x0  }
0x210: {  	[sflag:s15] =	ssyncadd.s32 $0xFFFFD000  }
0x211: {  	[spmem:s2] =	stream.indirect.scatter.add.f32 [tilespmem:s13], [sflag:$0x3], $0x80, s22, s12, $0xb8;
	[tilespmem:$0x1B800] =	vst v63  }
0x212: {  	_ =	swait.ge [sflag:s10], $0x3000  }
0x213: {  	[sflag:s10] =	ssyncset.done $0x0  }
0x214: {  	[sflag:s10] =	ssyncadd.s32 $0xFFFFD000  }
0x215: {  	[tilespmem:s13], [sflag:$0x1] =	stream.indirect.gather [hbm4b:s4+s12], $0x80, s23, s12, $0xb8;
	[tilespmem:$0x1B800] =	vst v63  }
0x216: {  	_ =	swait.ge [sflag:s16], $0x3000  }
0x217: {  	[sflag:s16] =	ssyncset.done $0x0  }
0x218: {  	[sflag:s16] =	ssyncadd.s32 $0xFFFFD000  }
0x219: {  	[spmem:s2] =	stream.indirect.scatter.add.f32 [tilespmem:s14], [sflag:$0x3], $0x80, s24, s12, $0xb8;
	[tilespmem:$0x1B800] =	vst v63  }
0x21a: {  	_ =	swait.ge [sflag:s10], $0x3000  }
0x21b: {  	[sflag:s10] =	ssyncset.done $0x0  }
0x21c: {  	[sflag:s10] =	ssyncadd.s32 $0xFFFFD000  }
0x21d: {  	[tilespmem:s14], [sflag:$0x2] =	stream.indirect.gather [hbm4b:s4+s12], $0x80, s25, s12, $0xb8;
	[tilespmem:$0x1B800] =	vst v63  }
0x21e: {  	_ =	swait.ge [sflag:s15], $0x3000  }
0x21f: {  	[sflag:s15] =	ssyncset.done $0x0  }
0x220: {  	[sflag:s15] =	ssyncadd.s32 $0xFFFFD000  }
0x221: {  	[spmem:s2] =	stream.indirect.scatter.add.f32 [tilespmem:s13], [sflag:$0x3], $0x80, s26, s12, $0xb8;
	[tilespmem:$0x1B800] =	vst v63  }
0x222: {  	_ =	swait.ge [sflag:s10], $0x3000  }
0x223: {  	[sflag:s10] =	ssyncset.done $0x0  }
0x224: {  	[sflag:s10] =	ssyncadd.s32 $0xFFFFD000  }
0x225: {  	[tilespmem:s13], [sflag:$0x1] =	stream.indirect.gather [hbm4b:s4+s12], $0x80, s28, s12, $0xb8;
	[tilespmem:$0x1B800] =	vst v63  }
0x226: {  	_ =	swait.ge [sflag:s16], $0x3000  }
0x227: {  	[sflag:s16] =	ssyncset.done $0x0  }
0x228: {  	[sflag:s16] =	ssyncadd.s32 $0xFFFFD000  }
0x229: {  	[spmem:s2] =	stream.indirect.scatter.add.f32 [tilespmem:s14], [sflag:$0x3], $0x80, s29, s12, $0xb8;
	[tilespmem:$0x1B800] =	vst v63  }
0x22a: {  	_ =	swait.ge [sflag:s10], $0x3000  }
0x22b: {  	[sflag:s10] =	ssyncset.done $0x0  }
0x22c: {  	[sflag:s10] =	ssyncadd.s32 $0xFFFFD000  }
0x22d: {  	[tilespmem:s14], [sflag:$0x2] =	stream.indirect.gather [hbm4b:s4+s12], $0x80, s30, s12, $0xb8;
	[tilespmem:$0x1B800] =	vst v63  }
0x22e: {  	_ =	swait.ge [sflag:s15], $0x3000  }
0x22f: {  	[sflag:s15] =	ssyncset.done $0x0  }
0x230: {  	[sflag:s15] =	ssyncadd.s32 $0xFFFFD000  }
0x231: {  	[spmem:s2] =	stream.indirect.scatter.add.f32 [tilespmem:s13], [sflag:$0x3], $0x80, s31, s12, $0xb8;
	[tilespmem:$0x1B800] =	vst v63  }
0x232: {  	_ =	swait.ge [sflag:s10], $0x3000  }
0x233: {  	[sflag:s10] =	ssyncset.done $0x0  }
0x234: {  	[sflag:s10] =	ssyncadd.s32 $0xFFFFD000  }
0x235: {  	[tilespmem:s13], [sflag:$0x1] =	stream.indirect.gather [hbm4b:s4+s12], $0x80, s1, s12, $0xb8;
	[tilespmem:$0x1B800] =	vst v63  }
0x236: {  	_ =	swait.ge [sflag:s16], $0x3000  }
0x237: {  	[sflag:s16] =	ssyncset.done $0x0  }
0x238: {  	[sflag:s16] =	ssyncadd.s32 $0xFFFFD000  }
0x239: {  	[spmem:s2] =	stream.indirect.scatter.add.f32 [tilespmem:s14], [sflag:$0x3], $0x80, s0, s12, $0xb8;
	[tilespmem:$0x1B800] =	vst v63  }
0x23a: {  	_ =	swait.ge [sflag:s10], $0x3000  }
0x23b: {  	[sflag:s10] =	ssyncset.done $0x0  }
0x23c: {  	[sflag:s10] =	ssyncadd.s32 $0xFFFFD000  }
0x23d: {  	_ =	swait.ge [sflag:s15], $0x3000  }
0x23e: {  	[sflag:s15] =	ssyncset.done $0x0  }
0x23f: {  	[sflag:s15] =	ssyncadd.s32 $0xFFFFD000  }
0x240: {  	[spmem:s2] =	stream.indirect.scatter.add.f32 [tilespmem:s13], [sflag:$0x3], $0x80, s5, s12, $0xb8;
	[tilespmem:$0x1B800] =	vst v63  }
0x241: {  	_ =	swait.ge [sflag:s10], $0x3000  }
0x242: {  	[sflag:s10] =	ssyncset.done $0x0  }
0x243: {  	[sflag:s10] =	ssyncadd.s32 $0xFFFFD000  }
0x244: {  	[bflag:$0x0] =	sbarrier.arrive $0xFFFF  }
0x245: {  	s8 =	sld [smem:$0x7FD]  }
0x246: {  	s7 =	rddreg [dreg:$0x1e]  }
0x247: {  	s9 =	rddreg [dreg:$0x1f]  }
0x248: {  	[hbm:s9], [sflag:s7] =	dma.local [spmem:s8], $0x2800  }
0x249: {  	_ =	swait.ge [sflag:s10], $0x2800  }
0x24a: {  	s6 =	sld [smem:$0x7FB];
	_ =	sdelay $0x2  }
0x24b: {  	s9 =	sadd.s32 $0x1, s6;
	s6 =	sld [smem:$0x7FC];
	_ =	sdelay $0x2  }
0x24c: {  	p0 =	sne.s32 s9, s6  }
.Ltmp1:
0x24d: {  	_ = 	snop;
	(pc) =	sbr.rel @p0 .LBB2_1-.Ltmp1, $3  }
0x24e: {  	_ =	sdelay $0x1  }
0x24f: {  	[sflag:s10] =	ssyncset.done $0x0  }
0x250: {  	[sflag:s10] =	ssyncadd.s32 $0xFFFFD800  }
0x251: {  	_ =	sfence.sel $0x180000  }
0x252: {  	[bflag:$0x0] =	sbarrier.arrive $0xFFFF  }
0x253: {  	_ =	strace $0x9000004D  }
0x254: {  	s0 =	stileid.u32;
	[bflag:$0x2] =	sbarrier.arrive $0xFFFF  }
0x255: {  	p0 =	sne.s32 s0, $0x0;
	s0 =	rddreg [dreg:$0x3]  }
0x256: {  	s0 =	sadd.s32 @!p0 $0x100000, s0  }
0x257: {  	[sflag:s0] =	ssyncadd.tile.s32 @!p0 $0x1;
	_ =	shalt  }
.Lfunc_end2:
_tile_overlayer_lowered:
.L_overlay_start_2:
0x258: {  	(tag) =	ssettag $0x2  }
0x259: {  	s0 =	rddreg [dreg:$0x0];
	s2 =	stileid.u32  }
0x25a: {  	s1 =	rddreg [dreg:$0x1];
	p0 =	sne.s32 s2, $0x0  }
0x25b: {  	s3 =	rddreg [dreg:$0x2];
	[bflag:$0x3] =	sbarrier.arrive $0xFFFF;
	s2 =	simm.s32 @!p0 $0x1C03  }
0x25c: {  	[timem:s3], [sflag:s2] =	dma.local @!p0 [hbm:s0], s1  }
0x25d: {  	s0 =	simm.s32 @!p0 $0x3  }
0x25e: {  	_ =	swait.ge @!p0 [sflag:s0], s1  }
0x25f: {  	s1 =	ssub.s32 @!p0 $0x0, s1;
	[sflag:s0] =	ssyncset.done @!p0 $0x0  }
0x260: {  	[sflag:s0] =	ssyncadd.s32 @!p0 s1  }
0x261: {  	[bflag:$0x3] =	sbarrier.arrive $0xFFFF  }
0x262: {  	_ =	shalt  }

// kernel: kernel.7.cloned.1.call-start
scs
__scs_entry_jumppad:
0x0: {  	(pc) =	sbr.rel $0x88, $3  }
0x1: {  	(tag) =	ssettag $0x0;
	lr =	simm.s32 $0x1  }
0x2: {  	[smem:$0x3F97] =	sst lr;
	_ =	strace $0xD0000000  }
0x3: {  	_ = 	snop  }
0x4: {  	_ = 	snop  }
0x5: {  	_ = 	snop  }
0x6: {  	_ = 	snop  }
0x7: {  	_ = 	snop  }
__scs_overlays_trampoline_lowered:
0x8: {  	[smem:$0x3FA6] =	sst s0  }
0x9: {  	[smem:$0x3FA7] =	sst s1  }
0xa: {  	[smem:$0x3FA8] =	sst s2  }
0xb: {  	[smem:$0x3FA9] =	sst s3  }
0xc: {  	[smem:$0x3FAA] =	sst s4  }
0xd: {  	[smem:$0x3FAB] =	sst s5  }
0xe: {  	[smem:$0x3FAC] =	sst s6  }
0xf: {  	[smem:$0x3FAD] =	sst s7  }
0x10: {  	[smem:$0x3FAE] =	sst s8  }
0x11: {  	[smem:$0x3FAF] =	sst s9;
	s0 =	simm.s32 @!p0 $0x0  }
0x12: {  	s1 =	sld [smem:$0x3F95];
	s0 =	simm.s32 @p0 $0x1  }
0x13: {  	[smem:$0x3FB0] =	sst s0;
	s0 =	simm.s32 @!p1 $0x0  }
0x14: {  	s2 =	sld [smem:$0x3F94];
	s0 =	simm.s32 @p1 $0x1  }
0x15: {  	[smem:$0x3FB1] =	sst s0;
	s0 =	simm.s32 @!p2 $0x0  }
0x16: {  	s3 =	sld [smem:$0x3FDB];
	s0 =	simm.s32 @p2 $0x1  }
0x17: {  	s4 =	simm.s32 $0x1BF5;
	[smem:$0x3FB3] =	sst s0  }
0x18: {  	s0 =	sld [smem:$0x3F96];
	_ =	swait.ge [sflag:s4], $0x0  }
0x19: {  	s7 =	sld [smem:$0x3F97]  }
0x1a: {  	s8 =	sadd.s32 $0xFFFFE003, lr  }
0x1b: {  	s9 =	sadd.s32 $0xFFFFFEF7, lr;
	s5 =	simm.s32 $0xFFFFFFFF;
	p2 =	slt.u32 s8, $0xFFFFF086  }
0x1c: {  	p1 =	slt.u32 s9, $0xF7A;
	s5 =	simm.s32 @!p2 $0x0  }
0x1d: {  	s5 =	simm.s32 @p1 $0x1;
	p0 =	seq.s32 s7, s2  }
0x1e: {  	s7 =	smul.u32 @!p0 $0xF7A, s2;
	p2 =	seq.s32 @!p0 s5, $0x0  }
0x1f: {  	s9 =	smul.u32 $0xF7A, s1;
	s8 =	simm.s32 @!p0 $0x1BF5;
	p2 =	por !p2, p0  }
0x20: {  	[sflag:s8] =	ssyncset.s32 @!p0 $0xFFFFF086;
	s6 =	sadd.s32 @!p0 s3, s7;
	s7 =	simm.s32 @!p0 $0x108  }
0x21: {  	s3 =	sadd.s32 s3, s9;
	s6 =	sadd.s32 @!p0 $0x88, s6;
	s7 =	simm.s32 @p2 $0x1082  }
0x22: {  	[simem:s7], [sflag:s8] =	dma.local @!p0 [hbm:s6], $0xF7A  }
0x23: {  	s9 =	sor.u32 $0xD0000000, s2;
	s6 =	simm.s32 $0x108;
	_ =	swait.ge @!p0 [sflag:s8], $0x0  }
0x24: {  	s3 =	sadd.s32 $0x88, s3;
	s6 =	simm.s32 @!p1 $0x1082;
	[sflag:s4] =	ssyncset.s32 $0xFFFFF086  }
0x25: {  	[simem:s6], [sflag:s4] =	dma.local [hbm:s3], $0xF7A  }
0x26: {  	[smem:$0x3F97] =	sst s1;
	(tag) =	ssettag s2;
	_ =	strace s9  }
0x27: {  	s1 =	sld [smem:$0x3FA7]  }
0x28: {  	s2 =	sld [smem:$0x3FA8]  }
0x29: {  	s4 =	sld [smem:$0x3FAA]  }
0x2a: {  	p0 =	seq.s32 s5, $0x0;
	s5 =	sld [smem:$0x3FAB]  }
0x2b: {  	s6 =	sld [smem:$0x3FAC]  }
0x2c: {  	s7 =	sld [smem:$0x3FAD]  }
0x2d: {  	s3 =	simm.s32 $0x108;
	s8 =	sld [smem:$0x3FAE]  }
0x2e: {  	s3 =	simm.s32 @!p0 $0x1082;
	s9 =	sld [smem:$0x3FAF]  }
0x2f: {  	lr =	sadd.s32 s0, s3;
	s0 =	sld [smem:$0x3FA6]  }
0x30: {  	s3 =	sld [smem:$0x3FA9]  }
0x31: {  	[smem:$0x3FB2] =	sst s10  }
0x32: {  	s10 =	sld [smem:$0x3FB0];
	_ =	sdelay $0x3  }
0x33: {  	p0 =	seq.s32 s10, $0x1;
	s10 =	sld [smem:$0x3FB2];
	_ =	sdelay $0x3  }
0x34: {  	[smem:$0x3FB2] =	sst s10  }
0x35: {  	s10 =	sld [smem:$0x3FB1];
	_ =	sdelay $0x3  }
0x36: {  	p1 =	seq.s32 s10, $0x1;
	s10 =	sld [smem:$0x3FB2];
	_ =	sdelay $0x3  }
0x37: {  	[smem:$0x3FB2] =	sst s10  }
0x38: {  	s10 =	sld [smem:$0x3FB3]  }
0x39: {  	_ = 	snop;
	(pc) =	sbr.ind lr, $3  }
0x3a: {  	_ = 	snop  }
0x3b: {  	_ = 	snop  }
0x3c: {  	p2 =	seq.s32 s10, $0x1;
	s10 =	sld [smem:$0x3FB2]  }
0x3d: {  	_ =	shalt  }
0x3e: {  	_ =	shalt  }
0x3f: {  	_ =	shalt  }
0x40: {  	_ =	shalt  }
0x41: {  	_ =	shalt  }
0x42: {  	_ =	shalt  }
0x43: {  	_ =	shalt  }
0x44: {  	_ =	shalt  }
0x45: {  	_ =	shalt  }
0x46: {  	_ =	shalt  }
0x47: {  	_ =	shalt  }
0x48: {  	_ =	shalt  }
0x49: {  	_ =	shalt  }
0x4a: {  	_ =	shalt  }
0x4b: {  	_ =	shalt  }
0x4c: {  	_ =	shalt  }
0x4d: {  	_ =	shalt  }
0x4e: {  	_ =	shalt  }
0x4f: {  	_ =	shalt  }
0x50: {  	_ =	shalt  }
0x51: {  	_ =	shalt  }
0x52: {  	_ =	shalt  }
0x53: {  	_ =	shalt  }
0x54: {  	_ =	shalt  }
0x55: {  	_ =	shalt  }
0x56: {  	_ =	shalt  }
0x57: {  	_ =	shalt  }
0x58: {  	_ =	shalt  }
0x59: {  	_ =	shalt  }
0x5a: {  	_ =	shalt  }
0x5b: {  	_ =	shalt  }
0x5c: {  	_ =	shalt  }
0x5d: {  	_ =	shalt  }
0x5e: {  	_ =	shalt  }
0x5f: {  	_ =	shalt  }
0x60: {  	_ =	shalt  }
0x61: {  	_ =	shalt  }
0x62: {  	_ =	shalt  }
0x63: {  	_ =	shalt  }
0x64: {  	_ =	shalt  }
0x65: {  	_ =	shalt  }
0x66: {  	_ =	shalt  }
0x67: {  	_ =	shalt  }
0x68: {  	_ =	shalt  }
0x69: {  	_ =	shalt  }
0x6a: {  	_ =	shalt  }
0x6b: {  	_ =	shalt  }
0x6c: {  	_ =	shalt  }
0x6d: {  	_ =	shalt  }
0x6e: {  	_ =	shalt  }
0x6f: {  	_ =	shalt  }
0x70: {  	_ =	shalt  }
0x71: {  	_ =	shalt  }
0x72: {  	_ =	shalt  }
0x73: {  	_ =	shalt  }
0x74: {  	_ =	shalt  }
0x75: {  	_ =	shalt  }
0x76: {  	_ =	shalt  }
0x77: {  	_ =	shalt  }
0x78: {  	_ =	shalt  }
0x79: {  	_ =	shalt  }
0x7a: {  	_ =	shalt  }
0x7b: {  	_ =	shalt  }
0x7c: {  	_ =	shalt  }
0x7d: {  	_ =	shalt  }
0x7e: {  	_ =	shalt  }
0x7f: {  	_ =	shalt  }
0x80: {  	_ =	shalt  }
0x81: {  	_ =	shalt  }
0x82: {  	_ =	shalt  }
0x83: {  	_ =	shalt  }
0x84: {  	_ =	shalt  }
0x85: {  	_ =	shalt  }
0x86: {  	_ =	shalt  }
0x87: {  	_ =	shalt  }
.Lfunc_end0:
.L_simem_size_0:
called_computation_lowered:
.L_overlay_start_0:
0x88: {  	s2 =	sld [smem:$0x3FD9]  }
0x89: {  	s3 =	sld [smem:$0x3FFE];
	_ =	sdelay $0x1  }
0x8a: {  	s1 =	srdreg.scid  }
0x8b: {  	s0 =	sand.u32 $0x1, s1  }
0x8c: {  	s17 =	sshll.u32 s0, $0xA;
	s2 =	sadd.s32 s3, s2  }
0x8d: {  	s2 =	sadd.s32 s2, s17  }
0x8e: {  	[smem:$0x3FBE] =	sst s2  }
0x8f: {  	_ = 	snop  }
0x90: {  	s2 =	sld [smem:$0x3FD0];
	(tm) =	ssettm $0x1  }
0x91: {  	s18 =	sld [smem:$0x3FFB];
	_ =	sdelay $0x3  }
0x92: {  	_ =	strace s18  }
0x93: {  	s3 =	sld [smem:$0x3FFC];
	_ =	sdelay $0x3  }
0x94: {  	_ =	strace s3  }
0x95: {  	s3 =	sld [smem:$0x3FFD];
	_ =	sdelay $0x3  }
0x96: {  	_ =	strace s3  }
0x97: {  	_ =	strace $0x8FFFFFFF  }
0x98: {  	s19 =	sld [smem:$0x3FDB];
	_ =	sdelay $0x1  }
0x99: {  	s4 =	simm.s32 $_scs_section_size  }
0x9a: {  	s5 =	simm.s32 $_size__tile_overlayer_lowered;
	s6 =	simm.s32 $_tile_overlayer_lowered  }
0x9b: {  	s22 =	simm.s32 $0x1BFF;
	s21 =	sshll.u32 s6, $0x1;
	s3 =	sadd.s32 s4, s19  }
0x9c: {  	s7 =	simm.s32 $0x0;
	s20 =	sshll.u32 s5, $0x1;
	s5 =	sadd.s32 s21, s3  }
0x9d: {  	[timem:s7], [sflag:s22] =	dma.local [hbm:s5], s20  }
0x9e: {  	_ =	swait.ge [sflag:s22], s20  }
0x9f: {  	s4 =	ssub.s32 $0x0, s20;
	[sflag:s22] =	ssyncset.done $0x0  }
0xa0: {  	[sflag:s22] =	ssyncadd.s32 s4;
	_ =	sdelay $0x1  }
0xa1: {  	s23 =	simm.s32 $0x1B8B  }
0xa2: {  	_ =	swait.ge [sflag:s23], $0x1  }
0xa3: {  	[sflag:s23] =	ssyncset.done $0x0  }
0xa4: {  	s25 =	simm.s32 $0x1B8E;
	s24 =	sld [smem:$0x3FFE];
	[sflag:s23] =	ssyncadd.s32 $0xFFFFFFFF  }
0xa5: {  	s26 =	simm.s32 $execute0_lowered;
	[smem:$0x3FD2] =	sst s25  }
0xa6: {  	s5 =	sshll.u32 s26, $0x1;
	_ =	strace $0x80000046;
	[dreg:$0x1] =	wrdreg $0xFFFFFFFF  }
0xa7: {  	s28 =	simm.s32 $_size_execute0_lowered;
	s3 =	sadd.s32 s3, s5;
	[dreg:$0x0] =	wrdreg $0x0  }
0xa8: {  	s5 =	sshll.u32 s28, $0x1;
	[dreg:$0x2] =	wrdreg s3  }
0xa9: {  	[dreg:$0x3] =	wrdreg s5  }
0xaa: {  	[dreg:$0x4] =	wrdreg $0xC0  }
0xab: {  	_ =	task [dreg:s7], $0x5FFFF  }
0xac: {  	[dreg:$0x1] =	wrdreg $0xFFFFFFFF  }
0xad: {  	[dreg:$0x0] =	wrdreg $0x60  }
0xae: {  	[dreg:$0x2] =	wrdreg s24  }
0xaf: {  	[dreg:$0x3] =	wrdreg s2  }
0xb0: {  	[dreg:$0x4] =	wrdreg $0x48000  }
0xb1: {  	[dreg:$0x5] =	wrdreg $0x9  }
0xb2: {  	_ =	task.clear_ibuf [dreg:s7], $0x6FFFF;
	_ =	strace $0x90000046  }
0xb3: {  	s29 =	simm.s32 $0x9;
	_ =	strace $0x80000048  }
0xb4: {  	_ =	swait.ge [sflag:s29], $0x1  }
0xb5: {  	[sflag:s29] =	ssyncadd.s32 $0xFFFFFFFF  }
0xb6: {  	_ =	strace $0x90000048  }
0xb7: {  	_ =	sfence  }
0xb8: {  	s30 =	sld [smem:$0x0];
	_ =	sdelay $0x2  }
0xb9: {  	s31 =	sshll.u32 s1, $0xD;
	s1 =	sshrl.u32 s1, $0x2  }
0xba: {  	s3 =	sand.u32 $0x4000, s31;
	s1 =	sadd.s32 s1, s30  }
0xbb: {  	s0 =	sor.u32 s3, s0;
	s1 =	sshll.u32 s1, $0x11  }
0xbc: {  	s0 =	sor.u32 s1, s0  }
0xbd: {  	s0 =	sadd.s32 $0x8F2B, s0  }
0xbe: {  	[sflag:s0] =	ssyncadd.remote.s32 $0x1  }
0xbf: {  	_ =	sfence.sel $0xFFFF  }
0xc0: {  	[dreg:$0x0] =	wrdreg $0xFFFFFFFF;
	(pc) =	sbr.abs _section_cstart, $3  }
0xc1: {  	[dreg:$0x1] =	wrdreg $0xFFFFFFFF  }
0xc2: {  	_ =	task.clear_ibuf [dreg:s7], $0x2FFFF;
	_ =	strace $0x9FFFFFFF  }
0xc3: {  	(tm) =	ssettm $0x7FFFFFFF  }
tec
execute0_lowered:
.L_overlay_start_1:
0x0: {  	(tag) =	ssettag $0x1  }
0x1: {  	s5 =	rddreg [dreg:$0x0]  }
0x2: {  	s6 =	rddreg [dreg:$0x1]  }
0x3: {  	s2 =	rddreg [dreg:$0x2]  }
0x4: {  	s0 =	rddreg [dreg:$0x3]  }
0x5: {  	s3 =	simm.s32 $0x0;
	s1 =	stileid.u32;
	s4 =	srdreg.scid  }
0x6: {  	s14 =	simm.s32 $0x1;
	s15 =	simm.s32 $0x0;
	[smem:$0x7FF] =	sst s3  }
0x7: {  	s7 =	sand.u32 $0x1, s4;
	s8 =	smul.u32 $0x2800, s1;
	s29 =	sshll.u32 s1, $0xA  }
0x8: {  	s12 =	smul.u32 $0x50000, s1;
	s4 =	sadd.s32 $0xC000, s5;
	s31 =	sshll.u32 s1, $0x6  }
0x9: {  	_ =	strace $0x80000047;
	s9 =	smul.u32 $0x28000, s7;
	s11 =	ssub.s32 $0x2, s7  }
0xa: {  	s10 =	sadd.s32 s29, s5;
	s7 =	sshll.u32 s7, $0xE;
	s13 =	sshrl.u32 s11, $0x1  }
0xb: {  	s30 =	sshrl.u32 s12, $0x2;
	s7 =	sadd.s32 s7, s10;
	s9 =	sadd.s32 s8, s9  }
0xc: {  	s11 =	ssub.s32 s11, s13;
	s12 =	sadd.s32 s30, s2;
	s7 =	sadd.s32 $0x4000, s7  }
0xd: {  	s13 =	simm.s32 $0x50;
	s9 =	sadd.s32 s9, s5;
	s5 =	sadd.s32 s6, s8  }
0xe: {  	s6 =	sor.u32 $0x1C02, s31;
	s10 =	sshrl.u32 s12, $0x3;
	s12 =	simm.s32 $0x2000  }
0xf: {  	s8 =	sadd.s32 $0xC600, s9;
	s9 =	smax.u32 s11, $0x1;
	s11 =	simm.s32 $0x2  }
.LBB2_1:
0x10: {  	[spmem:s10], [sflag:s6] =	dma.local [hbm:s5], $0x2800  }
0x11: {  	_ =	swait.ge [sflag:s11], $0x2800  }
0x12: {  	[sflag:s11] =	ssyncset.done $0x0  }
0x13: {  	[sflag:s11] =	ssyncadd.s32 $0xFFFFD800  }
0x14: {  	[tilespmem:s3], [sflag:$0x2] =	stream.linear.gather [hbm4b:s7+s3], $0x1F80, $0x38;
	[tilespmem:$0x18800] =	vst v63  }
0x15: {  	_ =	swait.ge [sflag:s11], $0x1F80  }
0x16: {  	[sflag:s11] =	ssyncset.done $0x0  }
0x17: {  	[sflag:s11] =	ssyncadd.s32 $0xFFFFE080  }
0x18: {  	[tilespmem:s12], [sflag:$0x2] =	stream.linear.gather [hbm4b:s4+s3], $0x2800, $0x38;
	[tilespmem:$0x18800] =	vst v63  }
0x19: {  	_ =	swait.ge [sflag:s11], $0x2800  }
0x1a: {  	[sflag:s11] =	ssyncset.done $0x0  }
0x1b: {  	[sflag:s11] =	ssyncadd.s32 $0xFFFFD800  }
0x1c: {  	s16 =	simm.s32 $0x0;
	[bflag:$0x0] =	sbarrier.arrive $0xFFFF  }
0x1d: {  	[spmem:s2] =	stream.indirect.scatter.add.f32 [tilespmem:s12], [sflag:$0x1], $0x80, s16, s13, $0xb8;
	[tilespmem:$0x18800] =	vst v63  }
0x1e: {  	s25 =	simm.s32 $0x80  }
0x1f: {  	[spmem:s2] =	stream.indirect.scatter.add.f32 [tilespmem:s12], [sflag:$0x1], $0x80, s25, s13, $0xb8;
	[tilespmem:$0x18800] =	vst v63  }
0x20: {  	s26 =	simm.s32 $0x100  }
0x21: {  	[spmem:s2] =	stream.indirect.scatter.add.f32 [tilespmem:s12], [sflag:$0x1], $0x80, s26, s13, $0xb8;
	[tilespmem:$0x18800] =	vst v63  }
0x22: {  	s28 =	simm.s32 $0x180  }
0x23: {  	[spmem:s2] =	stream.indirect.scatter.add.f32 [tilespmem:s12], [sflag:$0x1], $0x80, s28, s13, $0xb8;
	[tilespmem:$0x18800] =	vst v63  }
0x24: {  	s29 =	simm.s32 $0x200  }
0x25: {  	[spmem:s2] =	stream.indirect.scatter.add.f32 [tilespmem:s12], [sflag:$0x1], $0x80, s29, s13, $0xb8;
	[tilespmem:$0x18800] =	vst v63  }
0x26: {  	s30 =	simm.s32 $0x280  }
0x27: {  	[spmem:s2] =	stream.indirect.scatter.add.f32 [tilespmem:s12], [sflag:$0x1], $0x80, s30, s13, $0xb8;
	[tilespmem:$0x18800] =	vst v63  }
0x28: {  	s31 =	simm.s32 $0x300  }
0x29: {  	[spmem:s2] =	stream.indirect.scatter.add.f32 [tilespmem:s12], [sflag:$0x1], $0x80, s31, s13, $0xb8;
	[tilespmem:$0x18800] =	vst v63  }
0x2a: {  	_ =	swait.ge [sflag:s14], $0x2800  }
0x2b: {  	[sflag:s14] =	ssyncset.done $0x0  }
0x2c: {  	[sflag:s14] =	ssyncadd.s32 $0xFFFFD800  }
0x2d: {  	_ =	swait.ge [sflag:s14], $0x2800  }
0x2e: {  	[sflag:s14] =	ssyncset.done $0x0  }
0x2f: {  	[sflag:s14] =	ssyncadd.s32 $0xFFFFD800  }
0x30: {  	_ =	swait.ge [sflag:s14], $0x2800  }
0x31: {  	[sflag:s14] =	ssyncset.done $0x0  }
0x32: {  	[sflag:s14] =	ssyncadd.s32 $0xFFFFD800  }
0x33: {  	_ =	swait.ge [sflag:s14], $0x2800  }
0x34: {  	[sflag:s14] =	ssyncset.done $0x0  }
0x35: {  	[sflag:s14] =	ssyncadd.s32 $0xFFFFD800  }
0x36: {  	_ =	swait.ge [sflag:s14], $0x2800  }
0x37: {  	[sflag:s14] =	ssyncset.done $0x0  }
0x38: {  	[sflag:s14] =	ssyncadd.s32 $0xFFFFD800  }
0x39: {  	_ =	swait.ge [sflag:s14], $0x2800  }
0x3a: {  	[sflag:s14] =	ssyncset.done $0x0  }
0x3b: {  	[sflag:s14] =	ssyncadd.s32 $0xFFFFD800  }
0x3c: {  	_ =	swait.ge [sflag:s14], $0x2800  }
0x3d: {  	s18 =	simm.s32 $0x1C00;
	s16 =	simm.s32 $0xE00;
	[sflag:s14] =	ssyncset.done $0x0  }
.LBB2_2:
0x3e: {  	s19 =	sshra.s32 s16, $0x2  }
0x3f: {  	[sflag:s14] =	ssyncadd.s32 $0xFFFFD800;
	s16 =	smov.u32 s18;
	s17 =	sadd.s32 $0xE00, s18  }
0x40: {  	[spmem:s2] =	stream.indirect.scatter.add.f32 [tilespmem:s12], [sflag:$0x1], $0x80, s19, s13, $0xb8;
	[tilespmem:$0x18800] =	vst v63  }
0x41: {  	p0 =	sne.s32 s18, $0x7000;
	s18 =	sadd.s32 $0x80, s19  }
0x42: {  	[spmem:s2] =	stream.indirect.scatter.add.f32 [tilespmem:s12], [sflag:$0x1], $0x80, s18, s13, $0xb8;
	[tilespmem:$0x18800] =	vst v63  }
0x43: {  	s18 =	sadd.s32 $0x100, s19  }
0x44: {  	[spmem:s2] =	stream.indirect.scatter.add.f32 [tilespmem:s12], [sflag:$0x1], $0x80, s18, s13, $0xb8;
	[tilespmem:$0x18800] =	vst v63  }
0x45: {  	s18 =	sadd.s32 $0x180, s19  }
0x46: {  	[spmem:s2] =	stream.indirect.scatter.add.f32 [tilespmem:s12], [sflag:$0x1], $0x80, s18, s13, $0xb8;
	[tilespmem:$0x18800] =	vst v63  }
0x47: {  	s18 =	sadd.s32 $0x200, s19  }
0x48: {  	[spmem:s2] =	stream.indirect.scatter.add.f32 [tilespmem:s12], [sflag:$0x1], $0x80, s18, s13, $0xb8;
	[tilespmem:$0x18800] =	vst v63  }
0x49: {  	s18 =	sadd.s32 $0x280, s19  }
0x4a: {  	[spmem:s2] =	stream.indirect.scatter.add.f32 [tilespmem:s12], [sflag:$0x1], $0x80, s18, s13, $0xb8;
	[tilespmem:$0x18800] =	vst v63  }
0x4b: {  	s18 =	sadd.s32 $0x300, s19  }
0x4c: {  	[spmem:s2] =	stream.indirect.scatter.add.f32 [tilespmem:s12], [sflag:$0x1], $0x80, s18, s13, $0xb8;
	[tilespmem:$0x18800] =	vst v63  }
0x4d: {  	_ =	swait.ge [sflag:s14], $0x2800  }
0x4e: {  	[sflag:s14] =	ssyncset.done $0x0  }
0x4f: {  	[sflag:s14] =	ssyncadd.s32 $0xFFFFD800  }
0x50: {  	_ =	swait.ge [sflag:s14], $0x2800  }
0x51: {  	[sflag:s14] =	ssyncset.done $0x0  }
0x52: {  	[sflag:s14] =	ssyncadd.s32 $0xFFFFD800  }
0x53: {  	_ =	swait.ge [sflag:s14], $0x2800  }
0x54: {  	[sflag:s14] =	ssyncset.done $0x0  }
0x55: {  	[sflag:s14] =	ssyncadd.s32 $0xFFFFD800  }
0x56: {  	_ =	swait.ge [sflag:s14], $0x2800  }
0x57: {  	[sflag:s14] =	ssyncset.done $0x0  }
0x58: {  	[sflag:s14] =	ssyncadd.s32 $0xFFFFD800  }
0x59: {  	_ =	swait.ge [sflag:s14], $0x2800  }
0x5a: {  	[sflag:s14] =	ssyncset.done $0x0  }
0x5b: {  	[sflag:s14] =	ssyncadd.s32 $0xFFFFD800  }
.Ltmp0:
0x5c: {  	_ =	swait.ge [sflag:s14], $0x2800;
	(pc) =	sbr.rel @p0 .LBB2_2-.Ltmp0, $4  }
0x5d: {  	[sflag:s14] =	ssyncset.done $0x0  }
0x5e: {  	[sflag:s14] =	ssyncadd.s32 $0xFFFFD800  }
0x5f: {  	_ =	swait.ge [sflag:s14], $0x2800  }
0x60: {  	s18 =	smov.u32 s17;
	[sflag:s14] =	ssyncset.done $0x0  }
0x61: {  	s16 =	sshra.s32 s16, $0x2;
	[sflag:s14] =	ssyncadd.s32 $0xFFFFD800  }
0x62: {  	[spmem:s2] =	stream.indirect.scatter.add.f32 [tilespmem:s12], [sflag:$0x1], $0x80, s16, s13, $0xb8;
	[tilespmem:$0x18800] =	vst v63  }
0x63: {  	s17 =	sadd.s32 $0x80, s16  }
0x64: {  	[spmem:s2] =	stream.indirect.scatter.add.f32 [tilespmem:s12], [sflag:$0x1], $0x80, s17, s13, $0xb8;
	[tilespmem:$0x18800] =	vst v63  }
0x65: {  	s28 =	sadd.s32 $0x100, s16  }
0x66: {  	[spmem:s2] =	stream.indirect.scatter.add.f32 [tilespmem:s12], [sflag:$0x1], $0x80, s28, s13, $0xb8;
	[tilespmem:$0x18800] =	vst v63  }
0x67: {  	s29 =	sadd.s32 $0x180, s16  }
0x68: {  	[spmem:s2] =	stream.indirect.scatter.add.f32 [tilespmem:s12], [sflag:$0x1], $0x80, s29, s13, $0xb8;
	[tilespmem:$0x18800] =	vst v63  }
0x69: {  	s30 =	sadd.s32 $0x200, s16  }
0x6a: {  	[spmem:s2] =	stream.indirect.scatter.add.f32 [tilespmem:s12], [sflag:$0x1], $0x80, s30, s13, $0xb8;
	[tilespmem:$0x18800] =	vst v63  }
0x6b: {  	s31 =	sadd.s32 $0x280, s16  }
0x6c: {  	[spmem:s2] =	stream.indirect.scatter.add.f32 [tilespmem:s12], [sflag:$0x1], $0x80, s31, s13, $0xb8;
	[tilespmem:$0x18800] =	vst v63  }
0x6d: {  	s16 =	sadd.s32 $0x300, s16  }
0x6e: {  	[spmem:s2] =	stream.indirect.scatter.add.f32 [tilespmem:s12], [sflag:$0x1], $0x80, s16, s13, $0xb8;
	[tilespmem:$0x18800] =	vst v63  }
0x6f: {  	_ =	swait.ge [sflag:s14], $0x2800  }
0x70: {  	[sflag:s14] =	ssyncset.done $0x0  }
0x71: {  	[sflag:s14] =	ssyncadd.s32 $0xFFFFD800  }
0x72: {  	_ =	swait.ge [sflag:s14], $0x2800  }
0x73: {  	[sflag:s14] =	ssyncset.done $0x0  }
0x74: {  	[sflag:s14] =	ssyncadd.s32 $0xFFFFD800  }
0x75: {  	_ =	swait.ge [sflag:s14], $0x2800  }
0x76: {  	[sflag:s14] =	ssyncset.done $0x0  }
0x77: {  	[sflag:s14] =	ssyncadd.s32 $0xFFFFD800  }
0x78: {  	_ =	swait.ge [sflag:s14], $0x2800  }
0x79: {  	[sflag:s14] =	ssyncset.done $0x0  }
0x7a: {  	[sflag:s14] =	ssyncadd.s32 $0xFFFFD800  }
0x7b: {  	_ =	swait.ge [sflag:s14], $0x2800  }
0x7c: {  	[sflag:s14] =	ssyncset.done $0x0  }
0x7d: {  	[sflag:s14] =	ssyncadd.s32 $0xFFFFD800  }
0x7e: {  	_ =	swait.ge [sflag:s14], $0x2800  }
0x7f: {  	[sflag:s14] =	ssyncset.done $0x0  }
0x80: {  	[sflag:s14] =	ssyncadd.s32 $0xFFFFD800  }
0x81: {  	_ =	swait.ge [sflag:s14], $0x2800  }
0x82: {  	s15 =	sadd.s32 $0x1, s15;
	[sflag:s14] =	ssyncset.done $0x0  }
0x83: {  	p0 =	sne.s32 s15, s9;
	[sflag:s14] =	ssyncadd.s32 $0xFFFFD800  }
.Ltmp1:
0x84: {  	[bflag:$0x0] =	sbarrier.arrive $0xFFFF;
	(pc) =	sbr.rel @p0 .LBB2_1-.Ltmp1, $4  }
0x85: {  	[hbm:s8], [sflag:s6] =	dma.local [spmem:s10], $0x2800  }
0x86: {  	_ =	swait.ge [sflag:s11], $0x2800  }
0x87: {  	[sflag:s11] =	ssyncset.done $0x0  }
0x88: {  	[sflag:s11] =	ssyncadd.s32 $0xFFFFD800  }
0x89: {  	_ =	sfence.sel $0x180000  }
0x8a: {  	[bflag:$0x0] =	sbarrier.arrive $0xFFFF  }
0x8b: {  	p0 =	sne.s32 s1, $0x0;
	_ =	strace $0x90000047  }
0x8c: {  	s0 =	sadd.s32 @!p0 $0x100000, s0;
	[bflag:$0x2] =	sbarrier.arrive $0xFFFF  }
0x8d: {  	[sflag:s0] =	ssyncadd.tile.s32 @!p0 $0x1;
	_ =	shalt  }
.Lfunc_end2:
_tile_overlayer_lowered:
.L_overlay_start_2:
0x8e: {  	(tag) =	ssettag $0x2  }
0x8f: {  	s0 =	rddreg [dreg:$0x0];
	s2 =	stileid.u32  }
0x90: {  	s1 =	rddreg [dreg:$0x1];
	p0 =	sne.s32 s2, $0x0  }
0x91: {  	s3 =	rddreg [dreg:$0x2];
	[bflag:$0x3] =	sbarrier.arrive $0xFFFF;
	s2 =	simm.s32 @!p0 $0x1C02  }
0x92: {  	[timem:s3], [sflag:s2] =	dma.local @!p0 [hbm:s0], s1  }
0x93: {  	s0 =	simm.s32 @!p0 $0x2  }
0x94: {  	_ =	swait.ge @!p0 [sflag:s0], s1  }
0x95: {  	s1 =	ssub.s32 @!p0 $0x0, s1;
	[sflag:s0] =	ssyncset.done @!p0 $0x0  }
0x96: {  	[sflag:s0] =	ssyncadd.s32 @!p0 s1  }
0x97: {  	[bflag:$0x3] =	sbarrier.arrive $0xFFFF  }
0x98: {  	_ =	shalt  }

</sc_bundles>
